<compile_context>
chip_gen: v7x
topology: tpu7x:2x2x1
jax: 0.10.2.dev20260603
libtpu: 0.0.44.dev20260713+nightly
codegen_flags: <defaults>
</compile_context>

<pallas_src>
import functools

import jax
import jax.numpy as jnp
from jax import lax
from jax.experimental import pallas as pl
from jax.experimental.pallas import tpu as pltpu
from jax.experimental.pallas import tpu_sc as plsc

CH = 256
GRP = 4
NW = 32
NUM_GRAPHS = 128
HID = 64
OUT = 128
BN = 2000
IN_DIM = 4
DUP = 8


def _sc_agg_call(N, NG):
    per = NG // NW
    rem = NG - per * NW
    rps = ((N + 15) // 16 + 7) // 8 * 8
    rps_last = N - 15 * rps

    mesh = plsc.VectorSubcoreMesh(core_axis_name="c", subcore_axis_name="s")
    NC = 2

    @functools.partial(
        pl.kernel,
        mesh=mesh,
        compiler_params=pltpu.CompilerParams(use_tc_tiling_on_sc=False),
        out_type=(
            jax.ShapeDtypeStruct((N, DUP), jnp.float32),
            jax.ShapeDtypeStruct((N, DUP), jnp.float32),
        ),
        scratch_types=(
            pltpu.VMEM_SHARED((N, DUP), jnp.float32),
            pltpu.VMEM_SHARED((N, DUP), jnp.float32),
            pltpu.VMEM((2, GRP, CH), jnp.int32),
            pltpu.VMEM((2, GRP, CH), jnp.int32),
            pltpu.VMEM((2, GRP, CH, DUP), jnp.float32),
            pltpu.SemaphoreType.DMA,
            pltpu.SemaphoreType.DMA,
            pltpu.SemaphoreType.DMA,
        ),
    )
    def agg(x_hbm, src_hbm, dst_hbm, out0_hbm, out1_hbm,
            x_sh, acc_sh, idx_s, idx_d, rows, gsem, ssem, isem):
        c = lax.axis_index("c")
        s = lax.axis_index("s")
        w = s * NC + c
        r0 = s * rps

        @pl.when(s < 15)
        def _():
            pltpu.sync_copy(x_hbm.at[pl.ds(r0, rps)], x_sh.at[pl.ds(r0, rps)])
            pltpu.sync_copy(x_hbm.at[pl.ds(r0, rps)], acc_sh.at[pl.ds(r0, rps)])

        @pl.when(s == 15)
        def _():
            pltpu.sync_copy(x_hbm.at[pl.ds(15 * rps, rps_last)],
                            x_sh.at[pl.ds(15 * rps, rps_last)])
            pltpu.sync_copy(x_hbm.at[pl.ds(15 * rps, rps_last)],
                            acc_sh.at[pl.ds(15 * rps, rps_last)])

        plsc.subcore_barrier()

        def load_idx(g, b):
            return (pltpu.async_copy(src_hbm.at[g], idx_s.at[b], isem),
                    pltpu.async_copy(dst_hbm.at[g], idx_d.at[b], isem))

        def fire_gathers(b):
            return [pltpu.async_copy(x_hbm.at[idx_s.at[b, j]], rows.at[b, j],
                                     gsem)
                    for j in range(GRP)]

        def fire_scatters(b):
            return [pltpu.async_copy(rows.at[b, j], acc_sh.at[idx_d.at[b, j]],
                                     ssem, add=True)
                    for j in range(GRP)]

        def pair(g0):
            l0 = load_idx(g0, 0)
            l1 = load_idx(g0 + 1, 1)
            for d in l0:
                d.wait()
            gd0 = fire_gathers(0)
            for d in gd0:
                d.wait()
            sd0 = fire_scatters(0)
            for d in l1:
                d.wait()
            gd1 = fire_gathers(1)
            for d in gd1:
                d.wait()
            for d in sd0:
                d.wait()
            sd1 = fire_scatters(1)
            for d in sd1:
                d.wait()

        def single(g):
            l0 = load_idx(g, 0)
            for d in l0:
                d.wait()
            gd = fire_gathers(0)
            for d in gd:
                d.wait()
            sd = fire_scatters(0)
            for d in sd:
                d.wait()

        base = w * per

        def loop_body(i, carry):
            pair(base + 2 * i)
            return carry

        lax.fori_loop(0, per // 2, loop_body, 0)
        if per % 2:
            single(base + per - 1)
        if rem:
            @pl.when(w < rem)
            def _():
                single(NW * per + w)

        plsc.subcore_barrier()

        def writeout(out_hbm):
            @pl.when(s < 15)
            def _():
                pltpu.sync_copy(acc_sh.at[pl.ds(r0, rps)],
                                out_hbm.at[pl.ds(r0, rps)])

            @pl.when(s == 15)
            def _():
                pltpu.sync_copy(acc_sh.at[pl.ds(15 * rps, rps_last)],
                                out_hbm.at[pl.ds(15 * rps, rps_last)])

        @pl.when(c == 0)
        def _():
            writeout(out0_hbm)

        @pl.when(c == 1)
        def _():
            writeout(out1_hbm)

    return agg


def _tc_mlp_call(N):
    NB = N // BN

    def body(p0_ref, p1_ref, x_ref, bat_ref, W1_ref, b1_ref, W2_ref, b2_ref,
             W3_ref, b3_ref, out_ref, acc_h, acc_c):
        i = pl.program_id(0)

        @pl.when(i == 0)
        def _():
            acc_h[...] = jnp.zeros_like(acc_h)
            acc_c[...] = jnp.zeros_like(acc_c)

        z = p0_ref[:, :IN_DIM] + p1_ref[:, :IN_DIM] - x_ref[...]
        h = jnp.maximum(z @ W1_ref[...] + b1_ref[...], 0.0)
        h = h @ W2_ref[...] + b2_ref[...]
        bb = bat_ref[0, 0, :]
        onehot = (bb[:, None] == lax.broadcasted_iota(
            jnp.int32, (BN, NUM_GRAPHS), 1)).astype(jnp.float32)
        acc_h[...] += lax.dot_general(onehot, h, (((0,), (0,)), ((), ())))
        acc_c[...] += lax.dot_general(
            onehot, jnp.ones((BN, 1), jnp.float32), (((0,), (0,)), ((), ())))

        @pl.when(i == NB - 1)
        def _():
            pooled = acc_h[...] / jnp.maximum(acc_c[...], 1.0)
            out_ref[...] = pooled @ W3_ref[...] + b3_ref[...]

    grid = (NB,)
    full = lambda shape: pl.BlockSpec(shape, lambda i: (0,) * len(shape))
    blocked = lambda shape: pl.BlockSpec(shape, lambda i: (i,) + (0,) * (len(shape) - 1))
    return pl.pallas_call(
        body,
        grid=grid,
        in_specs=[
            blocked((BN, DUP)),
            blocked((BN, DUP)),
            blocked((BN, IN_DIM)),
            blocked((1, 1, BN)),
            full((IN_DIM, HID)),
            full((1, HID)),
            full((HID, HID)),
            full((1, HID)),
            full((HID, OUT)),
            full((1, OUT)),
        ],
        out_specs=full((NUM_GRAPHS, OUT)),
        out_shape=jax.ShapeDtypeStruct((NUM_GRAPHS, OUT), jnp.float32),
        scratch_shapes=[
            pltpu.VMEM((NUM_GRAPHS, HID), jnp.float32),
            pltpu.VMEM((NUM_GRAPHS, 1), jnp.float32),
        ],
    )


def kernel(x, edge_index, batch, W1, b1, W2, b2, W3, b3):
    N = x.shape[0]
    E = edge_index.shape[1]
    NG = E // (GRP * CH)
    xd = jnp.concatenate([x, x], axis=1)
    src3 = edge_index[0].reshape(NG, GRP, CH)
    dst3 = edge_index[1].reshape(NG, GRP, CH)
    p0, p1 = _sc_agg_call(N, NG)(xd, src3, dst3)
    out = _tc_mlp_call(N)(
        p0, p1, x, batch.reshape(N // BN, 1, BN),
        W1, b1.reshape(1, HID), W2, b2.reshape(1, HID),
        W3, b3.reshape(1, OUT))
    return out

# --- scband reference (transcript-rebuilt; emitter-appended) ---
"""Pipeline reference for scband-graph-encoder-8297876816596 (READ-ONLY COPY).

The authoritative reference and input builder live on the scoring server;
editing this copy changes nothing except your own understanding.
"""

import jax, jax.numpy as jnp
import numpy as np

N = 100000
E = 6400000
IN_DIM = 4
HID = 64
OUT = 128
NUM_GRAPHS = 128


def setup_inputs(seed: int = 0) -> dict:
    key = jax.random.key(seed)
    ks = jax.random.split(key, 9)
    x = jax.random.normal(ks[0], (N, IN_DIM), dtype=jnp.float32)
    edge_index = jax.random.randint(ks[1], (2, E), 0, N, dtype=jnp.int32)
    batch = jnp.sort(jax.random.randint(ks[2], (N,), 0, NUM_GRAPHS, dtype=jnp.int32))
    # GIN MLP params: Linear(in, hid) -> ReLU -> Linear(hid, hid)
    W1 = jax.random.normal(ks[3], (IN_DIM, HID), dtype=jnp.float32) * (1.0 / np.sqrt(IN_DIM))
    b1 = jnp.zeros((HID,), dtype=jnp.float32)
    W2 = jax.random.normal(ks[4], (HID, HID), dtype=jnp.float32) * (1.0 / np.sqrt(HID))
    b2 = jnp.zeros((HID,), dtype=jnp.float32)
    # final projection Linear(hid, out)
    W3 = jax.random.normal(ks[5], (HID, OUT), dtype=jnp.float32) * (1.0 / np.sqrt(HID))
    b3 = jnp.zeros((OUT,), dtype=jnp.float32)
    return {"x": x, "edge_index": edge_index, "batch": batch,
            "W1": W1, "b1": b1, "W2": W2, "b2": b2, "W3": W3, "b3": b3}


def reference(x, edge_index, batch, W1, b1, W2, b2, W3, b3):
    # GINConv (eps=0, train_eps=False): out_i = MLP((1+eps)*x_i + sum_{j in N(i)} x_j)
    src = edge_index[0]
    dst = edge_index[1]
    msgs = jnp.take(x, src, axis=0)
    agg = jax.ops.segment_sum(msgs, dst, num_segments=N)
    z = x + agg  # eps = 0
    h = jnp.maximum(z @ W1 + b1, 0.0) @ W2 + b2
    # global_mean_pool over graph ids
    sums = jax.ops.segment_sum(h, batch, num_segments=NUM_GRAPHS)
    counts = jax.ops.segment_sum(jnp.ones((N, 1), dtype=h.dtype), batch, num_segments=NUM_GRAPHS)
    pooled = sums / jnp.clip(counts, 1.0, None)
    return pooled @ W3 + b3

if __name__ == "__main__":
    import jax
    _d = setup_inputs()
    print(jax.jit(kernel)(*tuple(_d.values())))

</pallas_src>

<mosaic_0001>
#map = affine_map<(d0, d1) -> (0, 0)>
#map1 = affine_map<(d0, d1) -> (0, 0, 0)>
module attributes {stable_mosaic.version = 14 : i64} {
  func.func @agg(%arg0: i32, %arg1: i32, %arg2: memref<100000x8xf32, #tpu.memory_space<hbm>>, %arg3: memref<6250x4x256xi32, #tpu.memory_space<hbm>>, %arg4: memref<6250x4x256xi32, #tpu.memory_space<hbm>>, %arg5: memref<100000x8xf32, #tpu.memory_space<hbm>>, %arg6: memref<100000x8xf32, #tpu.memory_space<hbm>>, %arg7: memref<100000x8xf32, #tpu.memory_space<vmem_shared>>, %arg8: memref<100000x8xf32, #tpu.memory_space<vmem_shared>>, %arg9: memref<2x4x256xi32, #tpu.memory_space<vmem>>, %arg10: memref<2x4x256xi32, #tpu.memory_space<vmem>>, %arg11: memref<2x4x256x8xf32, #tpu.memory_space<vmem>>, %arg12: memref<!tpu.dma_semaphore, #tpu.memory_space<semaphore_mem>>, %arg13: memref<!tpu.dma_semaphore, #tpu.memory_space<semaphore_mem>>, %arg14: memref<!tpu.dma_semaphore, #tpu.memory_space<semaphore_mem>>) attributes {dimension_semantics = [#tpu.dimension_semantics<core_parallel>, #tpu.dimension_semantics<subcore_parallel>], iteration_bounds = array<i64: 2, 16>, scalar_prefetch = 0 : i64, scratch_operands = 8 : i64, tpu.core_type = #tpu.core_type<sc_vector_subcore>, window_params = [{transform_indices = #map}, {transform_indices = #map1}, {transform_indices = #map1}, {transform_indices = #map}, {transform_indices = #map}]} {
    %mul3A = arith.constant 2 : i32
    %mul3A_0 = arith.muli %arg1, %mul3A : i32
    %add3A = arith.addi %mul3A_0, %arg0 : i32
    %mul3A_1 = arith.constant 6256 : i32
    %mul3A_2 = arith.muli %arg1, %mul3A_1 : i32
    %lt3A = arith.constant 15 : i32
    %lt3A_3 = arith.cmpi slt, %arg1, %lt3A : i32
    %convert_element_type3A = arith.extui %lt3A_3 : i1 to i32
    %cond3A = arith.constant 0 : i32
    %cond3A_4 = arith.cmpi ne, %convert_element_type3A, %cond3A : i32
    scf.if %cond3A_4 {
      "tpu.region"() ({
        %run_scoped3A = tpu.sem_alloc : memref<!tpu.dma_semaphore, #tpu.memory_space<semaphore_mem>>
        %dma_start3A_325 = arith.constant 0 : i32
        %dma_start3A_326 = tpu.memref_slice %arg7[%mul3A_2, %dma_start3A_325] : memref<100000x8xf32, #tpu.memory_space<vmem_shared>> -> memref<6256x8xf32, #tpu.memory_space<vmem_shared>>
        %dma_start3A_327 = arith.constant 0 : i32
        %dma_start3A_328 = tpu.memref_slice %arg2[%mul3A_2, %dma_start3A_327] : memref<100000x8xf32, #tpu.memory_space<hbm>> -> memref<6256x8xf32, #tpu.memory_space<hbm>>
        tpu.enqueue_dma source(%dma_start3A_328 : memref<6256x8xf32, #tpu.memory_space<hbm>>) target(%dma_start3A_326 : memref<6256x8xf32, #tpu.memory_space<vmem_shared>>) target_semaphore(%run_scoped3A : memref<!tpu.dma_semaphore, #tpu.memory_space<semaphore_mem>>)
        %dma_wait3A_329 = arith.constant 0 : i32
        %dma_wait3A_330 = tpu.memref_slice %arg7[%mul3A_2, %dma_wait3A_329] : memref<100000x8xf32, #tpu.memory_space<vmem_shared>> -> memref<6256x8xf32, #tpu.memory_space<vmem_shared>>
        %dma_wait3A_331 = arith.constant 0 : i32
        %dma_wait3A_332 = tpu.memref_slice %arg2[%mul3A_2, %dma_wait3A_331] : memref<100000x8xf32, #tpu.memory_space<hbm>> -> memref<6256x8xf32, #tpu.memory_space<hbm>>
        tpu.wait_dma2 semaphore(%run_scoped3A : memref<!tpu.dma_semaphore, #tpu.memory_space<semaphore_mem>>) src(%dma_wait3A_332 : memref<6256x8xf32, #tpu.memory_space<hbm>>) dst(%dma_wait3A_330 : memref<6256x8xf32, #tpu.memory_space<vmem_shared>>)
        tpu.yield
      }) : () -> ()
      "tpu.region"() ({
        %run_scoped3A = tpu.sem_alloc : memref<!tpu.dma_semaphore, #tpu.memory_space<semaphore_mem>>
        %dma_start3A_325 = arith.constant 0 : i32
        %dma_start3A_326 = tpu.memref_slice %arg8[%mul3A_2, %dma_start3A_325] : memref<100000x8xf32, #tpu.memory_space<vmem_shared>> -> memref<6256x8xf32, #tpu.memory_space<vmem_shared>>
        %dma_start3A_327 = arith.constant 0 : i32
        %dma_start3A_328 = tpu.memref_slice %arg2[%mul3A_2, %dma_start3A_327] : memref<100000x8xf32, #tpu.memory_space<hbm>> -> memref<6256x8xf32, #tpu.memory_space<hbm>>
        tpu.enqueue_dma source(%dma_start3A_328 : memref<6256x8xf32, #tpu.memory_space<hbm>>) target(%dma_start3A_326 : memref<6256x8xf32, #tpu.memory_space<vmem_shared>>) target_semaphore(%run_scoped3A : memref<!tpu.dma_semaphore, #tpu.memory_space<semaphore_mem>>)
        %dma_wait3A_329 = arith.constant 0 : i32
        %dma_wait3A_330 = tpu.memref_slice %arg8[%mul3A_2, %dma_wait3A_329] : memref<100000x8xf32, #tpu.memory_space<vmem_shared>> -> memref<6256x8xf32, #tpu.memory_space<vmem_shared>>
        %dma_wait3A_331 = arith.constant 0 : i32
        %dma_wait3A_332 = tpu.memref_slice %arg2[%mul3A_2, %dma_wait3A_331] : memref<100000x8xf32, #tpu.memory_space<hbm>> -> memref<6256x8xf32, #tpu.memory_space<hbm>>
        tpu.wait_dma2 semaphore(%run_scoped3A : memref<!tpu.dma_semaphore, #tpu.memory_space<semaphore_mem>>) src(%dma_wait3A_332 : memref<6256x8xf32, #tpu.memory_space<hbm>>) dst(%dma_wait3A_330 : memref<6256x8xf32, #tpu.memory_space<vmem_shared>>)
        tpu.yield
      }) : () -> ()
    } else {
    }
    %eq3A = arith.constant 15 : i32
    %eq3A_5 = arith.cmpi eq, %arg1, %eq3A : i32
    %convert_element_type3A_6 = arith.extui %eq3A_5 : i1 to i32
    %cond3A_7 = arith.constant 0 : i32
    %cond3A_8 = arith.cmpi ne, %convert_element_type3A_6, %cond3A_7 : i32
    scf.if %cond3A_8 {
      "tpu.region"() ({
        %run_scoped3A = tpu.sem_alloc : memref<!tpu.dma_semaphore, #tpu.memory_space<semaphore_mem>>
        %dma_start3A_325 = arith.constant 93840 : i32
        %dma_start3A_326 = arith.constant 0 : i32
        %dma_start3A_327 = tpu.memref_slice %arg7[%dma_start3A_325, %dma_start3A_326] : memref<100000x8xf32, #tpu.memory_space<vmem_shared>> -> memref<6160x8xf32, #tpu.memory_space<vmem_shared>>
        %dma_start3A_328 = arith.constant 93840 : i32
        %dma_start3A_329 = arith.constant 0 : i32
        %dma_start3A_330 = tpu.memref_slice %arg2[%dma_start3A_328, %dma_start3A_329] : memref<100000x8xf32, #tpu.memory_space<hbm>> -> memref<6160x8xf32, #tpu.memory_space<hbm>>
        tpu.enqueue_dma source(%dma_start3A_330 : memref<6160x8xf32, #tpu.memory_space<hbm>>) target(%dma_start3A_327 : memref<6160x8xf32, #tpu.memory_space<vmem_shared>>) target_semaphore(%run_scoped3A : memref<!tpu.dma_semaphore, #tpu.memory_space<semaphore_mem>>)
        %dma_wait3A_331 = arith.constant 93840 : i32
        %dma_wait3A_332 = arith.constant 0 : i32
        %dma_wait3A_333 = tpu.memref_slice %arg7[%dma_wait3A_331, %dma_wait3A_332] : memref<100000x8xf32, #tpu.memory_space<vmem_shared>> -> memref<6160x8xf32, #tpu.memory_space<vmem_shared>>
        %dma_wait3A_334 = arith.constant 93840 : i32
        %dma_wait3A_335 = arith.constant 0 : i32
        %dma_wait3A_336 = tpu.memref_slice %arg2[%dma_wait3A_334, %dma_wait3A_335] : memref<100000x8xf32, #tpu.memory_space<hbm>> -> memref<6160x8xf32, #tpu.memory_space<hbm>>
        tpu.wait_dma2 semaphore(%run_scoped3A : memref<!tpu.dma_semaphore, #tpu.memory_space<semaphore_mem>>) src(%dma_wait3A_336 : memref<6160x8xf32, #tpu.memory_space<hbm>>) dst(%dma_wait3A_333 : memref<6160x8xf32, #tpu.memory_space<vmem_shared>>)
        tpu.yield
      }) : () -> ()
      "tpu.region"() ({
        %run_scoped3A = tpu.sem_alloc : memref<!tpu.dma_semaphore, #tpu.memory_space<semaphore_mem>>
        %dma_start3A_325 = arith.constant 93840 : i32
        %dma_start3A_326 = arith.constant 0 : i32
        %dma_start3A_327 = tpu.memref_slice %arg8[%dma_start3A_325, %dma_start3A_326] : memref<100000x8xf32, #tpu.memory_space<vmem_shared>> -> memref<6160x8xf32, #tpu.memory_space<vmem_shared>>
        %dma_start3A_328 = arith.constant 93840 : i32
        %dma_start3A_329 = arith.constant 0 : i32
        %dma_start3A_330 = tpu.memref_slice %arg2[%dma_start3A_328, %dma_start3A_329] : memref<100000x8xf32, #tpu.memory_space<hbm>> -> memref<6160x8xf32, #tpu.memory_space<hbm>>
        tpu.enqueue_dma source(%dma_start3A_330 : memref<6160x8xf32, #tpu.memory_space<hbm>>) target(%dma_start3A_327 : memref<6160x8xf32, #tpu.memory_space<vmem_shared>>) target_semaphore(%run_scoped3A : memref<!tpu.dma_semaphore, #tpu.memory_space<semaphore_mem>>)
        %dma_wait3A_331 = arith.constant 93840 : i32
        %dma_wait3A_332 = arith.constant 0 : i32
        %dma_wait3A_333 = tpu.memref_slice %arg8[%dma_wait3A_331, %dma_wait3A_332] : memref<100000x8xf32, #tpu.memory_space<vmem_shared>> -> memref<6160x8xf32, #tpu.memory_space<vmem_shared>>
        %dma_wait3A_334 = arith.constant 93840 : i32
        %dma_wait3A_335 = arith.constant 0 : i32
        %dma_wait3A_336 = tpu.memref_slice %arg2[%dma_wait3A_334, %dma_wait3A_335] : memref<100000x8xf32, #tpu.memory_space<hbm>> -> memref<6160x8xf32, #tpu.memory_space<hbm>>
        tpu.wait_dma2 semaphore(%run_scoped3A : memref<!tpu.dma_semaphore, #tpu.memory_space<semaphore_mem>>) src(%dma_wait3A_336 : memref<6160x8xf32, #tpu.memory_space<hbm>>) dst(%dma_wait3A_333 : memref<6160x8xf32, #tpu.memory_space<vmem_shared>>)
        tpu.yield
      }) : () -> ()
    } else {
    }
    %barrier3A = arith.constant 0 : index
    tpu.barrier barrier_id(%barrier3A)
    %mul3A_9 = arith.constant 195 : i32
    %mul3A_10 = arith.muli %add3A, %mul3A_9 : i32
    %scan3A = arith.constant 0 : i32
    %scan3A_11 = arith.constant 0 : i32
    %scan3A_12 = arith.constant 97 : i32
    %scan3A_13 = arith.addi %scan3A_11, %scan3A_12 : i32
    %scan3A_14 = arith.constant 1 : i32
    scf.for %scan3A_325 = %scan3A_11 to %scan3A_13 step %scan3A_14  : i32 {
      %mul3A_326 = arith.constant 2 : i32
      %mul3A_327 = arith.muli %mul3A_326, %scan3A_325 : i32
      %add3A_328 = arith.addi %mul3A_10, %mul3A_327 : i32
      %dma_start3A_329 = arith.constant 0 : i32
      %dma_start3A_330 = arith.constant 0 : i32
      %dma_start3A_331 = arith.constant 0 : i32
      %dma_start3A_332 = tpu.memref_slice %arg9[%dma_start3A_329, %dma_start3A_330, %dma_start3A_331] : memref<2x4x256xi32, #tpu.memory_space<vmem>> -> memref<1x4x256xi32, #tpu.memory_space<vmem>>
      %dma_start3A_333 = tpu.memref_squeeze %dma_start3A_332 : memref<1x4x256xi32, #tpu.memory_space<vmem>> -> memref<4x256xi32, #tpu.memory_space<vmem>>
      %dma_start3A_334 = arith.constant 0 : i32
      %dma_start3A_335 = arith.constant 0 : i32
      %dma_start3A_336 = tpu.memref_slice %arg3[%add3A_328, %dma_start3A_334, %dma_start3A_335] : memref<6250x4x256xi32, #tpu.memory_space<hbm>> -> memref<1x4x256xi32, #tpu.memory_space<hbm>>
      %dma_start3A_337 = tpu.memref_squeeze %dma_start3A_336 : memref<1x4x256xi32, #tpu.memory_space<hbm>> -> memref<4x256xi32, #tpu.memory_space<hbm>>
      %dma_start3A_338 = arith.constant 0 : i32
      %dma_start3A_339 = arith.constant 0 : i32
      %dma_start3A_340 = tpu.memref_slice %arg9[%dma_start3A_329, %dma_start3A_338, %dma_start3A_339] : memref<2x4x256xi32, #tpu.memory_space<vmem>> -> memref<1x4x256xi32, #tpu.memory_space<vmem>>
      %dma_start3A_341 = tpu.memref_squeeze %dma_start3A_340 : memref<1x4x256xi32, #tpu.memory_space<vmem>> -> memref<4x256xi32, #tpu.memory_space<vmem>>
      %dma_start3A_342 = arith.constant 0 : i32
      %dma_start3A_343 = arith.constant 0 : i32
      %dma_start3A_344 = tpu.memref_slice %arg3[%add3A_328, %dma_start3A_342, %dma_start3A_343] : memref<6250x4x256xi32, #tpu.memory_space<hbm>> -> memref<1x4x256xi32, #tpu.memory_space<hbm>>
      %dma_start3A_345 = tpu.memref_squeeze %dma_start3A_344 : memref<1x4x256xi32, #tpu.memory_space<hbm>> -> memref<4x256xi32, #tpu.memory_space<hbm>>
      tpu.enqueue_dma source(%dma_start3A_345 : memref<4x256xi32, #tpu.memory_space<hbm>>) target(%dma_start3A_341 : memref<4x256xi32, #tpu.memory_space<vmem>>) target_semaphore(%arg14 : memref<!tpu.dma_semaphore, #tpu.memory_space<semaphore_mem>>)
      %dma_start3A_346 = arith.constant 0 : i32
      %dma_start3A_347 = arith.constant 0 : i32
      %dma_start3A_348 = arith.constant 0 : i32
      %dma_start3A_349 = tpu.memref_slice %arg10[%dma_start3A_346, %dma_start3A_347, %dma_start3A_348] : memref<2x4x256xi32, #tpu.memory_space<vmem>> -> memref<1x4x256xi32, #tpu.memory_space<vmem>>
      %dma_start3A_350 = tpu.memref_squeeze %dma_start3A_349 : memref<1x4x256xi32, #tpu.memory_space<vmem>> -> memref<4x256xi32, #tpu.memory_space<vmem>>
      %dma_start3A_351 = arith.constant 0 : i32
      %dma_start3A_352 = arith.constant 0 : i32
      %dma_start3A_353 = tpu.memref_slice %arg4[%add3A_328, %dma_start3A_351, %dma_start3A_352] : memref<6250x4x256xi32, #tpu.memory_space<hbm>> -> memref<1x4x256xi32, #tpu.memory_space<hbm>>
      %dma_start3A_354 = tpu.memref_squeeze %dma_start3A_353 : memref<1x4x256xi32, #tpu.memory_space<hbm>> -> memref<4x256xi32, #tpu.memory_space<hbm>>
      %dma_start3A_355 = arith.constant 0 : i32
      %dma_start3A_356 = arith.constant 0 : i32
      %dma_start3A_357 = tpu.memref_slice %arg10[%dma_start3A_346, %dma_start3A_355, %dma_start3A_356] : memref<2x4x256xi32, #tpu.memory_space<vmem>> -> memref<1x4x256xi32, #tpu.memory_space<vmem>>
      %dma_start3A_358 = tpu.memref_squeeze %dma_start3A_357 : memref<1x4x256xi32, #tpu.memory_space<vmem>> -> memref<4x256xi32, #tpu.memory_space<vmem>>
      %dma_start3A_359 = arith.constant 0 : i32
      %dma_start3A_360 = arith.constant 0 : i32
      %dma_start3A_361 = tpu.memref_slice %arg4[%add3A_328, %dma_start3A_359, %dma_start3A_360] : memref<6250x4x256xi32, #tpu.memory_space<hbm>> -> memref<1x4x256xi32, #tpu.memory_space<hbm>>
      %dma_start3A_362 = tpu.memref_squeeze %dma_start3A_361 : memref<1x4x256xi32, #tpu.memory_space<hbm>> -> memref<4x256xi32, #tpu.memory_space<hbm>>
      tpu.enqueue_dma source(%dma_start3A_362 : memref<4x256xi32, #tpu.memory_space<hbm>>) target(%dma_start3A_358 : memref<4x256xi32, #tpu.memory_space<vmem>>) target_semaphore(%arg14 : memref<!tpu.dma_semaphore, #tpu.memory_space<semaphore_mem>>)
      %add3A_363 = arith.constant 1 : i32
      %add3A_364 = arith.addi %add3A_328, %add3A_363 : i32
      %dma_start3A_365 = arith.constant 1 : i32
      %dma_start3A_366 = arith.constant 0 : i32
      %dma_start3A_367 = arith.constant 0 : i32
      %dma_start3A_368 = tpu.memref_slice %arg9[%dma_start3A_365, %dma_start3A_366, %dma_start3A_367] : memref<2x4x256xi32, #tpu.memory_space<vmem>> -> memref<1x4x256xi32, #tpu.memory_space<vmem>>
      %dma_start3A_369 = tpu.memref_squeeze %dma_start3A_368 : memref<1x4x256xi32, #tpu.memory_space<vmem>> -> memref<4x256xi32, #tpu.memory_space<vmem>>
      %dma_start3A_370 = arith.constant 0 : i32
      %dma_start3A_371 = arith.constant 0 : i32
      %dma_start3A_372 = tpu.memref_slice %arg3[%add3A_364, %dma_start3A_370, %dma_start3A_371] : memref<6250x4x256xi32, #tpu.memory_space<hbm>> -> memref<1x4x256xi32, #tpu.memory_space<hbm>>
      %dma_start3A_373 = tpu.memref_squeeze %dma_start3A_372 : memref<1x4x256xi32, #tpu.memory_space<hbm>> -> memref<4x256xi32, #tpu.memory_space<hbm>>
      %dma_start3A_374 = arith.constant 0 : i32
      %dma_start3A_375 = arith.constant 0 : i32
      %dma_start3A_376 = tpu.memref_slice %arg9[%dma_start3A_365, %dma_start3A_374, %dma_start3A_375] : memref<2x4x256xi32, #tpu.memory_space<vmem>> -> memref<1x4x256xi32, #tpu.memory_space<vmem>>
      %dma_start3A_377 = tpu.memref_squeeze %dma_start3A_376 : memref<1x4x256xi32, #tpu.memory_space<vmem>> -> memref<4x256xi32, #tpu.memory_space<vmem>>
      %dma_start3A_378 = arith.constant 0 : i32
      %dma_start3A_379 = arith.constant 0 : i32
      %dma_start3A_380 = tpu.memref_slice %arg3[%add3A_364, %dma_start3A_378, %dma_start3A_379] : memref<6250x4x256xi32, #tpu.memory_space<hbm>> -> memref<1x4x256xi32, #tpu.memory_space<hbm>>
      %dma_start3A_381 = tpu.memref_squeeze %dma_start3A_380 : memref<1x4x256xi32, #tpu.memory_space<hbm>> -> memref<4x256xi32, #tpu.memory_space<hbm>>
      tpu.enqueue_dma source(%dma_start3A_381 : memref<4x256xi32, #tpu.memory_space<hbm>>) target(%dma_start3A_377 : memref<4x256xi32, #tpu.memory_space<vmem>>) target_semaphore(%arg14 : memref<!tpu.dma_semaphore, #tpu.memory_space<semaphore_mem>>)
      %dma_start3A_382 = arith.constant 1 : i32
      %dma_start3A_383 = arith.constant 0 : i32
      %dma_start3A_384 = arith.constant 0 : i32
      %dma_start3A_385 = tpu.memref_slice %arg10[%dma_start3A_382, %dma_start3A_383, %dma_start3A_384] : memref<2x4x256xi32, #tpu.memory_space<vmem>> -> memref<1x4x256xi32, #tpu.memory_space<vmem>>
      %dma_start3A_386 = tpu.memref_squeeze %dma_start3A_385 : memref<1x4x256xi32, #tpu.memory_space<vmem>> -> memref<4x256xi32, #tpu.memory_space<vmem>>
      %dma_start3A_387 = arith.constant 0 : i32
      %dma_start3A_388 = arith.constant 0 : i32
      %dma_start3A_389 = tpu.memref_slice %arg4[%add3A_364, %dma_start3A_387, %dma_start3A_388] : memref<6250x4x256xi32, #tpu.memory_space<hbm>> -> memref<1x4x256xi32, #tpu.memory_space<hbm>>
      %dma_start3A_390 = tpu.memref_squeeze %dma_start3A_389 : memref<1x4x256xi32, #tpu.memory_space<hbm>> -> memref<4x256xi32, #tpu.memory_space<hbm>>
      %dma_start3A_391 = arith.constant 0 : i32
      %dma_start3A_392 = arith.constant 0 : i32
      %dma_start3A_393 = tpu.memref_slice %arg10[%dma_start3A_382, %dma_start3A_391, %dma_start3A_392] : memref<2x4x256xi32, #tpu.memory_space<vmem>> -> memref<1x4x256xi32, #tpu.memory_space<vmem>>
      %dma_start3A_394 = tpu.memref_squeeze %dma_start3A_393 : memref<1x4x256xi32, #tpu.memory_space<vmem>> -> memref<4x256xi32, #tpu.memory_space<vmem>>
      %dma_start3A_395 = arith.constant 0 : i32
      %dma_start3A_396 = arith.constant 0 : i32
      %dma_start3A_397 = tpu.memref_slice %arg4[%add3A_364, %dma_start3A_395, %dma_start3A_396] : memref<6250x4x256xi32, #tpu.memory_space<hbm>> -> memref<1x4x256xi32, #tpu.memory_space<hbm>>
      %dma_start3A_398 = tpu.memref_squeeze %dma_start3A_397 : memref<1x4x256xi32, #tpu.memory_space<hbm>> -> memref<4x256xi32, #tpu.memory_space<hbm>>
      tpu.enqueue_dma source(%dma_start3A_398 : memref<4x256xi32, #tpu.memory_space<hbm>>) target(%dma_start3A_394 : memref<4x256xi32, #tpu.memory_space<vmem>>) target_semaphore(%arg14 : memref<!tpu.dma_semaphore, #tpu.memory_space<semaphore_mem>>)
      %dma_wait3A_399 = arith.constant 0 : i32
      %dma_wait3A_400 = arith.constant 0 : i32
      %dma_wait3A_401 = arith.constant 0 : i32
      %dma_wait3A_402 = tpu.memref_slice %arg9[%dma_wait3A_399, %dma_wait3A_400, %dma_wait3A_401] : memref<2x4x256xi32, #tpu.memory_space<vmem>> -> memref<1x4x256xi32, #tpu.memory_space<vmem>>
      %dma_wait3A_403 = tpu.memref_squeeze %dma_wait3A_402 : memref<1x4x256xi32, #tpu.memory_space<vmem>> -> memref<4x256xi32, #tpu.memory_space<vmem>>
      %dma_wait3A_404 = arith.constant 0 : i32
      %dma_wait3A_405 = arith.constant 0 : i32
      %dma_wait3A_406 = tpu.memref_slice %arg3[%add3A_328, %dma_wait3A_404, %dma_wait3A_405] : memref<6250x4x256xi32, #tpu.memory_space<hbm>> -> memref<1x4x256xi32, #tpu.memory_space<hbm>>
      %dma_wait3A_407 = tpu.memref_squeeze %dma_wait3A_406 : memref<1x4x256xi32, #tpu.memory_space<hbm>> -> memref<4x256xi32, #tpu.memory_space<hbm>>
      %dma_wait3A_408 = arith.constant 0 : i32
      %dma_wait3A_409 = arith.constant 0 : i32
      %dma_wait3A_410 = tpu.memref_slice %arg9[%dma_wait3A_399, %dma_wait3A_408, %dma_wait3A_409] : memref<2x4x256xi32, #tpu.memory_space<vmem>> -> memref<1x4x256xi32, #tpu.memory_space<vmem>>
      %dma_wait3A_411 = tpu.memref_squeeze %dma_wait3A_410 : memref<1x4x256xi32, #tpu.memory_space<vmem>> -> memref<4x256xi32, #tpu.memory_space<vmem>>
      %dma_wait3A_412 = arith.constant 0 : i32
      %dma_wait3A_413 = arith.constant 0 : i32
      %dma_wait3A_414 = tpu.memref_slice %arg3[%add3A_328, %dma_wait3A_412, %dma_wait3A_413] : memref<6250x4x256xi32, #tpu.memory_space<hbm>> -> memref<1x4x256xi32, #tpu.memory_space<hbm>>
      %dma_wait3A_415 = tpu.memref_squeeze %dma_wait3A_414 : memref<1x4x256xi32, #tpu.memory_space<hbm>> -> memref<4x256xi32, #tpu.memory_space<hbm>>
      tpu.wait_dma2 semaphore(%arg14 : memref<!tpu.dma_semaphore, #tpu.memory_space<semaphore_mem>>) src(%dma_wait3A_415 : memref<4x256xi32, #tpu.memory_space<hbm>>) dst(%dma_wait3A_411 : memref<4x256xi32, #tpu.memory_space<vmem>>)
      %dma_wait3A_416 = arith.constant 0 : i32
      %dma_wait3A_417 = arith.constant 0 : i32
      %dma_wait3A_418 = arith.constant 0 : i32
      %dma_wait3A_419 = tpu.memref_slice %arg10[%dma_wait3A_416, %dma_wait3A_417, %dma_wait3A_418] : memref<2x4x256xi32, #tpu.memory_space<vmem>> -> memref<1x4x256xi32, #tpu.memory_space<vmem>>
      %dma_wait3A_420 = tpu.memref_squeeze %dma_wait3A_419 : memref<1x4x256xi32, #tpu.memory_space<vmem>> -> memref<4x256xi32, #tpu.memory_space<vmem>>
      %dma_wait3A_421 = arith.constant 0 : i32
      %dma_wait3A_422 = arith.constant 0 : i32
      %dma_wait3A_423 = tpu.memref_slice %arg4[%add3A_328, %dma_wait3A_421, %dma_wait3A_422] : memref<6250x4x256xi32, #tpu.memory_space<hbm>> -> memref<1x4x256xi32, #tpu.memory_space<hbm>>
      %dma_wait3A_424 = tpu.memref_squeeze %dma_wait3A_423 : memref<1x4x256xi32, #tpu.memory_space<hbm>> -> memref<4x256xi32, #tpu.memory_space<hbm>>
      %dma_wait3A_425 = arith.constant 0 : i32
      %dma_wait3A_426 = arith.constant 0 : i32
      %dma_wait3A_427 = tpu.memref_slice %arg10[%dma_wait3A_416, %dma_wait3A_425, %dma_wait3A_426] : memref<2x4x256xi32, #tpu.memory_space<vmem>> -> memref<1x4x256xi32, #tpu.memory_space<vmem>>
      %dma_wait3A_428 = tpu.memref_squeeze %dma_wait3A_427 : memref<1x4x256xi32, #tpu.memory_space<vmem>> -> memref<4x256xi32, #tpu.memory_space<vmem>>
      %dma_wait3A_429 = arith.constant 0 : i32
      %dma_wait3A_430 = arith.constant 0 : i32
      %dma_wait3A_431 = tpu.memref_slice %arg4[%add3A_328, %dma_wait3A_429, %dma_wait3A_430] : memref<6250x4x256xi32, #tpu.memory_space<hbm>> -> memref<1x4x256xi32, #tpu.memory_space<hbm>>
      %dma_wait3A_432 = tpu.memref_squeeze %dma_wait3A_431 : memref<1x4x256xi32, #tpu.memory_space<hbm>> -> memref<4x256xi32, #tpu.memory_space<hbm>>
      tpu.wait_dma2 semaphore(%arg14 : memref<!tpu.dma_semaphore, #tpu.memory_space<semaphore_mem>>) src(%dma_wait3A_432 : memref<4x256xi32, #tpu.memory_space<hbm>>) dst(%dma_wait3A_428 : memref<4x256xi32, #tpu.memory_space<vmem>>)
      %dma_start3A_433 = arith.constant 0 : i32
      %dma_start3A_434 = arith.constant 0 : i32
      %dma_start3A_435 = arith.constant 0 : i32
      %dma_start3A_436 = arith.constant 0 : i32
      %dma_start3A_437 = arith.constant 0 : i32
      %dma_start3A_438 = arith.constant 0 : i32
      %dma_start3A_439 = tpu.memref_slice %arg11[%dma_start3A_435, %dma_start3A_436, %dma_start3A_437, %dma_start3A_438] : memref<2x4x256x8xf32, #tpu.memory_space<vmem>> -> memref<1x1x256x8xf32, #tpu.memory_space<vmem>>
      %dma_start3A_440 = tpu.memref_squeeze %dma_start3A_439 : memref<1x1x256x8xf32, #tpu.memory_space<vmem>> -> memref<256x8xf32, #tpu.memory_space<vmem>>
      %dma_start3A_441 = arith.constant 0 : i32
      %dma_start3A_442 = tpu.memref_slice %arg9[%dma_start3A_433, %dma_start3A_434, %dma_start3A_441] : memref<2x4x256xi32, #tpu.memory_space<vmem>> -> memref<1x1x256xi32, #tpu.memory_space<vmem>>
      %dma_start3A_443 = tpu.memref_squeeze %dma_start3A_442 : memref<1x1x256xi32, #tpu.memory_space<vmem>> -> memref<256xi32, #tpu.memory_space<vmem>>
      %dma_start3A_444 = arith.constant 0 : i32
      %dma_start3A_445 = arith.constant 0 : i32
      %dma_start3A_446 = tpu.memref_slice %arg2[%dma_start3A_444, %dma_start3A_445] : memref<100000x8xf32, #tpu.memory_space<hbm>> -> memref<100000x8xf32, #tpu.memory_space<hbm>>
      tpu.enqueue_indirect_dma source(%dma_start3A_446 : memref<100000x8xf32, #tpu.memory_space<hbm>>) target(%dma_start3A_440 : memref<256x8xf32, #tpu.memory_space<vmem>>) offsets(%dma_start3A_443 : memref<256xi32, #tpu.memory_space<vmem>>) semaphore(%arg12 : memref<!tpu.dma_semaphore, #tpu.memory_space<semaphore_mem>>)
      %dma_start3A_447 = arith.constant 0 : i32
      %dma_start3A_448 = arith.constant 1 : i32
      %dma_start3A_449 = arith.constant 0 : i32
      %dma_start3A_450 = arith.constant 1 : i32
      %dma_start3A_451 = arith.constant 0 : i32
      %dma_start3A_452 = arith.constant 0 : i32
      %dma_start3A_453 = tpu.memref_slice %arg11[%dma_start3A_449, %dma_start3A_450, %dma_start3A_451, %dma_start3A_452] : memref<2x4x256x8xf32, #tpu.memory_space<vmem>> -> memref<1x1x256x8xf32, #tpu.memory_space<vmem>>
      %dma_start3A_454 = tpu.memref_squeeze %dma_start3A_453 : memref<1x1x256x8xf32, #tpu.memory_space<vmem>> -> memref<256x8xf32, #tpu.memory_space<vmem>>
      %dma_start3A_455 = arith.constant 0 : i32
      %dma_start3A_456 = tpu.memref_slice %arg9[%dma_start3A_447, %dma_start3A_448, %dma_start3A_455] : memref<2x4x256xi32, #tpu.memory_space<vmem>> -> memref<1x1x256xi32, #tpu.memory_space<vmem>>
      %dma_start3A_457 = tpu.memref_squeeze %dma_start3A_456 : memref<1x1x256xi32, #tpu.memory_space<vmem>> -> memref<256xi32, #tpu.memory_space<vmem>>
      %dma_start3A_458 = arith.constant 0 : i32
      %dma_start3A_459 = arith.constant 0 : i32
      %dma_start3A_460 = tpu.memref_slice %arg2[%dma_start3A_458, %dma_start3A_459] : memref<100000x8xf32, #tpu.memory_space<hbm>> -> memref<100000x8xf32, #tpu.memory_space<hbm>>
      tpu.enqueue_indirect_dma source(%dma_start3A_460 : memref<100000x8xf32, #tpu.memory_space<hbm>>) target(%dma_start3A_454 : memref<256x8xf32, #tpu.memory_space<vmem>>) offsets(%dma_start3A_457 : memref<256xi32, #tpu.memory_space<vmem>>) semaphore(%arg12 : memref<!tpu.dma_semaphore, #tpu.memory_space<semaphore_mem>>)
      %dma_start3A_461 = arith.constant 0 : i32
      %dma_start3A_462 = arith.constant 2 : i32
      %dma_start3A_463 = arith.constant 0 : i32
      %dma_start3A_464 = arith.constant 2 : i32
      %dma_start3A_465 = arith.constant 0 : i32
      %dma_start3A_466 = arith.constant 0 : i32
      %dma_start3A_467 = tpu.memref_slice %arg11[%dma_start3A_463, %dma_start3A_464, %dma_start3A_465, %dma_start3A_466] : memref<2x4x256x8xf32, #tpu.memory_space<vmem>> -> memref<1x1x256x8xf32, #tpu.memory_space<vmem>>
      %dma_start3A_468 = tpu.memref_squeeze %dma_start3A_467 : memref<1x1x256x8xf32, #tpu.memory_space<vmem>> -> memref<256x8xf32, #tpu.memory_space<vmem>>
      %dma_start3A_469 = arith.constant 0 : i32
      %dma_start3A_470 = tpu.memref_slice %arg9[%dma_start3A_461, %dma_start3A_462, %dma_start3A_469] : memref<2x4x256xi32, #tpu.memory_space<vmem>> -> memref<1x1x256xi32, #tpu.memory_space<vmem>>
      %dma_start3A_471 = tpu.memref_squeeze %dma_start3A_470 : memref<1x1x256xi32, #tpu.memory_space<vmem>> -> memref<256xi32, #tpu.memory_space<vmem>>
      %dma_start3A_472 = arith.constant 0 : i32
      %dma_start3A_473 = arith.constant 0 : i32
      %dma_start3A_474 = tpu.memref_slice %arg2[%dma_start3A_472, %dma_start3A_473] : memref<100000x8xf32, #tpu.memory_space<hbm>> -> memref<100000x8xf32, #tpu.memory_space<hbm>>
      tpu.enqueue_indirect_dma source(%dma_start3A_474 : memref<100000x8xf32, #tpu.memory_space<hbm>>) target(%dma_start3A_468 : memref<256x8xf32, #tpu.memory_space<vmem>>) offsets(%dma_start3A_471 : memref<256xi32, #tpu.memory_space<vmem>>) semaphore(%arg12 : memref<!tpu.dma_semaphore, #tpu.memory_space<semaphore_mem>>)
      %dma_start3A_475 = arith.constant 0 : i32
      %dma_start3A_476 = arith.constant 3 : i32
      %dma_start3A_477 = arith.constant 0 : i32
      %dma_start3A_478 = arith.constant 3 : i32
      %dma_start3A_479 = arith.constant 0 : i32
      %dma_start3A_480 = arith.constant 0 : i32
      %dma_start3A_481 = tpu.memref_slice %arg11[%dma_start3A_477, %dma_start3A_478, %dma_start3A_479, %dma_start3A_480] : memref<2x4x256x8xf32, #tpu.memory_space<vmem>> -> memref<1x1x256x8xf32, #tpu.memory_space<vmem>>
      %dma_start3A_482 = tpu.memref_squeeze %dma_start3A_481 : memref<1x1x256x8xf32, #tpu.memory_space<vmem>> -> memref<256x8xf32, #tpu.memory_space<vmem>>
      %dma_start3A_483 = arith.constant 0 : i32
      %dma_start3A_484 = tpu.memref_slice %arg9[%dma_start3A_475, %dma_start3A_476, %dma_start3A_483] : memref<2x4x256xi32, #tpu.memory_space<vmem>> -> memref<1x1x256xi32, #tpu.memory_space<vmem>>
      %dma_start3A_485 = tpu.memref_squeeze %dma_start3A_484 : memref<1x1x256xi32, #tpu.memory_space<vmem>> -> memref<256xi32, #tpu.memory_space<vmem>>
      %dma_start3A_486 = arith.constant 0 : i32
      %dma_start3A_487 = arith.constant 0 : i32
      %dma_start3A_488 = tpu.memref_slice %arg2[%dma_start3A_486, %dma_start3A_487] : memref<100000x8xf32, #tpu.memory_space<hbm>> -> memref<100000x8xf32, #tpu.memory_space<hbm>>
      tpu.enqueue_indirect_dma source(%dma_start3A_488 : memref<100000x8xf32, #tpu.memory_space<hbm>>) target(%dma_start3A_482 : memref<256x8xf32, #tpu.memory_space<vmem>>) offsets(%dma_start3A_485 : memref<256xi32, #tpu.memory_space<vmem>>) semaphore(%arg12 : memref<!tpu.dma_semaphore, #tpu.memory_space<semaphore_mem>>)
      %dma_wait3A_489 = arith.constant 0 : i32
      %dma_wait3A_490 = arith.constant 0 : i32
      %dma_wait3A_491 = arith.constant 0 : i32
      %dma_wait3A_492 = arith.constant 0 : i32
      %dma_wait3A_493 = arith.constant 0 : i32
      %dma_wait3A_494 = arith.constant 0 : i32
      %dma_wait3A_495 = tpu.memref_slice %arg11[%dma_wait3A_491, %dma_wait3A_492, %dma_wait3A_493, %dma_wait3A_494] : memref<2x4x256x8xf32, #tpu.memory_space<vmem>> -> memref<1x1x256x8xf32, #tpu.memory_space<vmem>>
      %dma_wait3A_496 = tpu.memref_squeeze %dma_wait3A_495 : memref<1x1x256x8xf32, #tpu.memory_space<vmem>> -> memref<256x8xf32, #tpu.memory_space<vmem>>
      %dma_wait3A_497 = arith.constant 0 : i32
      %dma_wait3A_498 = tpu.memref_slice %arg9[%dma_wait3A_489, %dma_wait3A_490, %dma_wait3A_497] : memref<2x4x256xi32, #tpu.memory_space<vmem>> -> memref<1x1x256xi32, #tpu.memory_space<vmem>>
      %dma_wait3A_499 = tpu.memref_squeeze %dma_wait3A_498 : memref<1x1x256xi32, #tpu.memory_space<vmem>> -> memref<256xi32, #tpu.memory_space<vmem>>
      %dma_wait3A_500 = arith.constant 0 : i32
      %dma_wait3A_501 = arith.constant 0 : i32
      %dma_wait3A_502 = tpu.memref_slice %arg2[%dma_wait3A_500, %dma_wait3A_501] : memref<100000x8xf32, #tpu.memory_space<hbm>> -> memref<100000x8xf32, #tpu.memory_space<hbm>>
      tpu.wait_indirect_dma semaphore(%arg12 : memref<!tpu.dma_semaphore, #tpu.memory_space<semaphore_mem>>) src(%dma_wait3A_502 : memref<100000x8xf32, #tpu.memory_space<hbm>>) dst(%dma_wait3A_496 : memref<256x8xf32, #tpu.memory_space<vmem>>)
      %dma_wait3A_503 = arith.constant 0 : i32
      %dma_wait3A_504 = arith.constant 1 : i32
      %dma_wait3A_505 = arith.constant 0 : i32
      %dma_wait3A_506 = arith.constant 1 : i32
      %dma_wait3A_507 = arith.constant 0 : i32
      %dma_wait3A_508 = arith.constant 0 : i32
      %dma_wait3A_509 = tpu.memref_slice %arg11[%dma_wait3A_505, %dma_wait3A_506, %dma_wait3A_507, %dma_wait3A_508] : memref<2x4x256x8xf32, #tpu.memory_space<vmem>> -> memref<1x1x256x8xf32, #tpu.memory_space<vmem>>
      %dma_wait3A_510 = tpu.memref_squeeze %dma_wait3A_509 : memref<1x1x256x8xf32, #tpu.memory_space<vmem>> -> memref<256x8xf32, #tpu.memory_space<vmem>>
      %dma_wait3A_511 = arith.constant 0 : i32
      %dma_wait3A_512 = tpu.memref_slice %arg9[%dma_wait3A_503, %dma_wait3A_504, %dma_wait3A_511] : memref<2x4x256xi32, #tpu.memory_space<vmem>> -> memref<1x1x256xi32, #tpu.memory_space<vmem>>
      %dma_wait3A_513 = tpu.memref_squeeze %dma_wait3A_512 : memref<1x1x256xi32, #tpu.memory_space<vmem>> -> memref<256xi32, #tpu.memory_space<vmem>>
      %dma_wait3A_514 = arith.constant 0 : i32
      %dma_wait3A_515 = arith.constant 0 : i32
      %dma_wait3A_516 = tpu.memref_slice %arg2[%dma_wait3A_514, %dma_wait3A_515] : memref<100000x8xf32, #tpu.memory_space<hbm>> -> memref<100000x8xf32, #tpu.memory_space<hbm>>
      tpu.wait_indirect_dma semaphore(%arg12 : memref<!tpu.dma_semaphore, #tpu.memory_space<semaphore_mem>>) src(%dma_wait3A_516 : memref<100000x8xf32, #tpu.memory_space<hbm>>) dst(%dma_wait3A_510 : memref<256x8xf32, #tpu.memory_space<vmem>>)
      %dma_wait3A_517 = arith.constant 0 : i32
      %dma_wait3A_518 = arith.constant 2 : i32
      %dma_wait3A_519 = arith.constant 0 : i32
      %dma_wait3A_520 = arith.constant 2 : i32
      %dma_wait3A_521 = arith.constant 0 : i32
      %dma_wait3A_522 = arith.constant 0 : i32
      %dma_wait3A_523 = tpu.memref_slice %arg11[%dma_wait3A_519, %dma_wait3A_520, %dma_wait3A_521, %dma_wait3A_522] : memref<2x4x256x8xf32, #tpu.memory_space<vmem>> -> memref<1x1x256x8xf32, #tpu.memory_space<vmem>>
      %dma_wait3A_524 = tpu.memref_squeeze %dma_wait3A_523 : memref<1x1x256x8xf32, #tpu.memory_space<vmem>> -> memref<256x8xf32, #tpu.memory_space<vmem>>
      %dma_wait3A_525 = arith.constant 0 : i32
      %dma_wait3A_526 = tpu.memref_slice %arg9[%dma_wait3A_517, %dma_wait3A_518, %dma_wait3A_525] : memref<2x4x256xi32, #tpu.memory_space<vmem>> -> memref<1x1x256xi32, #tpu.memory_space<vmem>>
      %dma_wait3A_527 = tpu.memref_squeeze %dma_wait3A_526 : memref<1x1x256xi32, #tpu.memory_space<vmem>> -> memref<256xi32, #tpu.memory_space<vmem>>
      %dma_wait3A_528 = arith.constant 0 : i32
      %dma_wait3A_529 = arith.constant 0 : i32
      %dma_wait3A_530 = tpu.memref_slice %arg2[%dma_wait3A_528, %dma_wait3A_529] : memref<100000x8xf32, #tpu.memory_space<hbm>> -> memref<100000x8xf32, #tpu.memory_space<hbm>>
      tpu.wait_indirect_dma semaphore(%arg12 : memref<!tpu.dma_semaphore, #tpu.memory_space<semaphore_mem>>) src(%dma_wait3A_530 : memref<100000x8xf32, #tpu.memory_space<hbm>>) dst(%dma_wait3A_524 : memref<256x8xf32, #tpu.memory_space<vmem>>)
      %dma_wait3A_531 = arith.constant 0 : i32
      %dma_wait3A_532 = arith.constant 3 : i32
      %dma_wait3A_533 = arith.constant 0 : i32
      %dma_wait3A_534 = arith.constant 3 : i32
      %dma_wait3A_535 = arith.constant 0 : i32
      %dma_wait3A_536 = arith.constant 0 : i32
      %dma_wait3A_537 = tpu.memref_slice %arg11[%dma_wait3A_533, %dma_wait3A_534, %dma_wait3A_535, %dma_wait3A_536] : memref<2x4x256x8xf32, #tpu.memory_space<vmem>> -> memref<1x1x256x8xf32, #tpu.memory_space<vmem>>
      %dma_wait3A_538 = tpu.memref_squeeze %dma_wait3A_537 : memref<1x1x256x8xf32, #tpu.memory_space<vmem>> -> memref<256x8xf32, #tpu.memory_space<vmem>>
      %dma_wait3A_539 = arith.constant 0 : i32
      %dma_wait3A_540 = tpu.memref_slice %arg9[%dma_wait3A_531, %dma_wait3A_532, %dma_wait3A_539] : memref<2x4x256xi32, #tpu.memory_space<vmem>> -> memref<1x1x256xi32, #tpu.memory_space<vmem>>
      %dma_wait3A_541 = tpu.memref_squeeze %dma_wait3A_540 : memref<1x1x256xi32, #tpu.memory_space<vmem>> -> memref<256xi32, #tpu.memory_space<vmem>>
      %dma_wait3A_542 = arith.constant 0 : i32
      %dma_wait3A_543 = arith.constant 0 : i32
      %dma_wait3A_544 = tpu.memref_slice %arg2[%dma_wait3A_542, %dma_wait3A_543] : memref<100000x8xf32, #tpu.memory_space<hbm>> -> memref<100000x8xf32, #tpu.memory_space<hbm>>
      tpu.wait_indirect_dma semaphore(%arg12 : memref<!tpu.dma_semaphore, #tpu.memory_space<semaphore_mem>>) src(%dma_wait3A_544 : memref<100000x8xf32, #tpu.memory_space<hbm>>) dst(%dma_wait3A_538 : memref<256x8xf32, #tpu.memory_space<vmem>>)
      %dma_start3A_545 = arith.constant 0 : i32
      %dma_start3A_546 = arith.constant 0 : i32
      %dma_start3A_547 = arith.constant 0 : i32
      %dma_start3A_548 = arith.constant 0 : i32
      %dma_start3A_549 = arith.constant 0 : i32
      %dma_start3A_550 = arith.constant 0 : i32
      %dma_start3A_551 = tpu.memref_slice %arg11[%dma_start3A_545, %dma_start3A_546, %dma_start3A_549, %dma_start3A_550] : memref<2x4x256x8xf32, #tpu.memory_space<vmem>> -> memref<1x1x256x8xf32, #tpu.memory_space<vmem>>
      %dma_start3A_552 = tpu.memref_squeeze %dma_start3A_551 : memref<1x1x256x8xf32, #tpu.memory_space<vmem>> -> memref<256x8xf32, #tpu.memory_space<vmem>>
      %dma_start3A_553 = arith.constant 0 : i32
      %dma_start3A_554 = tpu.memref_slice %arg10[%dma_start3A_547, %dma_start3A_548, %dma_start3A_553] : memref<2x4x256xi32, #tpu.memory_space<vmem>> -> memref<1x1x256xi32, #tpu.memory_space<vmem>>
      %dma_start3A_555 = tpu.memref_squeeze %dma_start3A_554 : memref<1x1x256xi32, #tpu.memory_space<vmem>> -> memref<256xi32, #tpu.memory_space<vmem>>
      %dma_start3A_556 = arith.constant 0 : i32
      %dma_start3A_557 = arith.constant 0 : i32
      %dma_start3A_558 = tpu.memref_slice %arg8[%dma_start3A_556, %dma_start3A_557] : memref<100000x8xf32, #tpu.memory_space<vmem_shared>> -> memref<100000x8xf32, #tpu.memory_space<vmem_shared>>
      tpu.enqueue_indirect_dma source(%dma_start3A_552 : memref<256x8xf32, #tpu.memory_space<vmem>>) target(%dma_start3A_558 : memref<100000x8xf32, #tpu.memory_space<vmem_shared>>) offsets(%dma_start3A_555 : memref<256xi32, #tpu.memory_space<vmem>>) semaphore(%arg13 : memref<!tpu.dma_semaphore, #tpu.memory_space<semaphore_mem>>) {add = true}
      %dma_start3A_559 = arith.constant 0 : i32
      %dma_start3A_560 = arith.constant 1 : i32
      %dma_start3A_561 = arith.constant 0 : i32
      %dma_start3A_562 = arith.constant 1 : i32
      %dma_start3A_563 = arith.constant 0 : i32
      %dma_start3A_564 = arith.constant 0 : i32
      %dma_start3A_565 = tpu.memref_slice %arg11[%dma_start3A_559, %dma_start3A_560, %dma_start3A_563, %dma_start3A_564] : memref<2x4x256x8xf32, #tpu.memory_space<vmem>> -> memref<1x1x256x8xf32, #tpu.memory_space<vmem>>
      %dma_start3A_566 = tpu.memref_squeeze %dma_start3A_565 : memref<1x1x256x8xf32, #tpu.memory_space<vmem>> -> memref<256x8xf32, #tpu.memory_space<vmem>>
      %dma_start3A_567 = arith.constant 0 : i32
      %dma_start3A_568 = tpu.memref_slice %arg10[%dma_start3A_561, %dma_start3A_562, %dma_start3A_567] : memref<2x4x256xi32, #tpu.memory_space<vmem>> -> memref<1x1x256xi32, #tpu.memory_space<vmem>>
      %dma_start3A_569 = tpu.memref_squeeze %dma_start3A_568 : memref<1x1x256xi32, #tpu.memory_space<vmem>> -> memref<256xi32, #tpu.memory_space<vmem>>
      %dma_start3A_570 = arith.constant 0 : i32
      %dma_start3A_571 = arith.constant 0 : i32
      %dma_start3A_572 = tpu.memref_slice %arg8[%dma_start3A_570, %dma_start3A_571] : memref<100000x8xf32, #tpu.memory_space<vmem_shared>> -> memref<100000x8xf32, #tpu.memory_space<vmem_shared>>
      tpu.enqueue_indirect_dma source(%dma_start3A_566 : memref<256x8xf32, #tpu.memory_space<vmem>>) target(%dma_start3A_572 : memref<100000x8xf32, #tpu.memory_space<vmem_shared>>) offsets(%dma_start3A_569 : memref<256xi32, #tpu.memory_space<vmem>>) semaphore(%arg13 : memref<!tpu.dma_semaphore, #tpu.memory_space<semaphore_mem>>) {add = true}
      %dma_start3A_573 = arith.constant 0 : i32
      %dma_start3A_574 = arith.constant 2 : i32
      %dma_start3A_575 = arith.constant 0 : i32
      %dma_start3A_576 = arith.constant 2 : i32
      %dma_start3A_577 = arith.constant 0 : i32
      %dma_start3A_578 = arith.constant 0 : i32
      %dma_start3A_579 = tpu.memref_slice %arg11[%dma_start3A_573, %dma_start3A_574, %dma_start3A_577, %dma_start3A_578] : memref<2x4x256x8xf32, #tpu.memory_space<vmem>> -> memref<1x1x256x8xf32, #tpu.memory_space<vmem>>
      %dma_start3A_580 = tpu.memref_squeeze %dma_start3A_579 : memref<1x1x256x8xf32, #tpu.memory_space<vmem>> -> memref<256x8xf32, #tpu.memory_space<vmem>>
      %dma_start3A_581 = arith.constant 0 : i32
      %dma_start3A_582 = tpu.memref_slice %arg10[%dma_start3A_575, %dma_start3A_576, %dma_start3A_581] : memref<2x4x256xi32, #tpu.memory_space<vmem>> -> memref<1x1x256xi32, #tpu.memory_space<vmem>>
      %dma_start3A_583 = tpu.memref_squeeze %dma_start3A_582 : memref<1x1x256xi32, #tpu.memory_space<vmem>> -> memref<256xi32, #tpu.memory_space<vmem>>
      %dma_start3A_584 = arith.constant 0 : i32
      %dma_start3A_585 = arith.constant 0 : i32
      %dma_start3A_586 = tpu.memref_slice %arg8[%dma_start3A_584, %dma_start3A_585] : memref<100000x8xf32, #tpu.memory_space<vmem_shared>> -> memref<100000x8xf32, #tpu.memory_space<vmem_shared>>
      tpu.enqueue_indirect_dma source(%dma_start3A_580 : memref<256x8xf32, #tpu.memory_space<vmem>>) target(%dma_start3A_586 : memref<100000x8xf32, #tpu.memory_space<vmem_shared>>) offsets(%dma_start3A_583 : memref<256xi32, #tpu.memory_space<vmem>>) semaphore(%arg13 : memref<!tpu.dma_semaphore, #tpu.memory_space<semaphore_mem>>) {add = true}
      %dma_start3A_587 = arith.constant 0 : i32
      %dma_start3A_588 = arith.constant 3 : i32
      %dma_start3A_589 = arith.constant 0 : i32
      %dma_start3A_590 = arith.constant 3 : i32
      %dma_start3A_591 = arith.constant 0 : i32
      %dma_start3A_592 = arith.constant 0 : i32
      %dma_start3A_593 = tpu.memref_slice %arg11[%dma_start3A_587, %dma_start3A_588, %dma_start3A_591, %dma_start3A_592] : memref<2x4x256x8xf32, #tpu.memory_space<vmem>> -> memref<1x1x256x8xf32, #tpu.memory_space<vmem>>
      %dma_start3A_594 = tpu.memref_squeeze %dma_start3A_593 : memref<1x1x256x8xf32, #tpu.memory_space<vmem>> -> memref<256x8xf32, #tpu.memory_space<vmem>>
      %dma_start3A_595 = arith.constant 0 : i32
      %dma_start3A_596 = tpu.memref_slice %arg10[%dma_start3A_589, %dma_start3A_590, %dma_start3A_595] : memref<2x4x256xi32, #tpu.memory_space<vmem>> -> memref<1x1x256xi32, #tpu.memory_space<vmem>>
      %dma_start3A_597 = tpu.memref_squeeze %dma_start3A_596 : memref<1x1x256xi32, #tpu.memory_space<vmem>> -> memref<256xi32, #tpu.memory_space<vmem>>
      %dma_start3A_598 = arith.constant 0 : i32
      %dma_start3A_599 = arith.constant 0 : i32
      %dma_start3A_600 = tpu.memref_slice %arg8[%dma_start3A_598, %dma_start3A_599] : memref<100000x8xf32, #tpu.memory_space<vmem_shared>> -> memref<100000x8xf32, #tpu.memory_space<vmem_shared>>
      tpu.enqueue_indirect_dma source(%dma_start3A_594 : memref<256x8xf32, #tpu.memory_space<vmem>>) target(%dma_start3A_600 : memref<100000x8xf32, #tpu.memory_space<vmem_shared>>) offsets(%dma_start3A_597 : memref<256xi32, #tpu.memory_space<vmem>>) semaphore(%arg13 : memref<!tpu.dma_semaphore, #tpu.memory_space<semaphore_mem>>) {add = true}
      %dma_wait3A_601 = arith.constant 1 : i32
      %dma_wait3A_602 = arith.constant 0 : i32
      %dma_wait3A_603 = arith.constant 0 : i32
      %dma_wait3A_604 = tpu.memref_slice %arg9[%dma_wait3A_601, %dma_wait3A_602, %dma_wait3A_603] : memref<2x4x256xi32, #tpu.memory_space<vmem>> -> memref<1x4x256xi32, #tpu.memory_space<vmem>>
      %dma_wait3A_605 = tpu.memref_squeeze %dma_wait3A_604 : memref<1x4x256xi32, #tpu.memory_space<vmem>> -> memref<4x256xi32, #tpu.memory_space<vmem>>
      %dma_wait3A_606 = arith.constant 0 : i32
      %dma_wait3A_607 = arith.constant 0 : i32
      %dma_wait3A_608 = tpu.memref_slice %arg3[%add3A_364, %dma_wait3A_606, %dma_wait3A_607] : memref<6250x4x256xi32, #tpu.memory_space<hbm>> -> memref<1x4x256xi32, #tpu.memory_space<hbm>>
      %dma_wait3A_609 = tpu.memref_squeeze %dma_wait3A_608 : memref<1x4x256xi32, #tpu.memory_space<hbm>> -> memref<4x256xi32, #tpu.memory_space<hbm>>
      %dma_wait3A_610 = arith.constant 0 : i32
      %dma_wait3A_611 = arith.constant 0 : i32
      %dma_wait3A_612 = tpu.memref_slice %arg9[%dma_wait3A_601, %dma_wait3A_610, %dma_wait3A_611] : memref<2x4x256xi32, #tpu.memory_space<vmem>> -> memref<1x4x256xi32, #tpu.memory_space<vmem>>
      %dma_wait3A_613 = tpu.memref_squeeze %dma_wait3A_612 : memref<1x4x256xi32, #tpu.memory_space<vmem>> -> memref<4x256xi32, #tpu.memory_space<vmem>>
      %dma_wait3A_614 = arith.constant 0 : i32
      %dma_wait3A_615 = arith.constant 0 : i32
      %dma_wait3A_616 = tpu.memref_slice %arg3[%add3A_364, %dma_wait3A_614, %dma_wait3A_615] : memref<6250x4x256xi32, #tpu.memory_space<hbm>> -> memref<1x4x256xi32, #tpu.memory_space<hbm>>
      %dma_wait3A_617 = tpu.memref_squeeze %dma_wait3A_616 : memref<1x4x256xi32, #tpu.memory_space<hbm>> -> memref<4x256xi32, #tpu.memory_space<hbm>>
      tpu.wait_dma2 semaphore(%arg14 : memref<!tpu.dma_semaphore, #tpu.memory_space<semaphore_mem>>) src(%dma_wait3A_617 : memref<4x256xi32, #tpu.memory_space<hbm>>) dst(%dma_wait3A_613 : memref<4x256xi32, #tpu.memory_space<vmem>>)
      %dma_wait3A_618 = arith.constant 1 : i32
      %dma_wait3A_619 = arith.constant 0 : i32
      %dma_wait3A_620 = arith.constant 0 : i32
      %dma_wait3A_621 = tpu.memref_slice %arg10[%dma_wait3A_618, %dma_wait3A_619, %dma_wait3A_620] : memref<2x4x256xi32, #tpu.memory_space<vmem>> -> memref<1x4x256xi32, #tpu.memory_space<vmem>>
      %dma_wait3A_622 = tpu.memref_squeeze %dma_wait3A_621 : memref<1x4x256xi32, #tpu.memory_space<vmem>> -> memref<4x256xi32, #tpu.memory_space<vmem>>
      %dma_wait3A_623 = arith.constant 0 : i32
      %dma_wait3A_624 = arith.constant 0 : i32
      %dma_wait3A_625 = tpu.memref_slice %arg4[%add3A_364, %dma_wait3A_623, %dma_wait3A_624] : memref<6250x4x256xi32, #tpu.memory_space<hbm>> -> memref<1x4x256xi32, #tpu.memory_space<hbm>>
      %dma_wait3A_626 = tpu.memref_squeeze %dma_wait3A_625 : memref<1x4x256xi32, #tpu.memory_space<hbm>> -> memref<4x256xi32, #tpu.memory_space<hbm>>
      %dma_wait3A_627 = arith.constant 0 : i32
      %dma_wait3A_628 = arith.constant 0 : i32
      %dma_wait3A_629 = tpu.memref_slice %arg10[%dma_wait3A_618, %dma_wait3A_627, %dma_wait3A_628] : memref<2x4x256xi32, #tpu.memory_space<vmem>> -> memref<1x4x256xi32, #tpu.memory_space<vmem>>
      %dma_wait3A_630 = tpu.memref_squeeze %dma_wait3A_629 : memref<1x4x256xi32, #tpu.memory_space<vmem>> -> memref<4x256xi32, #tpu.memory_space<vmem>>
      %dma_wait3A_631 = arith.constant 0 : i32
      %dma_wait3A_632 = arith.constant 0 : i32
      %dma_wait3A_633 = tpu.memref_slice %arg4[%add3A_364, %dma_wait3A_631, %dma_wait3A_632] : memref<6250x4x256xi32, #tpu.memory_space<hbm>> -> memref<1x4x256xi32, #tpu.memory_space<hbm>>
      %dma_wait3A_634 = tpu.memref_squeeze %dma_wait3A_633 : memref<1x4x256xi32, #tpu.memory_space<hbm>> -> memref<4x256xi32, #tpu.memory_space<hbm>>
      tpu.wait_dma2 semaphore(%arg14 : memref<!tpu.dma_semaphore, #tpu.memory_space<semaphore_mem>>) src(%dma_wait3A_634 : memref<4x256xi32, #tpu.memory_space<hbm>>) dst(%dma_wait3A_630 : memref<4x256xi32, #tpu.memory_space<vmem>>)
      %dma_start3A_635 = arith.constant 1 : i32
      %dma_start3A_636 = arith.constant 0 : i32
      %dma_start3A_637 = arith.constant 1 : i32
      %dma_start3A_638 = arith.constant 0 : i32
      %dma_start3A_639 = arith.constant 0 : i32
      %dma_start3A_640 = arith.constant 0 : i32
      %dma_start3A_641 = tpu.memref_slice %arg11[%dma_start3A_637, %dma_start3A_638, %dma_start3A_639, %dma_start3A_640] : memref<2x4x256x8xf32, #tpu.memory_space<vmem>> -> memref<1x1x256x8xf32, #tpu.memory_space<vmem>>
      %dma_start3A_642 = tpu.memref_squeeze %dma_start3A_641 : memref<1x1x256x8xf32, #tpu.memory_space<vmem>> -> memref<256x8xf32, #tpu.memory_space<vmem>>
      %dma_start3A_643 = arith.constant 0 : i32
      %dma_start3A_644 = tpu.memref_slice %arg9[%dma_start3A_635, %dma_start3A_636, %dma_start3A_643] : memref<2x4x256xi32, #tpu.memory_space<vmem>> -> memref<1x1x256xi32, #tpu.memory_space<vmem>>
      %dma_start3A_645 = tpu.memref_squeeze %dma_start3A_644 : memref<1x1x256xi32, #tpu.memory_space<vmem>> -> memref<256xi32, #tpu.memory_space<vmem>>
      %dma_start3A_646 = arith.constant 0 : i32
      %dma_start3A_647 = arith.constant 0 : i32
      %dma_start3A_648 = tpu.memref_slice %arg2[%dma_start3A_646, %dma_start3A_647] : memref<100000x8xf32, #tpu.memory_space<hbm>> -> memref<100000x8xf32, #tpu.memory_space<hbm>>
      tpu.enqueue_indirect_dma source(%dma_start3A_648 : memref<100000x8xf32, #tpu.memory_space<hbm>>) target(%dma_start3A_642 : memref<256x8xf32, #tpu.memory_space<vmem>>) offsets(%dma_start3A_645 : memref<256xi32, #tpu.memory_space<vmem>>) semaphore(%arg12 : memref<!tpu.dma_semaphore, #tpu.memory_space<semaphore_mem>>)
      %dma_start3A_649 = arith.constant 1 : i32
      %dma_start3A_650 = arith.constant 1 : i32
      %dma_start3A_651 = arith.constant 1 : i32
      %dma_start3A_652 = arith.constant 1 : i32
      %dma_start3A_653 = arith.constant 0 : i32
      %dma_start3A_654 = arith.constant 0 : i32
      %dma_start3A_655 = tpu.memref_slice %arg11[%dma_start3A_651, %dma_start3A_652, %dma_start3A_653, %dma_start3A_654] : memref<2x4x256x8xf32, #tpu.memory_space<vmem>> -> memref<1x1x256x8xf32, #tpu.memory_space<vmem>>
      %dma_start3A_656 = tpu.memref_squeeze %dma_start3A_655 : memref<1x1x256x8xf32, #tpu.memory_space<vmem>> -> memref<256x8xf32, #tpu.memory_space<vmem>>
      %dma_start3A_657 = arith.constant 0 : i32
      %dma_start3A_658 = tpu.memref_slice %arg9[%dma_start3A_649, %dma_start3A_650, %dma_start3A_657] : memref<2x4x256xi32, #tpu.memory_space<vmem>> -> memref<1x1x256xi32, #tpu.memory_space<vmem>>
      %dma_start3A_659 = tpu.memref_squeeze %dma_start3A_658 : memref<1x1x256xi32, #tpu.memory_space<vmem>> -> memref<256xi32, #tpu.memory_space<vmem>>
      %dma_start3A_660 = arith.constant 0 : i32
      %dma_start3A_661 = arith.constant 0 : i32
      %dma_start3A_662 = tpu.memref_slice %arg2[%dma_start3A_660, %dma_start3A_661] : memref<100000x8xf32, #tpu.memory_space<hbm>> -> memref<100000x8xf32, #tpu.memory_space<hbm>>
      tpu.enqueue_indirect_dma source(%dma_start3A_662 : memref<100000x8xf32, #tpu.memory_space<hbm>>) target(%dma_start3A_656 : memref<256x8xf32, #tpu.memory_space<vmem>>) offsets(%dma_start3A_659 : memref<256xi32, #tpu.memory_space<vmem>>) semaphore(%arg12 : memref<!tpu.dma_semaphore, #tpu.memory_space<semaphore_mem>>)
      %dma_start3A_663 = arith.constant 1 : i32
      %dma_start3A_664 = arith.constant 2 : i32
      %dma_start3A_665 = arith.constant 1 : i32
      %dma_start3A_666 = arith.constant 2 : i32
      %dma_start3A_667 = arith.constant 0 : i32
      %dma_start3A_668 = arith.constant 0 : i32
      %dma_start3A_669 = tpu.memref_slice %arg11[%dma_start3A_665, %dma_start3A_666, %dma_start3A_667, %dma_start3A_668] : memref<2x4x256x8xf32, #tpu.memory_space<vmem>> -> memref<1x1x256x8xf32, #tpu.memory_space<vmem>>
      %dma_start3A_670 = tpu.memref_squeeze %dma_start3A_669 : memref<1x1x256x8xf32, #tpu.memory_space<vmem>> -> memref<256x8xf32, #tpu.memory_space<vmem>>
      %dma_start3A_671 = arith.constant 0 : i32
      %dma_start3A_672 = tpu.memref_slice %arg9[%dma_start3A_663, %dma_start3A_664, %dma_start3A_671] : memref<2x4x256xi32, #tpu.memory_space<vmem>> -> memref<1x1x256xi32, #tpu.memory_space<vmem>>
      %dma_start3A_673 = tpu.memref_squeeze %dma_start3A_672 : memref<1x1x256xi32, #tpu.memory_space<vmem>> -> memref<256xi32, #tpu.memory_space<vmem>>
      %dma_start3A_674 = arith.constant 0 : i32
      %dma_start3A_675 = arith.constant 0 : i32
      %dma_start3A_676 = tpu.memref_slice %arg2[%dma_start3A_674, %dma_start3A_675] : memref<100000x8xf32, #tpu.memory_space<hbm>> -> memref<100000x8xf32, #tpu.memory_space<hbm>>
      tpu.enqueue_indirect_dma source(%dma_start3A_676 : memref<100000x8xf32, #tpu.memory_space<hbm>>) target(%dma_start3A_670 : memref<256x8xf32, #tpu.memory_space<vmem>>) offsets(%dma_start3A_673 : memref<256xi32, #tpu.memory_space<vmem>>) semaphore(%arg12 : memref<!tpu.dma_semaphore, #tpu.memory_space<semaphore_mem>>)
      %dma_start3A_677 = arith.constant 1 : i32
      %dma_start3A_678 = arith.constant 3 : i32
      %dma_start3A_679 = arith.constant 1 : i32
      %dma_start3A_680 = arith.constant 3 : i32
      %dma_start3A_681 = arith.constant 0 : i32
      %dma_start3A_682 = arith.constant 0 : i32
      %dma_start3A_683 = tpu.memref_slice %arg11[%dma_start3A_679, %dma_start3A_680, %dma_start3A_681, %dma_start3A_682] : memref<2x4x256x8xf32, #tpu.memory_space<vmem>> -> memref<1x1x256x8xf32, #tpu.memory_space<vmem>>
      %dma_start3A_684 = tpu.memref_squeeze %dma_start3A_683 : memref<1x1x256x8xf32, #tpu.memory_space<vmem>> -> memref<256x8xf32, #tpu.memory_space<vmem>>
      %dma_start3A_685 = arith.constant 0 : i32
      %dma_start3A_686 = tpu.memref_slice %arg9[%dma_start3A_677, %dma_start3A_678, %dma_start3A_685] : memref<2x4x256xi32, #tpu.memory_space<vmem>> -> memref<1x1x256xi32, #tpu.memory_space<vmem>>
      %dma_start3A_687 = tpu.memref_squeeze %dma_start3A_686 : memref<1x1x256xi32, #tpu.memory_space<vmem>> -> memref<256xi32, #tpu.memory_space<vmem>>
      %dma_start3A_688 = arith.constant 0 : i32
      %dma_start3A_689 = arith.constant 0 : i32
      %dma_start3A_690 = tpu.memref_slice %arg2[%dma_start3A_688, %dma_start3A_689] : memref<100000x8xf32, #tpu.memory_space<hbm>> -> memref<100000x8xf32, #tpu.memory_space<hbm>>
      tpu.enqueue_indirect_dma source(%dma_start3A_690 : memref<100000x8xf32, #tpu.memory_space<hbm>>) target(%dma_start3A_684 : memref<256x8xf32, #tpu.memory_space<vmem>>) offsets(%dma_start3A_687 : memref<256xi32, #tpu.memory_space<vmem>>) semaphore(%arg12 : memref<!tpu.dma_semaphore, #tpu.memory_space<semaphore_mem>>)
      %dma_wait3A_691 = arith.constant 1 : i32
      %dma_wait3A_692 = arith.constant 0 : i32
      %dma_wait3A_693 = arith.constant 1 : i32
      %dma_wait3A_694 = arith.constant 0 : i32
      %dma_wait3A_695 = arith.constant 0 : i32
      %dma_wait3A_696 = arith.constant 0 : i32
      %dma_wait3A_697 = tpu.memref_slice %arg11[%dma_wait3A_693, %dma_wait3A_694, %dma_wait3A_695, %dma_wait3A_696] : memref<2x4x256x8xf32, #tpu.memory_space<vmem>> -> memref<1x1x256x8xf32, #tpu.memory_space<vmem>>
      %dma_wait3A_698 = tpu.memref_squeeze %dma_wait3A_697 : memref<1x1x256x8xf32, #tpu.memory_space<vmem>> -> memref<256x8xf32, #tpu.memory_space<vmem>>
      %dma_wait3A_699 = arith.constant 0 : i32
      %dma_wait3A_700 = tpu.memref_slice %arg9[%dma_wait3A_691, %dma_wait3A_692, %dma_wait3A_699] : memref<2x4x256xi32, #tpu.memory_space<vmem>> -> memref<1x1x256xi32, #tpu.memory_space<vmem>>
      %dma_wait3A_701 = tpu.memref_squeeze %dma_wait3A_700 : memref<1x1x256xi32, #tpu.memory_space<vmem>> -> memref<256xi32, #tpu.memory_space<vmem>>
      %dma_wait3A_702 = arith.constant 0 : i32
      %dma_wait3A_703 = arith.constant 0 : i32
      %dma_wait3A_704 = tpu.memref_slice %arg2[%dma_wait3A_702, %dma_wait3A_703] : memref<100000x8xf32, #tpu.memory_space<hbm>> -> memref<100000x8xf32, #tpu.memory_space<hbm>>
      tpu.wait_indirect_dma semaphore(%arg12 : memref<!tpu.dma_semaphore, #tpu.memory_space<semaphore_mem>>) src(%dma_wait3A_704 : memref<100000x8xf32, #tpu.memory_space<hbm>>) dst(%dma_wait3A_698 : memref<256x8xf32, #tpu.memory_space<vmem>>)
      %dma_wait3A_705 = arith.constant 1 : i32
      %dma_wait3A_706 = arith.constant 1 : i32
      %dma_wait3A_707 = arith.constant 1 : i32
      %dma_wait3A_708 = arith.constant 1 : i32
      %dma_wait3A_709 = arith.constant 0 : i32
      %dma_wait3A_710 = arith.constant 0 : i32
      %dma_wait3A_711 = tpu.memref_slice %arg11[%dma_wait3A_707, %dma_wait3A_708, %dma_wait3A_709, %dma_wait3A_710] : memref<2x4x256x8xf32, #tpu.memory_space<vmem>> -> memref<1x1x256x8xf32, #tpu.memory_space<vmem>>
      %dma_wait3A_712 = tpu.memref_squeeze %dma_wait3A_711 : memref<1x1x256x8xf32, #tpu.memory_space<vmem>> -> memref<256x8xf32, #tpu.memory_space<vmem>>
      %dma_wait3A_713 = arith.constant 0 : i32
      %dma_wait3A_714 = tpu.memref_slice %arg9[%dma_wait3A_705, %dma_wait3A_706, %dma_wait3A_713] : memref<2x4x256xi32, #tpu.memory_space<vmem>> -> memref<1x1x256xi32, #tpu.memory_space<vmem>>
      %dma_wait3A_715 = tpu.memref_squeeze %dma_wait3A_714 : memref<1x1x256xi32, #tpu.memory_space<vmem>> -> memref<256xi32, #tpu.memory_space<vmem>>
      %dma_wait3A_716 = arith.constant 0 : i32
      %dma_wait3A_717 = arith.constant 0 : i32
      %dma_wait3A_718 = tpu.memref_slice %arg2[%dma_wait3A_716, %dma_wait3A_717] : memref<100000x8xf32, #tpu.memory_space<hbm>> -> memref<100000x8xf32, #tpu.memory_space<hbm>>
      tpu.wait_indirect_dma semaphore(%arg12 : memref<!tpu.dma_semaphore, #tpu.memory_space<semaphore_mem>>) src(%dma_wait3A_718 : memref<100000x8xf32, #tpu.memory_space<hbm>>) dst(%dma_wait3A_712 : memref<256x8xf32, #tpu.memory_space<vmem>>)
      %dma_wait3A_719 = arith.constant 1 : i32
      %dma_wait3A_720 = arith.constant 2 : i32
      %dma_wait3A_721 = arith.constant 1 : i32
      %dma_wait3A_722 = arith.constant 2 : i32
      %dma_wait3A_723 = arith.constant 0 : i32
      %dma_wait3A_724 = arith.constant 0 : i32
      %dma_wait3A_725 = tpu.memref_slice %arg11[%dma_wait3A_721, %dma_wait3A_722, %dma_wait3A_723, %dma_wait3A_724] : memref<2x4x256x8xf32, #tpu.memory_space<vmem>> -> memref<1x1x256x8xf32, #tpu.memory_space<vmem>>
      %dma_wait3A_726 = tpu.memref_squeeze %dma_wait3A_725 : memref<1x1x256x8xf32, #tpu.memory_space<vmem>> -> memref<256x8xf32, #tpu.memory_space<vmem>>
      %dma_wait3A_727 = arith.constant 0 : i32
      %dma_wait3A_728 = tpu.memref_slice %arg9[%dma_wait3A_719, %dma_wait3A_720, %dma_wait3A_727] : memref<2x4x256xi32, #tpu.memory_space<vmem>> -> memref<1x1x256xi32, #tpu.memory_space<vmem>>
      %dma_wait3A_729 = tpu.memref_squeeze %dma_wait3A_728 : memref<1x1x256xi32, #tpu.memory_space<vmem>> -> memref<256xi32, #tpu.memory_space<vmem>>
      %dma_wait3A_730 = arith.constant 0 : i32
      %dma_wait3A_731 = arith.constant 0 : i32
      %dma_wait3A_732 = tpu.memref_slice %arg2[%dma_wait3A_730, %dma_wait3A_731] : memref<100000x8xf32, #tpu.memory_space<hbm>> -> memref<100000x8xf32, #tpu.memory_space<hbm>>
      tpu.wait_indirect_dma semaphore(%arg12 : memref<!tpu.dma_semaphore, #tpu.memory_space<semaphore_mem>>) src(%dma_wait3A_732 : memref<100000x8xf32, #tpu.memory_space<hbm>>) dst(%dma_wait3A_726 : memref<256x8xf32, #tpu.memory_space<vmem>>)
      %dma_wait3A_733 = arith.constant 1 : i32
      %dma_wait3A_734 = arith.constant 3 : i32
      %dma_wait3A_735 = arith.constant 1 : i32
      %dma_wait3A_736 = arith.constant 3 : i32
      %dma_wait3A_737 = arith.constant 0 : i32
      %dma_wait3A_738 = arith.constant 0 : i32
      %dma_wait3A_739 = tpu.memref_slice %arg11[%dma_wait3A_735, %dma_wait3A_736, %dma_wait3A_737, %dma_wait3A_738] : memref<2x4x256x8xf32, #tpu.memory_space<vmem>> -> memref<1x1x256x8xf32, #tpu.memory_space<vmem>>
      %dma_wait3A_740 = tpu.memref_squeeze %dma_wait3A_739 : memref<1x1x256x8xf32, #tpu.memory_space<vmem>> -> memref<256x8xf32, #tpu.memory_space<vmem>>
      %dma_wait3A_741 = arith.constant 0 : i32
      %dma_wait3A_742 = tpu.memref_slice %arg9[%dma_wait3A_733, %dma_wait3A_734, %dma_wait3A_741] : memref<2x4x256xi32, #tpu.memory_space<vmem>> -> memref<1x1x256xi32, #tpu.memory_space<vmem>>
      %dma_wait3A_743 = tpu.memref_squeeze %dma_wait3A_742 : memref<1x1x256xi32, #tpu.memory_space<vmem>> -> memref<256xi32, #tpu.memory_space<vmem>>
      %dma_wait3A_744 = arith.constant 0 : i32
      %dma_wait3A_745 = arith.constant 0 : i32
      %dma_wait3A_746 = tpu.memref_slice %arg2[%dma_wait3A_744, %dma_wait3A_745] : memref<100000x8xf32, #tpu.memory_space<hbm>> -> memref<100000x8xf32, #tpu.memory_space<hbm>>
      tpu.wait_indirect_dma semaphore(%arg12 : memref<!tpu.dma_semaphore, #tpu.memory_space<semaphore_mem>>) src(%dma_wait3A_746 : memref<100000x8xf32, #tpu.memory_space<hbm>>) dst(%dma_wait3A_740 : memref<256x8xf32, #tpu.memory_space<vmem>>)
      %dma_wait3A_747 = arith.constant 0 : i32
      %dma_wait3A_748 = arith.constant 0 : i32
      %dma_wait3A_749 = arith.constant 0 : i32
      %dma_wait3A_750 = arith.constant 0 : i32
      %dma_wait3A_751 = arith.constant 0 : i32
      %dma_wait3A_752 = arith.constant 0 : i32
      %dma_wait3A_753 = tpu.memref_slice %arg11[%dma_wait3A_747, %dma_wait3A_748, %dma_wait3A_751, %dma_wait3A_752] : memref<2x4x256x8xf32, #tpu.memory_space<vmem>> -> memref<1x1x256x8xf32, #tpu.memory_space<vmem>>
      %dma_wait3A_754 = tpu.memref_squeeze %dma_wait3A_753 : memref<1x1x256x8xf32, #tpu.memory_space<vmem>> -> memref<256x8xf32, #tpu.memory_space<vmem>>
      %dma_wait3A_755 = arith.constant 0 : i32
      %dma_wait3A_756 = tpu.memref_slice %arg10[%dma_wait3A_749, %dma_wait3A_750, %dma_wait3A_755] : memref<2x4x256xi32, #tpu.memory_space<vmem>> -> memref<1x1x256xi32, #tpu.memory_space<vmem>>
      %dma_wait3A_757 = tpu.memref_squeeze %dma_wait3A_756 : memref<1x1x256xi32, #tpu.memory_space<vmem>> -> memref<256xi32, #tpu.memory_space<vmem>>
      %dma_wait3A_758 = arith.constant 0 : i32
      %dma_wait3A_759 = arith.constant 0 : i32
      %dma_wait3A_760 = tpu.memref_slice %arg8[%dma_wait3A_758, %dma_wait3A_759] : memref<100000x8xf32, #tpu.memory_space<vmem_shared>> -> memref<100000x8xf32, #tpu.memory_space<vmem_shared>>
      tpu.wait_indirect_dma semaphore(%arg13 : memref<!tpu.dma_semaphore, #tpu.memory_space<semaphore_mem>>) src(%dma_wait3A_754 : memref<256x8xf32, #tpu.memory_space<vmem>>) dst(%dma_wait3A_760 : memref<100000x8xf32, #tpu.memory_space<vmem_shared>>)
      %dma_wait3A_761 = arith.constant 0 : i32
      %dma_wait3A_762 = arith.constant 1 : i32
      %dma_wait3A_763 = arith.constant 0 : i32
      %dma_wait3A_764 = arith.constant 1 : i32
      %dma_wait3A_765 = arith.constant 0 : i32
      %dma_wait3A_766 = arith.constant 0 : i32
      %dma_wait3A_767 = tpu.memref_slice %arg11[%dma_wait3A_761, %dma_wait3A_762, %dma_wait3A_765, %dma_wait3A_766] : memref<2x4x256x8xf32, #tpu.memory_space<vmem>> -> memref<1x1x256x8xf32, #tpu.memory_space<vmem>>
      %dma_wait3A_768 = tpu.memref_squeeze %dma_wait3A_767 : memref<1x1x256x8xf32, #tpu.memory_space<vmem>> -> memref<256x8xf32, #tpu.memory_space<vmem>>
      %dma_wait3A_769 = arith.constant 0 : i32
      %dma_wait3A_770 = tpu.memref_slice %arg10[%dma_wait3A_763, %dma_wait3A_764, %dma_wait3A_769] : memref<2x4x256xi32, #tpu.memory_space<vmem>> -> memref<1x1x256xi32, #tpu.memory_space<vmem>>
      %dma_wait3A_771 = tpu.memref_squeeze %dma_wait3A_770 : memref<1x1x256xi32, #tpu.memory_space<vmem>> -> memref<256xi32, #tpu.memory_space<vmem>>
      %dma_wait3A_772 = arith.constant 0 : i32
      %dma_wait3A_773 = arith.constant 0 : i32
      %dma_wait3A_774 = tpu.memref_slice %arg8[%dma_wait3A_772, %dma_wait3A_773] : memref<100000x8xf32, #tpu.memory_space<vmem_shared>> -> memref<100000x8xf32, #tpu.memory_space<vmem_shared>>
      tpu.wait_indirect_dma semaphore(%arg13 : memref<!tpu.dma_semaphore, #tpu.memory_space<semaphore_mem>>) src(%dma_wait3A_768 : memref<256x8xf32, #tpu.memory_space<vmem>>) dst(%dma_wait3A_774 : memref<100000x8xf32, #tpu.memory_space<vmem_shared>>)
      %dma_wait3A_775 = arith.constant 0 : i32
      %dma_wait3A_776 = arith.constant 2 : i32
      %dma_wait3A_777 = arith.constant 0 : i32
      %dma_wait3A_778 = arith.constant 2 : i32
      %dma_wait3A_779 = arith.constant 0 : i32
      %dma_wait3A_780 = arith.constant 0 : i32
      %dma_wait3A_781 = tpu.memref_slice %arg11[%dma_wait3A_775, %dma_wait3A_776, %dma_wait3A_779, %dma_wait3A_780] : memref<2x4x256x8xf32, #tpu.memory_space<vmem>> -> memref<1x1x256x8xf32, #tpu.memory_space<vmem>>
      %dma_wait3A_782 = tpu.memref_squeeze %dma_wait3A_781 : memref<1x1x256x8xf32, #tpu.memory_space<vmem>> -> memref<256x8xf32, #tpu.memory_space<vmem>>
      %dma_wait3A_783 = arith.constant 0 : i32
      %dma_wait3A_784 = tpu.memref_slice %arg10[%dma_wait3A_777, %dma_wait3A_778, %dma_wait3A_783] : memref<2x4x256xi32, #tpu.memory_space<vmem>> -> memref<1x1x256xi32, #tpu.memory_space<vmem>>
      %dma_wait3A_785 = tpu.memref_squeeze %dma_wait3A_784 : memref<1x1x256xi32, #tpu.memory_space<vmem>> -> memref<256xi32, #tpu.memory_space<vmem>>
      %dma_wait3A_786 = arith.constant 0 : i32
      %dma_wait3A_787 = arith.constant 0 : i32
      %dma_wait3A_788 = tpu.memref_slice %arg8[%dma_wait3A_786, %dma_wait3A_787] : memref<100000x8xf32, #tpu.memory_space<vmem_shared>> -> memref<100000x8xf32, #tpu.memory_space<vmem_shared>>
      tpu.wait_indirect_dma semaphore(%arg13 : memref<!tpu.dma_semaphore, #tpu.memory_space<semaphore_mem>>) src(%dma_wait3A_782 : memref<256x8xf32, #tpu.memory_space<vmem>>) dst(%dma_wait3A_788 : memref<100000x8xf32, #tpu.memory_space<vmem_shared>>)
      %dma_wait3A_789 = arith.constant 0 : i32
      %dma_wait3A_790 = arith.constant 3 : i32
      %dma_wait3A_791 = arith.constant 0 : i32
      %dma_wait3A_792 = arith.constant 3 : i32
      %dma_wait3A_793 = arith.constant 0 : i32
      %dma_wait3A_794 = arith.constant 0 : i32
      %dma_wait3A_795 = tpu.memref_slice %arg11[%dma_wait3A_789, %dma_wait3A_790, %dma_wait3A_793, %dma_wait3A_794] : memref<2x4x256x8xf32, #tpu.memory_space<vmem>> -> memref<1x1x256x8xf32, #tpu.memory_space<vmem>>
      %dma_wait3A_796 = tpu.memref_squeeze %dma_wait3A_795 : memref<1x1x256x8xf32, #tpu.memory_space<vmem>> -> memref<256x8xf32, #tpu.memory_space<vmem>>
      %dma_wait3A_797 = arith.constant 0 : i32
      %dma_wait3A_798 = tpu.memref_slice %arg10[%dma_wait3A_791, %dma_wait3A_792, %dma_wait3A_797] : memref<2x4x256xi32, #tpu.memory_space<vmem>> -> memref<1x1x256xi32, #tpu.memory_space<vmem>>
      %dma_wait3A_799 = tpu.memref_squeeze %dma_wait3A_798 : memref<1x1x256xi32, #tpu.memory_space<vmem>> -> memref<256xi32, #tpu.memory_space<vmem>>
      %dma_wait3A_800 = arith.constant 0 : i32
      %dma_wait3A_801 = arith.constant 0 : i32
      %dma_wait3A_802 = tpu.memref_slice %arg8[%dma_wait3A_800, %dma_wait3A_801] : memref<100000x8xf32, #tpu.memory_space<vmem_shared>> -> memref<100000x8xf32, #tpu.memory_space<vmem_shared>>
      tpu.wait_indirect_dma semaphore(%arg13 : memref<!tpu.dma_semaphore, #tpu.memory_space<semaphore_mem>>) src(%dma_wait3A_796 : memref<256x8xf32, #tpu.memory_space<vmem>>) dst(%dma_wait3A_802 : memref<100000x8xf32, #tpu.memory_space<vmem_shared>>)
      %dma_start3A_803 = arith.constant 1 : i32
      %dma_start3A_804 = arith.constant 0 : i32
      %dma_start3A_805 = arith.constant 1 : i32
      %dma_start3A_806 = arith.constant 0 : i32
      %dma_start3A_807 = arith.constant 0 : i32
      %dma_start3A_808 = arith.constant 0 : i32
      %dma_start3A_809 = tpu.memref_slice %arg11[%dma_start3A_803, %dma_start3A_804, %dma_start3A_807, %dma_start3A_808] : memref<2x4x256x8xf32, #tpu.memory_space<vmem>> -> memref<1x1x256x8xf32, #tpu.memory_space<vmem>>
      %dma_start3A_810 = tpu.memref_squeeze %dma_start3A_809 : memref<1x1x256x8xf32, #tpu.memory_space<vmem>> -> memref<256x8xf32, #tpu.memory_space<vmem>>
      %dma_start3A_811 = arith.constant 0 : i32
      %dma_start3A_812 = tpu.memref_slice %arg10[%dma_start3A_805, %dma_start3A_806, %dma_start3A_811] : memref<2x4x256xi32, #tpu.memory_space<vmem>> -> memref<1x1x256xi32, #tpu.memory_space<vmem>>
      %dma_start3A_813 = tpu.memref_squeeze %dma_start3A_812 : memref<1x1x256xi32, #tpu.memory_space<vmem>> -> memref<256xi32, #tpu.memory_space<vmem>>
      %dma_start3A_814 = arith.constant 0 : i32
      %dma_start3A_815 = arith.constant 0 : i32
      %dma_start3A_816 = tpu.memref_slice %arg8[%dma_start3A_814, %dma_start3A_815] : memref<100000x8xf32, #tpu.memory_space<vmem_shared>> -> memref<100000x8xf32, #tpu.memory_space<vmem_shared>>
      tpu.enqueue_indirect_dma source(%dma_start3A_810 : memref<256x8xf32, #tpu.memory_space<vmem>>) target(%dma_start3A_816 : memref<100000x8xf32, #tpu.memory_space<vmem_shared>>) offsets(%dma_start3A_813 : memref<256xi32, #tpu.memory_space<vmem>>) semaphore(%arg13 : memref<!tpu.dma_semaphore, #tpu.memory_space<semaphore_mem>>) {add = true}
      %dma_start3A_817 = arith.constant 1 : i32
      %dma_start3A_818 = arith.constant 1 : i32
      %dma_start3A_819 = arith.constant 1 : i32
      %dma_start3A_820 = arith.constant 1 : i32
      %dma_start3A_821 = arith.constant 0 : i32
      %dma_start3A_822 = arith.constant 0 : i32
      %dma_start3A_823 = tpu.memref_slice %arg11[%dma_start3A_817, %dma_start3A_818, %dma_start3A_821, %dma_start3A_822] : memref<2x4x256x8xf32, #tpu.memory_space<vmem>> -> memref<1x1x256x8xf32, #tpu.memory_space<vmem>>
      %dma_start3A_824 = tpu.memref_squeeze %dma_start3A_823 : memref<1x1x256x8xf32, #tpu.memory_space<vmem>> -> memref<256x8xf32, #tpu.memory_space<vmem>>
      %dma_start3A_825 = arith.constant 0 : i32
      %dma_start3A_826 = tpu.memref_slice %arg10[%dma_start3A_819, %dma_start3A_820, %dma_start3A_825] : memref<2x4x256xi32, #tpu.memory_space<vmem>> -> memref<1x1x256xi32, #tpu.memory_space<vmem>>
      %dma_start3A_827 = tpu.memref_squeeze %dma_start3A_826 : memref<1x1x256xi32, #tpu.memory_space<vmem>> -> memref<256xi32, #tpu.memory_space<vmem>>
      %dma_start3A_828 = arith.constant 0 : i32
      %dma_start3A_829 = arith.constant 0 : i32
      %dma_start3A_830 = tpu.memref_slice %arg8[%dma_start3A_828, %dma_start3A_829] : memref<100000x8xf32, #tpu.memory_space<vmem_shared>> -> memref<100000x8xf32, #tpu.memory_space<vmem_shared>>
      tpu.enqueue_indirect_dma source(%dma_start3A_824 : memref<256x8xf32, #tpu.memory_space<vmem>>) target(%dma_start3A_830 : memref<100000x8xf32, #tpu.memory_space<vmem_shared>>) offsets(%dma_start3A_827 : memref<256xi32, #tpu.memory_space<vmem>>) semaphore(%arg13 : memref<!tpu.dma_semaphore, #tpu.memory_space<semaphore_mem>>) {add = true}
      %dma_start3A_831 = arith.constant 1 : i32
      %dma_start3A_832 = arith.constant 2 : i32
      %dma_start3A_833 = arith.constant 1 : i32
      %dma_start3A_834 = arith.constant 2 : i32
      %dma_start3A_835 = arith.constant 0 : i32
      %dma_start3A_836 = arith.constant 0 : i32
      %dma_start3A_837 = tpu.memref_slice %arg11[%dma_start3A_831, %dma_start3A_832, %dma_start3A_835, %dma_start3A_836] : memref<2x4x256x8xf32, #tpu.memory_space<vmem>> -> memref<1x1x256x8xf32, #tpu.memory_space<vmem>>
      %dma_start3A_838 = tpu.memref_squeeze %dma_start3A_837 : memref<1x1x256x8xf32, #tpu.memory_space<vmem>> -> memref<256x8xf32, #tpu.memory_space<vmem>>
      %dma_start3A_839 = arith.constant 0 : i32
      %dma_start3A_840 = tpu.memref_slice %arg10[%dma_start3A_833, %dma_start3A_834, %dma_start3A_839] : memref<2x4x256xi32, #tpu.memory_space<vmem>> -> memref<1x1x256xi32, #tpu.memory_space<vmem>>
      %dma_start3A_841 = tpu.memref_squeeze %dma_start3A_840 : memref<1x1x256xi32, #tpu.memory_space<vmem>> -> memref<256xi32, #tpu.memory_space<vmem>>
      %dma_start3A_842 = arith.constant 0 : i32
      %dma_start3A_843 = arith.constant 0 : i32
      %dma_start3A_844 = tpu.memref_slice %arg8[%dma_start3A_842, %dma_start3A_843] : memref<100000x8xf32, #tpu.memory_space<vmem_shared>> -> memref<100000x8xf32, #tpu.memory_space<vmem_shared>>
      tpu.enqueue_indirect_dma source(%dma_start3A_838 : memref<256x8xf32, #tpu.memory_space<vmem>>) target(%dma_start3A_844 : memref<100000x8xf32, #tpu.memory_space<vmem_shared>>) offsets(%dma_start3A_841 : memref<256xi32, #tpu.memory_space<vmem>>) semaphore(%arg13 : memref<!tpu.dma_semaphore, #tpu.memory_space<semaphore_mem>>) {add = true}
      %dma_start3A_845 = arith.constant 1 : i32
      %dma_start3A_846 = arith.constant 3 : i32
      %dma_start3A_847 = arith.constant 1 : i32
      %dma_start3A_848 = arith.constant 3 : i32
      %dma_start3A_849 = arith.constant 0 : i32
      %dma_start3A_850 = arith.constant 0 : i32
      %dma_start3A_851 = tpu.memref_slice %arg11[%dma_start3A_845, %dma_start3A_846, %dma_start3A_849, %dma_start3A_850] : memref<2x4x256x8xf32, #tpu.memory_space<vmem>> -> memref<1x1x256x8xf32, #tpu.memory_space<vmem>>
      %dma_start3A_852 = tpu.memref_squeeze %dma_start3A_851 : memref<1x1x256x8xf32, #tpu.memory_space<vmem>> -> memref<256x8xf32, #tpu.memory_space<vmem>>
      %dma_start3A_853 = arith.constant 0 : i32
      %dma_start3A_854 = tpu.memref_slice %arg10[%dma_start3A_847, %dma_start3A_848, %dma_start3A_853] : memref<2x4x256xi32, #tpu.memory_space<vmem>> -> memref<1x1x256xi32, #tpu.memory_space<vmem>>
      %dma_start3A_855 = tpu.memref_squeeze %dma_start3A_854 : memref<1x1x256xi32, #tpu.memory_space<vmem>> -> memref<256xi32, #tpu.memory_space<vmem>>
      %dma_start3A_856 = arith.constant 0 : i32
      %dma_start3A_857 = arith.constant 0 : i32
      %dma_start3A_858 = tpu.memref_slice %arg8[%dma_start3A_856, %dma_start3A_857] : memref<100000x8xf32, #tpu.memory_space<vmem_shared>> -> memref<100000x8xf32, #tpu.memory_space<vmem_shared>>
      tpu.enqueue_indirect_dma source(%dma_start3A_852 : memref<256x8xf32, #tpu.memory_space<vmem>>) target(%dma_start3A_858 : memref<100000x8xf32, #tpu.memory_space<vmem_shared>>) offsets(%dma_start3A_855 : memref<256xi32, #tpu.memory_space<vmem>>) semaphore(%arg13 : memref<!tpu.dma_semaphore, #tpu.memory_space<semaphore_mem>>) {add = true}
      %dma_wait3A_859 = arith.constant 1 : i32
      %dma_wait3A_860 = arith.constant 0 : i32
      %dma_wait3A_861 = arith.constant 1 : i32
      %dma_wait3A_862 = arith.constant 0 : i32
      %dma_wait3A_863 = arith.constant 0 : i32
      %dma_wait3A_864 = arith.constant 0 : i32
      %dma_wait3A_865 = tpu.memref_slice %arg11[%dma_wait3A_859, %dma_wait3A_860, %dma_wait3A_863, %dma_wait3A_864] : memref<2x4x256x8xf32, #tpu.memory_space<vmem>> -> memref<1x1x256x8xf32, #tpu.memory_space<vmem>>
      %dma_wait3A_866 = tpu.memref_squeeze %dma_wait3A_865 : memref<1x1x256x8xf32, #tpu.memory_space<vmem>> -> memref<256x8xf32, #tpu.memory_space<vmem>>
      %dma_wait3A_867 = arith.constant 0 : i32
      %dma_wait3A_868 = tpu.memref_slice %arg10[%dma_wait3A_861, %dma_wait3A_862, %dma_wait3A_867] : memref<2x4x256xi32, #tpu.memory_space<vmem>> -> memref<1x1x256xi32, #tpu.memory_space<vmem>>
      %dma_wait3A_869 = tpu.memref_squeeze %dma_wait3A_868 : memref<1x1x256xi32, #tpu.memory_space<vmem>> -> memref<256xi32, #tpu.memory_space<vmem>>
      %dma_wait3A_870 = arith.constant 0 : i32
      %dma_wait3A_871 = arith.constant 0 : i32
      %dma_wait3A_872 = tpu.memref_slice %arg8[%dma_wait3A_870, %dma_wait3A_871] : memref<100000x8xf32, #tpu.memory_space<vmem_shared>> -> memref<100000x8xf32, #tpu.memory_space<vmem_shared>>
      tpu.wait_indirect_dma semaphore(%arg13 : memref<!tpu.dma_semaphore, #tpu.memory_space<semaphore_mem>>) src(%dma_wait3A_866 : memref<256x8xf32, #tpu.memory_space<vmem>>) dst(%dma_wait3A_872 : memref<100000x8xf32, #tpu.memory_space<vmem_shared>>)
      %dma_wait3A_873 = arith.constant 1 : i32
      %dma_wait3A_874 = arith.constant 1 : i32
      %dma_wait3A_875 = arith.constant 1 : i32
      %dma_wait3A_876 = arith.constant 1 : i32
      %dma_wait3A_877 = arith.constant 0 : i32
      %dma_wait3A_878 = arith.constant 0 : i32
      %dma_wait3A_879 = tpu.memref_slice %arg11[%dma_wait3A_873, %dma_wait3A_874, %dma_wait3A_877, %dma_wait3A_878] : memref<2x4x256x8xf32, #tpu.memory_space<vmem>> -> memref<1x1x256x8xf32, #tpu.memory_space<vmem>>
      %dma_wait3A_880 = tpu.memref_squeeze %dma_wait3A_879 : memref<1x1x256x8xf32, #tpu.memory_space<vmem>> -> memref<256x8xf32, #tpu.memory_space<vmem>>
      %dma_wait3A_881 = arith.constant 0 : i32
      %dma_wait3A_882 = tpu.memref_slice %arg10[%dma_wait3A_875, %dma_wait3A_876, %dma_wait3A_881] : memref<2x4x256xi32, #tpu.memory_space<vmem>> -> memref<1x1x256xi32, #tpu.memory_space<vmem>>
      %dma_wait3A_883 = tpu.memref_squeeze %dma_wait3A_882 : memref<1x1x256xi32, #tpu.memory_space<vmem>> -> memref<256xi32, #tpu.memory_space<vmem>>
      %dma_wait3A_884 = arith.constant 0 : i32
      %dma_wait3A_885 = arith.constant 0 : i32
      %dma_wait3A_886 = tpu.memref_slice %arg8[%dma_wait3A_884, %dma_wait3A_885] : memref<100000x8xf32, #tpu.memory_space<vmem_shared>> -> memref<100000x8xf32, #tpu.memory_space<vmem_shared>>
      tpu.wait_indirect_dma semaphore(%arg13 : memref<!tpu.dma_semaphore, #tpu.memory_space<semaphore_mem>>) src(%dma_wait3A_880 : memref<256x8xf32, #tpu.memory_space<vmem>>) dst(%dma_wait3A_886 : memref<100000x8xf32, #tpu.memory_space<vmem_shared>>)
      %dma_wait3A_887 = arith.constant 1 : i32
      %dma_wait3A_888 = arith.constant 2 : i32
      %dma_wait3A_889 = arith.constant 1 : i32
      %dma_wait3A_890 = arith.constant 2 : i32
      %dma_wait3A_891 = arith.constant 0 : i32
      %dma_wait3A_892 = arith.constant 0 : i32
      %dma_wait3A_893 = tpu.memref_slice %arg11[%dma_wait3A_887, %dma_wait3A_888, %dma_wait3A_891, %dma_wait3A_892] : memref<2x4x256x8xf32, #tpu.memory_space<vmem>> -> memref<1x1x256x8xf32, #tpu.memory_space<vmem>>
      %dma_wait3A_894 = tpu.memref_squeeze %dma_wait3A_893 : memref<1x1x256x8xf32, #tpu.memory_space<vmem>> -> memref<256x8xf32, #tpu.memory_space<vmem>>
      %dma_wait3A_895 = arith.constant 0 : i32
      %dma_wait3A_896 = tpu.memref_slice %arg10[%dma_wait3A_889, %dma_wait3A_890, %dma_wait3A_895] : memref<2x4x256xi32, #tpu.memory_space<vmem>> -> memref<1x1x256xi32, #tpu.memory_space<vmem>>
      %dma_wait3A_897 = tpu.memref_squeeze %dma_wait3A_896 : memref<1x1x256xi32, #tpu.memory_space<vmem>> -> memref<256xi32, #tpu.memory_space<vmem>>
      %dma_wait3A_898 = arith.constant 0 : i32
      %dma_wait3A_899 = arith.constant 0 : i32
      %dma_wait3A_900 = tpu.memref_slice %arg8[%dma_wait3A_898, %dma_wait3A_899] : memref<100000x8xf32, #tpu.memory_space<vmem_shared>> -> memref<100000x8xf32, #tpu.memory_space<vmem_shared>>
      tpu.wait_indirect_dma semaphore(%arg13 : memref<!tpu.dma_semaphore, #tpu.memory_space<semaphore_mem>>) src(%dma_wait3A_894 : memref<256x8xf32, #tpu.memory_space<vmem>>) dst(%dma_wait3A_900 : memref<100000x8xf32, #tpu.memory_space<vmem_shared>>)
      %dma_wait3A_901 = arith.constant 1 : i32
      %dma_wait3A_902 = arith.constant 3 : i32
      %dma_wait3A_903 = arith.constant 1 : i32
      %dma_wait3A_904 = arith.constant 3 : i32
      %dma_wait3A_905 = arith.constant 0 : i32
      %dma_wait3A_906 = arith.constant 0 : i32
      %dma_wait3A_907 = tpu.memref_slice %arg11[%dma_wait3A_901, %dma_wait3A_902, %dma_wait3A_905, %dma_wait3A_906] : memref<2x4x256x8xf32, #tpu.memory_space<vmem>> -> memref<1x1x256x8xf32, #tpu.memory_space<vmem>>
      %dma_wait3A_908 = tpu.memref_squeeze %dma_wait3A_907 : memref<1x1x256x8xf32, #tpu.memory_space<vmem>> -> memref<256x8xf32, #tpu.memory_space<vmem>>
      %dma_wait3A_909 = arith.constant 0 : i32
      %dma_wait3A_910 = tpu.memref_slice %arg10[%dma_wait3A_903, %dma_wait3A_904, %dma_wait3A_909] : memref<2x4x256xi32, #tpu.memory_space<vmem>> -> memref<1x1x256xi32, #tpu.memory_space<vmem>>
      %dma_wait3A_911 = tpu.memref_squeeze %dma_wait3A_910 : memref<1x1x256xi32, #tpu.memory_space<vmem>> -> memref<256xi32, #tpu.memory_space<vmem>>
      %dma_wait3A_912 = arith.constant 0 : i32
      %dma_wait3A_913 = arith.constant 0 : i32
      %dma_wait3A_914 = tpu.memref_slice %arg8[%dma_wait3A_912, %dma_wait3A_913] : memref<100000x8xf32, #tpu.memory_space<vmem_shared>> -> memref<100000x8xf32, #tpu.memory_space<vmem_shared>>
      tpu.wait_indirect_dma semaphore(%arg13 : memref<!tpu.dma_semaphore, #tpu.memory_space<semaphore_mem>>) src(%dma_wait3A_908 : memref<256x8xf32, #tpu.memory_space<vmem>>) dst(%dma_wait3A_914 : memref<100000x8xf32, #tpu.memory_space<vmem_shared>>)
    }
    %scan3A_15 = arith.constant 97 : i32
    %add3A_16 = arith.constant 195 : i32
    %add3A_17 = arith.addi %mul3A_10, %add3A_16 : i32
    %sub3A = arith.constant 1 : i32
    %sub3A_18 = arith.subi %add3A_17, %sub3A : i32
    %dma_start3A = arith.constant 0 : i32
    %dma_start3A_19 = arith.constant 0 : i32
    %dma_start3A_20 = arith.constant 0 : i32
    %dma_start3A_21 = tpu.memref_slice %arg9[%dma_start3A, %dma_start3A_19, %dma_start3A_20] : memref<2x4x256xi32, #tpu.memory_space<vmem>> -> memref<1x4x256xi32, #tpu.memory_space<vmem>>
    %dma_start3A_22 = tpu.memref_squeeze %dma_start3A_21 : memref<1x4x256xi32, #tpu.memory_space<vmem>> -> memref<4x256xi32, #tpu.memory_space<vmem>>
    %dma_start3A_23 = arith.constant 0 : i32
    %dma_start3A_24 = arith.constant 0 : i32
    %dma_start3A_25 = tpu.memref_slice %arg3[%sub3A_18, %dma_start3A_23, %dma_start3A_24] : memref<6250x4x256xi32, #tpu.memory_space<hbm>> -> memref<1x4x256xi32, #tpu.memory_space<hbm>>
    %dma_start3A_26 = tpu.memref_squeeze %dma_start3A_25 : memref<1x4x256xi32, #tpu.memory_space<hbm>> -> memref<4x256xi32, #tpu.memory_space<hbm>>
    %dma_start3A_27 = arith.constant 0 : i32
    %dma_start3A_28 = arith.constant 0 : i32
    %dma_start3A_29 = tpu.memref_slice %arg9[%dma_start3A, %dma_start3A_27, %dma_start3A_28] : memref<2x4x256xi32, #tpu.memory_space<vmem>> -> memref<1x4x256xi32, #tpu.memory_space<vmem>>
    %dma_start3A_30 = tpu.memref_squeeze %dma_start3A_29 : memref<1x4x256xi32, #tpu.memory_space<vmem>> -> memref<4x256xi32, #tpu.memory_space<vmem>>
    %dma_start3A_31 = arith.constant 0 : i32
    %dma_start3A_32 = arith.constant 0 : i32
    %dma_start3A_33 = tpu.memref_slice %arg3[%sub3A_18, %dma_start3A_31, %dma_start3A_32] : memref<6250x4x256xi32, #tpu.memory_space<hbm>> -> memref<1x4x256xi32, #tpu.memory_space<hbm>>
    %dma_start3A_34 = tpu.memref_squeeze %dma_start3A_33 : memref<1x4x256xi32, #tpu.memory_space<hbm>> -> memref<4x256xi32, #tpu.memory_space<hbm>>
    tpu.enqueue_dma source(%dma_start3A_34 : memref<4x256xi32, #tpu.memory_space<hbm>>) target(%dma_start3A_30 : memref<4x256xi32, #tpu.memory_space<vmem>>) target_semaphore(%arg14 : memref<!tpu.dma_semaphore, #tpu.memory_space<semaphore_mem>>)
    %dma_start3A_35 = arith.constant 0 : i32
    %dma_start3A_36 = arith.constant 0 : i32
    %dma_start3A_37 = arith.constant 0 : i32
    %dma_start3A_38 = tpu.memref_slice %arg10[%dma_start3A_35, %dma_start3A_36, %dma_start3A_37] : memref<2x4x256xi32, #tpu.memory_space<vmem>> -> memref<1x4x256xi32, #tpu.memory_space<vmem>>
    %dma_start3A_39 = tpu.memref_squeeze %dma_start3A_38 : memref<1x4x256xi32, #tpu.memory_space<vmem>> -> memref<4x256xi32, #tpu.memory_space<vmem>>
    %dma_start3A_40 = arith.constant 0 : i32
    %dma_start3A_41 = arith.constant 0 : i32
    %dma_start3A_42 = tpu.memref_slice %arg4[%sub3A_18, %dma_start3A_40, %dma_start3A_41] : memref<6250x4x256xi32, #tpu.memory_space<hbm>> -> memref<1x4x256xi32, #tpu.memory_space<hbm>>
    %dma_start3A_43 = tpu.memref_squeeze %dma_start3A_42 : memref<1x4x256xi32, #tpu.memory_space<hbm>> -> memref<4x256xi32, #tpu.memory_space<hbm>>
    %dma_start3A_44 = arith.constant 0 : i32
    %dma_start3A_45 = arith.constant 0 : i32
    %dma_start3A_46 = tpu.memref_slice %arg10[%dma_start3A_35, %dma_start3A_44, %dma_start3A_45] : memref<2x4x256xi32, #tpu.memory_space<vmem>> -> memref<1x4x256xi32, #tpu.memory_space<vmem>>
    %dma_start3A_47 = tpu.memref_squeeze %dma_start3A_46 : memref<1x4x256xi32, #tpu.memory_space<vmem>> -> memref<4x256xi32, #tpu.memory_space<vmem>>
    %dma_start3A_48 = arith.constant 0 : i32
    %dma_start3A_49 = arith.constant 0 : i32
    %dma_start3A_50 = tpu.memref_slice %arg4[%sub3A_18, %dma_start3A_48, %dma_start3A_49] : memref<6250x4x256xi32, #tpu.memory_space<hbm>> -> memref<1x4x256xi32, #tpu.memory_space<hbm>>
    %dma_start3A_51 = tpu.memref_squeeze %dma_start3A_50 : memref<1x4x256xi32, #tpu.memory_space<hbm>> -> memref<4x256xi32, #tpu.memory_space<hbm>>
    tpu.enqueue_dma source(%dma_start3A_51 : memref<4x256xi32, #tpu.memory_space<hbm>>) target(%dma_start3A_47 : memref<4x256xi32, #tpu.memory_space<vmem>>) target_semaphore(%arg14 : memref<!tpu.dma_semaphore, #tpu.memory_space<semaphore_mem>>)
    %dma_wait3A = arith.constant 0 : i32
    %dma_wait3A_52 = arith.constant 0 : i32
    %dma_wait3A_53 = arith.constant 0 : i32
    %dma_wait3A_54 = tpu.memref_slice %arg9[%dma_wait3A, %dma_wait3A_52, %dma_wait3A_53] : memref<2x4x256xi32, #tpu.memory_space<vmem>> -> memref<1x4x256xi32, #tpu.memory_space<vmem>>
    %dma_wait3A_55 = tpu.memref_squeeze %dma_wait3A_54 : memref<1x4x256xi32, #tpu.memory_space<vmem>> -> memref<4x256xi32, #tpu.memory_space<vmem>>
    %dma_wait3A_56 = arith.constant 0 : i32
    %dma_wait3A_57 = arith.constant 0 : i32
    %dma_wait3A_58 = tpu.memref_slice %arg3[%sub3A_18, %dma_wait3A_56, %dma_wait3A_57] : memref<6250x4x256xi32, #tpu.memory_space<hbm>> -> memref<1x4x256xi32, #tpu.memory_space<hbm>>
    %dma_wait3A_59 = tpu.memref_squeeze %dma_wait3A_58 : memref<1x4x256xi32, #tpu.memory_space<hbm>> -> memref<4x256xi32, #tpu.memory_space<hbm>>
    %dma_wait3A_60 = arith.constant 0 : i32
    %dma_wait3A_61 = arith.constant 0 : i32
    %dma_wait3A_62 = tpu.memref_slice %arg9[%dma_wait3A, %dma_wait3A_60, %dma_wait3A_61] : memref<2x4x256xi32, #tpu.memory_space<vmem>> -> memref<1x4x256xi32, #tpu.memory_space<vmem>>
    %dma_wait3A_63 = tpu.memref_squeeze %dma_wait3A_62 : memref<1x4x256xi32, #tpu.memory_space<vmem>> -> memref<4x256xi32, #tpu.memory_space<vmem>>
    %dma_wait3A_64 = arith.constant 0 : i32
    %dma_wait3A_65 = arith.constant 0 : i32
    %dma_wait3A_66 = tpu.memref_slice %arg3[%sub3A_18, %dma_wait3A_64, %dma_wait3A_65] : memref<6250x4x256xi32, #tpu.memory_space<hbm>> -> memref<1x4x256xi32, #tpu.memory_space<hbm>>
    %dma_wait3A_67 = tpu.memref_squeeze %dma_wait3A_66 : memref<1x4x256xi32, #tpu.memory_space<hbm>> -> memref<4x256xi32, #tpu.memory_space<hbm>>
    tpu.wait_dma2 semaphore(%arg14 : memref<!tpu.dma_semaphore, #tpu.memory_space<semaphore_mem>>) src(%dma_wait3A_67 : memref<4x256xi32, #tpu.memory_space<hbm>>) dst(%dma_wait3A_63 : memref<4x256xi32, #tpu.memory_space<vmem>>)
    %dma_wait3A_68 = arith.constant 0 : i32
    %dma_wait3A_69 = arith.constant 0 : i32
    %dma_wait3A_70 = arith.constant 0 : i32
    %dma_wait3A_71 = tpu.memref_slice %arg10[%dma_wait3A_68, %dma_wait3A_69, %dma_wait3A_70] : memref<2x4x256xi32, #tpu.memory_space<vmem>> -> memref<1x4x256xi32, #tpu.memory_space<vmem>>
    %dma_wait3A_72 = tpu.memref_squeeze %dma_wait3A_71 : memref<1x4x256xi32, #tpu.memory_space<vmem>> -> memref<4x256xi32, #tpu.memory_space<vmem>>
    %dma_wait3A_73 = arith.constant 0 : i32
    %dma_wait3A_74 = arith.constant 0 : i32
    %dma_wait3A_75 = tpu.memref_slice %arg4[%sub3A_18, %dma_wait3A_73, %dma_wait3A_74] : memref<6250x4x256xi32, #tpu.memory_space<hbm>> -> memref<1x4x256xi32, #tpu.memory_space<hbm>>
    %dma_wait3A_76 = tpu.memref_squeeze %dma_wait3A_75 : memref<1x4x256xi32, #tpu.memory_space<hbm>> -> memref<4x256xi32, #tpu.memory_space<hbm>>
    %dma_wait3A_77 = arith.constant 0 : i32
    %dma_wait3A_78 = arith.constant 0 : i32
    %dma_wait3A_79 = tpu.memref_slice %arg10[%dma_wait3A_68, %dma_wait3A_77, %dma_wait3A_78] : memref<2x4x256xi32, #tpu.memory_space<vmem>> -> memref<1x4x256xi32, #tpu.memory_space<vmem>>
    %dma_wait3A_80 = tpu.memref_squeeze %dma_wait3A_79 : memref<1x4x256xi32, #tpu.memory_space<vmem>> -> memref<4x256xi32, #tpu.memory_space<vmem>>
    %dma_wait3A_81 = arith.constant 0 : i32
    %dma_wait3A_82 = arith.constant 0 : i32
    %dma_wait3A_83 = tpu.memref_slice %arg4[%sub3A_18, %dma_wait3A_81, %dma_wait3A_82] : memref<6250x4x256xi32, #tpu.memory_space<hbm>> -> memref<1x4x256xi32, #tpu.memory_space<hbm>>
    %dma_wait3A_84 = tpu.memref_squeeze %dma_wait3A_83 : memref<1x4x256xi32, #tpu.memory_space<hbm>> -> memref<4x256xi32, #tpu.memory_space<hbm>>
    tpu.wait_dma2 semaphore(%arg14 : memref<!tpu.dma_semaphore, #tpu.memory_space<semaphore_mem>>) src(%dma_wait3A_84 : memref<4x256xi32, #tpu.memory_space<hbm>>) dst(%dma_wait3A_80 : memref<4x256xi32, #tpu.memory_space<vmem>>)
    %dma_start3A_85 = arith.constant 0 : i32
    %dma_start3A_86 = arith.constant 0 : i32
    %dma_start3A_87 = arith.constant 0 : i32
    %dma_start3A_88 = arith.constant 0 : i32
    %dma_start3A_89 = arith.constant 0 : i32
    %dma_start3A_90 = arith.constant 0 : i32
    %dma_start3A_91 = tpu.memref_slice %arg11[%dma_start3A_87, %dma_start3A_88, %dma_start3A_89, %dma_start3A_90] : memref<2x4x256x8xf32, #tpu.memory_space<vmem>> -> memref<1x1x256x8xf32, #tpu.memory_space<vmem>>
    %dma_start3A_92 = tpu.memref_squeeze %dma_start3A_91 : memref<1x1x256x8xf32, #tpu.memory_space<vmem>> -> memref<256x8xf32, #tpu.memory_space<vmem>>
    %dma_start3A_93 = arith.constant 0 : i32
    %dma_start3A_94 = tpu.memref_slice %arg9[%dma_start3A_85, %dma_start3A_86, %dma_start3A_93] : memref<2x4x256xi32, #tpu.memory_space<vmem>> -> memref<1x1x256xi32, #tpu.memory_space<vmem>>
    %dma_start3A_95 = tpu.memref_squeeze %dma_start3A_94 : memref<1x1x256xi32, #tpu.memory_space<vmem>> -> memref<256xi32, #tpu.memory_space<vmem>>
    %dma_start3A_96 = arith.constant 0 : i32
    %dma_start3A_97 = arith.constant 0 : i32
    %dma_start3A_98 = tpu.memref_slice %arg2[%dma_start3A_96, %dma_start3A_97] : memref<100000x8xf32, #tpu.memory_space<hbm>> -> memref<100000x8xf32, #tpu.memory_space<hbm>>
    tpu.enqueue_indirect_dma source(%dma_start3A_98 : memref<100000x8xf32, #tpu.memory_space<hbm>>) target(%dma_start3A_92 : memref<256x8xf32, #tpu.memory_space<vmem>>) offsets(%dma_start3A_95 : memref<256xi32, #tpu.memory_space<vmem>>) semaphore(%arg12 : memref<!tpu.dma_semaphore, #tpu.memory_space<semaphore_mem>>)
    %dma_start3A_99 = arith.constant 0 : i32
    %dma_start3A_100 = arith.constant 1 : i32
    %dma_start3A_101 = arith.constant 0 : i32
    %dma_start3A_102 = arith.constant 1 : i32
    %dma_start3A_103 = arith.constant 0 : i32
    %dma_start3A_104 = arith.constant 0 : i32
    %dma_start3A_105 = tpu.memref_slice %arg11[%dma_start3A_101, %dma_start3A_102, %dma_start3A_103, %dma_start3A_104] : memref<2x4x256x8xf32, #tpu.memory_space<vmem>> -> memref<1x1x256x8xf32, #tpu.memory_space<vmem>>
    %dma_start3A_106 = tpu.memref_squeeze %dma_start3A_105 : memref<1x1x256x8xf32, #tpu.memory_space<vmem>> -> memref<256x8xf32, #tpu.memory_space<vmem>>
    %dma_start3A_107 = arith.constant 0 : i32
    %dma_start3A_108 = tpu.memref_slice %arg9[%dma_start3A_99, %dma_start3A_100, %dma_start3A_107] : memref<2x4x256xi32, #tpu.memory_space<vmem>> -> memref<1x1x256xi32, #tpu.memory_space<vmem>>
    %dma_start3A_109 = tpu.memref_squeeze %dma_start3A_108 : memref<1x1x256xi32, #tpu.memory_space<vmem>> -> memref<256xi32, #tpu.memory_space<vmem>>
    %dma_start3A_110 = arith.constant 0 : i32
    %dma_start3A_111 = arith.constant 0 : i32
    %dma_start3A_112 = tpu.memref_slice %arg2[%dma_start3A_110, %dma_start3A_111] : memref<100000x8xf32, #tpu.memory_space<hbm>> -> memref<100000x8xf32, #tpu.memory_space<hbm>>
    tpu.enqueue_indirect_dma source(%dma_start3A_112 : memref<100000x8xf32, #tpu.memory_space<hbm>>) target(%dma_start3A_106 : memref<256x8xf32, #tpu.memory_space<vmem>>) offsets(%dma_start3A_109 : memref<256xi32, #tpu.memory_space<vmem>>) semaphore(%arg12 : memref<!tpu.dma_semaphore, #tpu.memory_space<semaphore_mem>>)
    %dma_start3A_113 = arith.constant 0 : i32
    %dma_start3A_114 = arith.constant 2 : i32
    %dma_start3A_115 = arith.constant 0 : i32
    %dma_start3A_116 = arith.constant 2 : i32
    %dma_start3A_117 = arith.constant 0 : i32
    %dma_start3A_118 = arith.constant 0 : i32
    %dma_start3A_119 = tpu.memref_slice %arg11[%dma_start3A_115, %dma_start3A_116, %dma_start3A_117, %dma_start3A_118] : memref<2x4x256x8xf32, #tpu.memory_space<vmem>> -> memref<1x1x256x8xf32, #tpu.memory_space<vmem>>
    %dma_start3A_120 = tpu.memref_squeeze %dma_start3A_119 : memref<1x1x256x8xf32, #tpu.memory_space<vmem>> -> memref<256x8xf32, #tpu.memory_space<vmem>>
    %dma_start3A_121 = arith.constant 0 : i32
    %dma_start3A_122 = tpu.memref_slice %arg9[%dma_start3A_113, %dma_start3A_114, %dma_start3A_121] : memref<2x4x256xi32, #tpu.memory_space<vmem>> -> memref<1x1x256xi32, #tpu.memory_space<vmem>>
    %dma_start3A_123 = tpu.memref_squeeze %dma_start3A_122 : memref<1x1x256xi32, #tpu.memory_space<vmem>> -> memref<256xi32, #tpu.memory_space<vmem>>
    %dma_start3A_124 = arith.constant 0 : i32
    %dma_start3A_125 = arith.constant 0 : i32
    %dma_start3A_126 = tpu.memref_slice %arg2[%dma_start3A_124, %dma_start3A_125] : memref<100000x8xf32, #tpu.memory_space<hbm>> -> memref<100000x8xf32, #tpu.memory_space<hbm>>
    tpu.enqueue_indirect_dma source(%dma_start3A_126 : memref<100000x8xf32, #tpu.memory_space<hbm>>) target(%dma_start3A_120 : memref<256x8xf32, #tpu.memory_space<vmem>>) offsets(%dma_start3A_123 : memref<256xi32, #tpu.memory_space<vmem>>) semaphore(%arg12 : memref<!tpu.dma_semaphore, #tpu.memory_space<semaphore_mem>>)
    %dma_start3A_127 = arith.constant 0 : i32
    %dma_start3A_128 = arith.constant 3 : i32
    %dma_start3A_129 = arith.constant 0 : i32
    %dma_start3A_130 = arith.constant 3 : i32
    %dma_start3A_131 = arith.constant 0 : i32
    %dma_start3A_132 = arith.constant 0 : i32
    %dma_start3A_133 = tpu.memref_slice %arg11[%dma_start3A_129, %dma_start3A_130, %dma_start3A_131, %dma_start3A_132] : memref<2x4x256x8xf32, #tpu.memory_space<vmem>> -> memref<1x1x256x8xf32, #tpu.memory_space<vmem>>
    %dma_start3A_134 = tpu.memref_squeeze %dma_start3A_133 : memref<1x1x256x8xf32, #tpu.memory_space<vmem>> -> memref<256x8xf32, #tpu.memory_space<vmem>>
    %dma_start3A_135 = arith.constant 0 : i32
    %dma_start3A_136 = tpu.memref_slice %arg9[%dma_start3A_127, %dma_start3A_128, %dma_start3A_135] : memref<2x4x256xi32, #tpu.memory_space<vmem>> -> memref<1x1x256xi32, #tpu.memory_space<vmem>>
    %dma_start3A_137 = tpu.memref_squeeze %dma_start3A_136 : memref<1x1x256xi32, #tpu.memory_space<vmem>> -> memref<256xi32, #tpu.memory_space<vmem>>
    %dma_start3A_138 = arith.constant 0 : i32
    %dma_start3A_139 = arith.constant 0 : i32
    %dma_start3A_140 = tpu.memref_slice %arg2[%dma_start3A_138, %dma_start3A_139] : memref<100000x8xf32, #tpu.memory_space<hbm>> -> memref<100000x8xf32, #tpu.memory_space<hbm>>
    tpu.enqueue_indirect_dma source(%dma_start3A_140 : memref<100000x8xf32, #tpu.memory_space<hbm>>) target(%dma_start3A_134 : memref<256x8xf32, #tpu.memory_space<vmem>>) offsets(%dma_start3A_137 : memref<256xi32, #tpu.memory_space<vmem>>) semaphore(%arg12 : memref<!tpu.dma_semaphore, #tpu.memory_space<semaphore_mem>>)
    %dma_wait3A_141 = arith.constant 0 : i32
    %dma_wait3A_142 = arith.constant 0 : i32
    %dma_wait3A_143 = arith.constant 0 : i32
    %dma_wait3A_144 = arith.constant 0 : i32
    %dma_wait3A_145 = arith.constant 0 : i32
    %dma_wait3A_146 = arith.constant 0 : i32
    %dma_wait3A_147 = tpu.memref_slice %arg11[%dma_wait3A_143, %dma_wait3A_144, %dma_wait3A_145, %dma_wait3A_146] : memref<2x4x256x8xf32, #tpu.memory_space<vmem>> -> memref<1x1x256x8xf32, #tpu.memory_space<vmem>>
    %dma_wait3A_148 = tpu.memref_squeeze %dma_wait3A_147 : memref<1x1x256x8xf32, #tpu.memory_space<vmem>> -> memref<256x8xf32, #tpu.memory_space<vmem>>
    %dma_wait3A_149 = arith.constant 0 : i32
    %dma_wait3A_150 = tpu.memref_slice %arg9[%dma_wait3A_141, %dma_wait3A_142, %dma_wait3A_149] : memref<2x4x256xi32, #tpu.memory_space<vmem>> -> memref<1x1x256xi32, #tpu.memory_space<vmem>>
    %dma_wait3A_151 = tpu.memref_squeeze %dma_wait3A_150 : memref<1x1x256xi32, #tpu.memory_space<vmem>> -> memref<256xi32, #tpu.memory_space<vmem>>
    %dma_wait3A_152 = arith.constant 0 : i32
    %dma_wait3A_153 = arith.constant 0 : i32
    %dma_wait3A_154 = tpu.memref_slice %arg2[%dma_wait3A_152, %dma_wait3A_153] : memref<100000x8xf32, #tpu.memory_space<hbm>> -> memref<100000x8xf32, #tpu.memory_space<hbm>>
    tpu.wait_indirect_dma semaphore(%arg12 : memref<!tpu.dma_semaphore, #tpu.memory_space<semaphore_mem>>) src(%dma_wait3A_154 : memref<100000x8xf32, #tpu.memory_space<hbm>>) dst(%dma_wait3A_148 : memref<256x8xf32, #tpu.memory_space<vmem>>)
    %dma_wait3A_155 = arith.constant 0 : i32
    %dma_wait3A_156 = arith.constant 1 : i32
    %dma_wait3A_157 = arith.constant 0 : i32
    %dma_wait3A_158 = arith.constant 1 : i32
    %dma_wait3A_159 = arith.constant 0 : i32
    %dma_wait3A_160 = arith.constant 0 : i32
    %dma_wait3A_161 = tpu.memref_slice %arg11[%dma_wait3A_157, %dma_wait3A_158, %dma_wait3A_159, %dma_wait3A_160] : memref<2x4x256x8xf32, #tpu.memory_space<vmem>> -> memref<1x1x256x8xf32, #tpu.memory_space<vmem>>
    %dma_wait3A_162 = tpu.memref_squeeze %dma_wait3A_161 : memref<1x1x256x8xf32, #tpu.memory_space<vmem>> -> memref<256x8xf32, #tpu.memory_space<vmem>>
    %dma_wait3A_163 = arith.constant 0 : i32
    %dma_wait3A_164 = tpu.memref_slice %arg9[%dma_wait3A_155, %dma_wait3A_156, %dma_wait3A_163] : memref<2x4x256xi32, #tpu.memory_space<vmem>> -> memref<1x1x256xi32, #tpu.memory_space<vmem>>
    %dma_wait3A_165 = tpu.memref_squeeze %dma_wait3A_164 : memref<1x1x256xi32, #tpu.memory_space<vmem>> -> memref<256xi32, #tpu.memory_space<vmem>>
    %dma_wait3A_166 = arith.constant 0 : i32
    %dma_wait3A_167 = arith.constant 0 : i32
    %dma_wait3A_168 = tpu.memref_slice %arg2[%dma_wait3A_166, %dma_wait3A_167] : memref<100000x8xf32, #tpu.memory_space<hbm>> -> memref<100000x8xf32, #tpu.memory_space<hbm>>
    tpu.wait_indirect_dma semaphore(%arg12 : memref<!tpu.dma_semaphore, #tpu.memory_space<semaphore_mem>>) src(%dma_wait3A_168 : memref<100000x8xf32, #tpu.memory_space<hbm>>) dst(%dma_wait3A_162 : memref<256x8xf32, #tpu.memory_space<vmem>>)
    %dma_wait3A_169 = arith.constant 0 : i32
    %dma_wait3A_170 = arith.constant 2 : i32
    %dma_wait3A_171 = arith.constant 0 : i32
    %dma_wait3A_172 = arith.constant 2 : i32
    %dma_wait3A_173 = arith.constant 0 : i32
    %dma_wait3A_174 = arith.constant 0 : i32
    %dma_wait3A_175 = tpu.memref_slice %arg11[%dma_wait3A_171, %dma_wait3A_172, %dma_wait3A_173, %dma_wait3A_174] : memref<2x4x256x8xf32, #tpu.memory_space<vmem>> -> memref<1x1x256x8xf32, #tpu.memory_space<vmem>>
    %dma_wait3A_176 = tpu.memref_squeeze %dma_wait3A_175 : memref<1x1x256x8xf32, #tpu.memory_space<vmem>> -> memref<256x8xf32, #tpu.memory_space<vmem>>
    %dma_wait3A_177 = arith.constant 0 : i32
    %dma_wait3A_178 = tpu.memref_slice %arg9[%dma_wait3A_169, %dma_wait3A_170, %dma_wait3A_177] : memref<2x4x256xi32, #tpu.memory_space<vmem>> -> memref<1x1x256xi32, #tpu.memory_space<vmem>>
    %dma_wait3A_179 = tpu.memref_squeeze %dma_wait3A_178 : memref<1x1x256xi32, #tpu.memory_space<vmem>> -> memref<256xi32, #tpu.memory_space<vmem>>
    %dma_wait3A_180 = arith.constant 0 : i32
    %dma_wait3A_181 = arith.constant 0 : i32
    %dma_wait3A_182 = tpu.memref_slice %arg2[%dma_wait3A_180, %dma_wait3A_181] : memref<100000x8xf32, #tpu.memory_space<hbm>> -> memref<100000x8xf32, #tpu.memory_space<hbm>>
    tpu.wait_indirect_dma semaphore(%arg12 : memref<!tpu.dma_semaphore, #tpu.memory_space<semaphore_mem>>) src(%dma_wait3A_182 : memref<100000x8xf32, #tpu.memory_space<hbm>>) dst(%dma_wait3A_176 : memref<256x8xf32, #tpu.memory_space<vmem>>)
    %dma_wait3A_183 = arith.constant 0 : i32
    %dma_wait3A_184 = arith.constant 3 : i32
    %dma_wait3A_185 = arith.constant 0 : i32
    %dma_wait3A_186 = arith.constant 3 : i32
    %dma_wait3A_187 = arith.constant 0 : i32
    %dma_wait3A_188 = arith.constant 0 : i32
    %dma_wait3A_189 = tpu.memref_slice %arg11[%dma_wait3A_185, %dma_wait3A_186, %dma_wait3A_187, %dma_wait3A_188] : memref<2x4x256x8xf32, #tpu.memory_space<vmem>> -> memref<1x1x256x8xf32, #tpu.memory_space<vmem>>
    %dma_wait3A_190 = tpu.memref_squeeze %dma_wait3A_189 : memref<1x1x256x8xf32, #tpu.memory_space<vmem>> -> memref<256x8xf32, #tpu.memory_space<vmem>>
    %dma_wait3A_191 = arith.constant 0 : i32
    %dma_wait3A_192 = tpu.memref_slice %arg9[%dma_wait3A_183, %dma_wait3A_184, %dma_wait3A_191] : memref<2x4x256xi32, #tpu.memory_space<vmem>> -> memref<1x1x256xi32, #tpu.memory_space<vmem>>
    %dma_wait3A_193 = tpu.memref_squeeze %dma_wait3A_192 : memref<1x1x256xi32, #tpu.memory_space<vmem>> -> memref<256xi32, #tpu.memory_space<vmem>>
    %dma_wait3A_194 = arith.constant 0 : i32
    %dma_wait3A_195 = arith.constant 0 : i32
    %dma_wait3A_196 = tpu.memref_slice %arg2[%dma_wait3A_194, %dma_wait3A_195] : memref<100000x8xf32, #tpu.memory_space<hbm>> -> memref<100000x8xf32, #tpu.memory_space<hbm>>
    tpu.wait_indirect_dma semaphore(%arg12 : memref<!tpu.dma_semaphore, #tpu.memory_space<semaphore_mem>>) src(%dma_wait3A_196 : memref<100000x8xf32, #tpu.memory_space<hbm>>) dst(%dma_wait3A_190 : memref<256x8xf32, #tpu.memory_space<vmem>>)
    %dma_start3A_197 = arith.constant 0 : i32
    %dma_start3A_198 = arith.constant 0 : i32
    %dma_start3A_199 = arith.constant 0 : i32
    %dma_start3A_200 = arith.constant 0 : i32
    %dma_start3A_201 = arith.constant 0 : i32
    %dma_start3A_202 = arith.constant 0 : i32
    %dma_start3A_203 = tpu.memref_slice %arg11[%dma_start3A_197, %dma_start3A_198, %dma_start3A_201, %dma_start3A_202] : memref<2x4x256x8xf32, #tpu.memory_space<vmem>> -> memref<1x1x256x8xf32, #tpu.memory_space<vmem>>
    %dma_start3A_204 = tpu.memref_squeeze %dma_start3A_203 : memref<1x1x256x8xf32, #tpu.memory_space<vmem>> -> memref<256x8xf32, #tpu.memory_space<vmem>>
    %dma_start3A_205 = arith.constant 0 : i32
    %dma_start3A_206 = tpu.memref_slice %arg10[%dma_start3A_199, %dma_start3A_200, %dma_start3A_205] : memref<2x4x256xi32, #tpu.memory_space<vmem>> -> memref<1x1x256xi32, #tpu.memory_space<vmem>>
    %dma_start3A_207 = tpu.memref_squeeze %dma_start3A_206 : memref<1x1x256xi32, #tpu.memory_space<vmem>> -> memref<256xi32, #tpu.memory_space<vmem>>
    %dma_start3A_208 = arith.constant 0 : i32
    %dma_start3A_209 = arith.constant 0 : i32
    %dma_start3A_210 = tpu.memref_slice %arg8[%dma_start3A_208, %dma_start3A_209] : memref<100000x8xf32, #tpu.memory_space<vmem_shared>> -> memref<100000x8xf32, #tpu.memory_space<vmem_shared>>
    tpu.enqueue_indirect_dma source(%dma_start3A_204 : memref<256x8xf32, #tpu.memory_space<vmem>>) target(%dma_start3A_210 : memref<100000x8xf32, #tpu.memory_space<vmem_shared>>) offsets(%dma_start3A_207 : memref<256xi32, #tpu.memory_space<vmem>>) semaphore(%arg13 : memref<!tpu.dma_semaphore, #tpu.memory_space<semaphore_mem>>) {add = true}
    %dma_start3A_211 = arith.constant 0 : i32
    %dma_start3A_212 = arith.constant 1 : i32
    %dma_start3A_213 = arith.constant 0 : i32
    %dma_start3A_214 = arith.constant 1 : i32
    %dma_start3A_215 = arith.constant 0 : i32
    %dma_start3A_216 = arith.constant 0 : i32
    %dma_start3A_217 = tpu.memref_slice %arg11[%dma_start3A_211, %dma_start3A_212, %dma_start3A_215, %dma_start3A_216] : memref<2x4x256x8xf32, #tpu.memory_space<vmem>> -> memref<1x1x256x8xf32, #tpu.memory_space<vmem>>
    %dma_start3A_218 = tpu.memref_squeeze %dma_start3A_217 : memref<1x1x256x8xf32, #tpu.memory_space<vmem>> -> memref<256x8xf32, #tpu.memory_space<vmem>>
    %dma_start3A_219 = arith.constant 0 : i32
    %dma_start3A_220 = tpu.memref_slice %arg10[%dma_start3A_213, %dma_start3A_214, %dma_start3A_219] : memref<2x4x256xi32, #tpu.memory_space<vmem>> -> memref<1x1x256xi32, #tpu.memory_space<vmem>>
    %dma_start3A_221 = tpu.memref_squeeze %dma_start3A_220 : memref<1x1x256xi32, #tpu.memory_space<vmem>> -> memref<256xi32, #tpu.memory_space<vmem>>
    %dma_start3A_222 = arith.constant 0 : i32
    %dma_start3A_223 = arith.constant 0 : i32
    %dma_start3A_224 = tpu.memref_slice %arg8[%dma_start3A_222, %dma_start3A_223] : memref<100000x8xf32, #tpu.memory_space<vmem_shared>> -> memref<100000x8xf32, #tpu.memory_space<vmem_shared>>
    tpu.enqueue_indirect_dma source(%dma_start3A_218 : memref<256x8xf32, #tpu.memory_space<vmem>>) target(%dma_start3A_224 : memref<100000x8xf32, #tpu.memory_space<vmem_shared>>) offsets(%dma_start3A_221 : memref<256xi32, #tpu.memory_space<vmem>>) semaphore(%arg13 : memref<!tpu.dma_semaphore, #tpu.memory_space<semaphore_mem>>) {add = true}
    %dma_start3A_225 = arith.constant 0 : i32
    %dma_start3A_226 = arith.constant 2 : i32
    %dma_start3A_227 = arith.constant 0 : i32
    %dma_start3A_228 = arith.constant 2 : i32
    %dma_start3A_229 = arith.constant 0 : i32
    %dma_start3A_230 = arith.constant 0 : i32
    %dma_start3A_231 = tpu.memref_slice %arg11[%dma_start3A_225, %dma_start3A_226, %dma_start3A_229, %dma_start3A_230] : memref<2x4x256x8xf32, #tpu.memory_space<vmem>> -> memref<1x1x256x8xf32, #tpu.memory_space<vmem>>
    %dma_start3A_232 = tpu.memref_squeeze %dma_start3A_231 : memref<1x1x256x8xf32, #tpu.memory_space<vmem>> -> memref<256x8xf32, #tpu.memory_space<vmem>>
    %dma_start3A_233 = arith.constant 0 : i32
    %dma_start3A_234 = tpu.memref_slice %arg10[%dma_start3A_227, %dma_start3A_228, %dma_start3A_233] : memref<2x4x256xi32, #tpu.memory_space<vmem>> -> memref<1x1x256xi32, #tpu.memory_space<vmem>>
    %dma_start3A_235 = tpu.memref_squeeze %dma_start3A_234 : memref<1x1x256xi32, #tpu.memory_space<vmem>> -> memref<256xi32, #tpu.memory_space<vmem>>
    %dma_start3A_236 = arith.constant 0 : i32
    %dma_start3A_237 = arith.constant 0 : i32
    %dma_start3A_238 = tpu.memref_slice %arg8[%dma_start3A_236, %dma_start3A_237] : memref<100000x8xf32, #tpu.memory_space<vmem_shared>> -> memref<100000x8xf32, #tpu.memory_space<vmem_shared>>
    tpu.enqueue_indirect_dma source(%dma_start3A_232 : memref<256x8xf32, #tpu.memory_space<vmem>>) target(%dma_start3A_238 : memref<100000x8xf32, #tpu.memory_space<vmem_shared>>) offsets(%dma_start3A_235 : memref<256xi32, #tpu.memory_space<vmem>>) semaphore(%arg13 : memref<!tpu.dma_semaphore, #tpu.memory_space<semaphore_mem>>) {add = true}
    %dma_start3A_239 = arith.constant 0 : i32
    %dma_start3A_240 = arith.constant 3 : i32
    %dma_start3A_241 = arith.constant 0 : i32
    %dma_start3A_242 = arith.constant 3 : i32
    %dma_start3A_243 = arith.constant 0 : i32
    %dma_start3A_244 = arith.constant 0 : i32
    %dma_start3A_245 = tpu.memref_slice %arg11[%dma_start3A_239, %dma_start3A_240, %dma_start3A_243, %dma_start3A_244] : memref<2x4x256x8xf32, #tpu.memory_space<vmem>> -> memref<1x1x256x8xf32, #tpu.memory_space<vmem>>
    %dma_start3A_246 = tpu.memref_squeeze %dma_start3A_245 : memref<1x1x256x8xf32, #tpu.memory_space<vmem>> -> memref<256x8xf32, #tpu.memory_space<vmem>>
    %dma_start3A_247 = arith.constant 0 : i32
    %dma_start3A_248 = tpu.memref_slice %arg10[%dma_start3A_241, %dma_start3A_242, %dma_start3A_247] : memref<2x4x256xi32, #tpu.memory_space<vmem>> -> memref<1x1x256xi32, #tpu.memory_space<vmem>>
    %dma_start3A_249 = tpu.memref_squeeze %dma_start3A_248 : memref<1x1x256xi32, #tpu.memory_space<vmem>> -> memref<256xi32, #tpu.memory_space<vmem>>
    %dma_start3A_250 = arith.constant 0 : i32
    %dma_start3A_251 = arith.constant 0 : i32
    %dma_start3A_252 = tpu.memref_slice %arg8[%dma_start3A_250, %dma_start3A_251] : memref<100000x8xf32, #tpu.memory_space<vmem_shared>> -> memref<100000x8xf32, #tpu.memory_space<vmem_shared>>
    tpu.enqueue_indirect_dma source(%dma_start3A_246 : memref<256x8xf32, #tpu.memory_space<vmem>>) target(%dma_start3A_252 : memref<100000x8xf32, #tpu.memory_space<vmem_shared>>) offsets(%dma_start3A_249 : memref<256xi32, #tpu.memory_space<vmem>>) semaphore(%arg13 : memref<!tpu.dma_semaphore, #tpu.memory_space<semaphore_mem>>) {add = true}
    %dma_wait3A_253 = arith.constant 0 : i32
    %dma_wait3A_254 = arith.constant 0 : i32
    %dma_wait3A_255 = arith.constant 0 : i32
    %dma_wait3A_256 = arith.constant 0 : i32
    %dma_wait3A_257 = arith.constant 0 : i32
    %dma_wait3A_258 = arith.constant 0 : i32
    %dma_wait3A_259 = tpu.memref_slice %arg11[%dma_wait3A_253, %dma_wait3A_254, %dma_wait3A_257, %dma_wait3A_258] : memref<2x4x256x8xf32, #tpu.memory_space<vmem>> -> memref<1x1x256x8xf32, #tpu.memory_space<vmem>>
    %dma_wait3A_260 = tpu.memref_squeeze %dma_wait3A_259 : memref<1x1x256x8xf32, #tpu.memory_space<vmem>> -> memref<256x8xf32, #tpu.memory_space<vmem>>
    %dma_wait3A_261 = arith.constant 0 : i32
    %dma_wait3A_262 = tpu.memref_slice %arg10[%dma_wait3A_255, %dma_wait3A_256, %dma_wait3A_261] : memref<2x4x256xi32, #tpu.memory_space<vmem>> -> memref<1x1x256xi32, #tpu.memory_space<vmem>>
    %dma_wait3A_263 = tpu.memref_squeeze %dma_wait3A_262 : memref<1x1x256xi32, #tpu.memory_space<vmem>> -> memref<256xi32, #tpu.memory_space<vmem>>
    %dma_wait3A_264 = arith.constant 0 : i32
    %dma_wait3A_265 = arith.constant 0 : i32
    %dma_wait3A_266 = tpu.memref_slice %arg8[%dma_wait3A_264, %dma_wait3A_265] : memref<100000x8xf32, #tpu.memory_space<vmem_shared>> -> memref<100000x8xf32, #tpu.memory_space<vmem_shared>>
    tpu.wait_indirect_dma semaphore(%arg13 : memref<!tpu.dma_semaphore, #tpu.memory_space<semaphore_mem>>) src(%dma_wait3A_260 : memref<256x8xf32, #tpu.memory_space<vmem>>) dst(%dma_wait3A_266 : memref<100000x8xf32, #tpu.memory_space<vmem_shared>>)
    %dma_wait3A_267 = arith.constant 0 : i32
    %dma_wait3A_268 = arith.constant 1 : i32
    %dma_wait3A_269 = arith.constant 0 : i32
    %dma_wait3A_270 = arith.constant 1 : i32
    %dma_wait3A_271 = arith.constant 0 : i32
    %dma_wait3A_272 = arith.constant 0 : i32
    %dma_wait3A_273 = tpu.memref_slice %arg11[%dma_wait3A_267, %dma_wait3A_268, %dma_wait3A_271, %dma_wait3A_272] : memref<2x4x256x8xf32, #tpu.memory_space<vmem>> -> memref<1x1x256x8xf32, #tpu.memory_space<vmem>>
    %dma_wait3A_274 = tpu.memref_squeeze %dma_wait3A_273 : memref<1x1x256x8xf32, #tpu.memory_space<vmem>> -> memref<256x8xf32, #tpu.memory_space<vmem>>
    %dma_wait3A_275 = arith.constant 0 : i32
    %dma_wait3A_276 = tpu.memref_slice %arg10[%dma_wait3A_269, %dma_wait3A_270, %dma_wait3A_275] : memref<2x4x256xi32, #tpu.memory_space<vmem>> -> memref<1x1x256xi32, #tpu.memory_space<vmem>>
    %dma_wait3A_277 = tpu.memref_squeeze %dma_wait3A_276 : memref<1x1x256xi32, #tpu.memory_space<vmem>> -> memref<256xi32, #tpu.memory_space<vmem>>
    %dma_wait3A_278 = arith.constant 0 : i32
    %dma_wait3A_279 = arith.constant 0 : i32
    %dma_wait3A_280 = tpu.memref_slice %arg8[%dma_wait3A_278, %dma_wait3A_279] : memref<100000x8xf32, #tpu.memory_space<vmem_shared>> -> memref<100000x8xf32, #tpu.memory_space<vmem_shared>>
    tpu.wait_indirect_dma semaphore(%arg13 : memref<!tpu.dma_semaphore, #tpu.memory_space<semaphore_mem>>) src(%dma_wait3A_274 : memref<256x8xf32, #tpu.memory_space<vmem>>) dst(%dma_wait3A_280 : memref<100000x8xf32, #tpu.memory_space<vmem_shared>>)
    %dma_wait3A_281 = arith.constant 0 : i32
    %dma_wait3A_282 = arith.constant 2 : i32
    %dma_wait3A_283 = arith.constant 0 : i32
    %dma_wait3A_284 = arith.constant 2 : i32
    %dma_wait3A_285 = arith.constant 0 : i32
    %dma_wait3A_286 = arith.constant 0 : i32
    %dma_wait3A_287 = tpu.memref_slice %arg11[%dma_wait3A_281, %dma_wait3A_282, %dma_wait3A_285, %dma_wait3A_286] : memref<2x4x256x8xf32, #tpu.memory_space<vmem>> -> memref<1x1x256x8xf32, #tpu.memory_space<vmem>>
    %dma_wait3A_288 = tpu.memref_squeeze %dma_wait3A_287 : memref<1x1x256x8xf32, #tpu.memory_space<vmem>> -> memref<256x8xf32, #tpu.memory_space<vmem>>
    %dma_wait3A_289 = arith.constant 0 : i32
    %dma_wait3A_290 = tpu.memref_slice %arg10[%dma_wait3A_283, %dma_wait3A_284, %dma_wait3A_289] : memref<2x4x256xi32, #tpu.memory_space<vmem>> -> memref<1x1x256xi32, #tpu.memory_space<vmem>>
    %dma_wait3A_291 = tpu.memref_squeeze %dma_wait3A_290 : memref<1x1x256xi32, #tpu.memory_space<vmem>> -> memref<256xi32, #tpu.memory_space<vmem>>
    %dma_wait3A_292 = arith.constant 0 : i32
    %dma_wait3A_293 = arith.constant 0 : i32
    %dma_wait3A_294 = tpu.memref_slice %arg8[%dma_wait3A_292, %dma_wait3A_293] : memref<100000x8xf32, #tpu.memory_space<vmem_shared>> -> memref<100000x8xf32, #tpu.memory_space<vmem_shared>>
    tpu.wait_indirect_dma semaphore(%arg13 : memref<!tpu.dma_semaphore, #tpu.memory_space<semaphore_mem>>) src(%dma_wait3A_288 : memref<256x8xf32, #tpu.memory_space<vmem>>) dst(%dma_wait3A_294 : memref<100000x8xf32, #tpu.memory_space<vmem_shared>>)
    %dma_wait3A_295 = arith.constant 0 : i32
    %dma_wait3A_296 = arith.constant 3 : i32
    %dma_wait3A_297 = arith.constant 0 : i32
    %dma_wait3A_298 = arith.constant 3 : i32
    %dma_wait3A_299 = arith.constant 0 : i32
    %dma_wait3A_300 = arith.constant 0 : i32
    %dma_wait3A_301 = tpu.memref_slice %arg11[%dma_wait3A_295, %dma_wait3A_296, %dma_wait3A_299, %dma_wait3A_300] : memref<2x4x256x8xf32, #tpu.memory_space<vmem>> -> memref<1x1x256x8xf32, #tpu.memory_space<vmem>>
    %dma_wait3A_302 = tpu.memref_squeeze %dma_wait3A_301 : memref<1x1x256x8xf32, #tpu.memory_space<vmem>> -> memref<256x8xf32, #tpu.memory_space<vmem>>
    %dma_wait3A_303 = arith.constant 0 : i32
    %dma_wait3A_304 = tpu.memref_slice %arg10[%dma_wait3A_297, %dma_wait3A_298, %dma_wait3A_303] : memref<2x4x256xi32, #tpu.memory_space<vmem>> -> memref<1x1x256xi32, #tpu.memory_space<vmem>>
    %dma_wait3A_305 = tpu.memref_squeeze %dma_wait3A_304 : memref<1x1x256xi32, #tpu.memory_space<vmem>> -> memref<256xi32, #tpu.memory_space<vmem>>
    %dma_wait3A_306 = arith.constant 0 : i32
    %dma_wait3A_307 = arith.constant 0 : i32
    %dma_wait3A_308 = tpu.memref_slice %arg8[%dma_wait3A_306, %dma_wait3A_307] : memref<100000x8xf32, #tpu.memory_space<vmem_shared>> -> memref<100000x8xf32, #tpu.memory_space<vmem_shared>>
    tpu.wait_indirect_dma semaphore(%arg13 : memref<!tpu.dma_semaphore, #tpu.memory_space<semaphore_mem>>) src(%dma_wait3A_302 : memref<256x8xf32, #tpu.memory_space<vmem>>) dst(%dma_wait3A_308 : memref<100000x8xf32, #tpu.memory_space<vmem_shared>>)
    %lt3A_309 = arith.constant 10 : i32
    %lt3A_310 = arith.cmpi slt, %add3A, %lt3A_309 : i32
    %convert_element_type3A_311 = arith.extui %lt3A_310 : i1 to i32
    %cond3A_312 = arith.constant 0 : i32
    %cond3A_313 = arith.cmpi ne, %convert_element_type3A_311, %cond3A_312 : i32
    scf.if %cond3A_313 {
      %add3A_325 = arith.constant 6240 : i32
      %add3A_326 = arith.addi %add3A_325, %add3A : i32
      %dma_start3A_327 = arith.constant 0 : i32
      %dma_start3A_328 = arith.constant 0 : i32
      %dma_start3A_329 = arith.constant 0 : i32
      %dma_start3A_330 = tpu.memref_slice %arg9[%dma_start3A_327, %dma_start3A_328, %dma_start3A_329] : memref<2x4x256xi32, #tpu.memory_space<vmem>> -> memref<1x4x256xi32, #tpu.memory_space<vmem>>
      %dma_start3A_331 = tpu.memref_squeeze %dma_start3A_330 : memref<1x4x256xi32, #tpu.memory_space<vmem>> -> memref<4x256xi32, #tpu.memory_space<vmem>>
      %dma_start3A_332 = arith.constant 0 : i32
      %dma_start3A_333 = arith.constant 0 : i32
      %dma_start3A_334 = tpu.memref_slice %arg3[%add3A_326, %dma_start3A_332, %dma_start3A_333] : memref<6250x4x256xi32, #tpu.memory_space<hbm>> -> memref<1x4x256xi32, #tpu.memory_space<hbm>>
      %dma_start3A_335 = tpu.memref_squeeze %dma_start3A_334 : memref<1x4x256xi32, #tpu.memory_space<hbm>> -> memref<4x256xi32, #tpu.memory_space<hbm>>
      %dma_start3A_336 = arith.constant 0 : i32
      %dma_start3A_337 = arith.constant 0 : i32
      %dma_start3A_338 = tpu.memref_slice %arg9[%dma_start3A_327, %dma_start3A_336, %dma_start3A_337] : memref<2x4x256xi32, #tpu.memory_space<vmem>> -> memref<1x4x256xi32, #tpu.memory_space<vmem>>
      %dma_start3A_339 = tpu.memref_squeeze %dma_start3A_338 : memref<1x4x256xi32, #tpu.memory_space<vmem>> -> memref<4x256xi32, #tpu.memory_space<vmem>>
      %dma_start3A_340 = arith.constant 0 : i32
      %dma_start3A_341 = arith.constant 0 : i32
      %dma_start3A_342 = tpu.memref_slice %arg3[%add3A_326, %dma_start3A_340, %dma_start3A_341] : memref<6250x4x256xi32, #tpu.memory_space<hbm>> -> memref<1x4x256xi32, #tpu.memory_space<hbm>>
      %dma_start3A_343 = tpu.memref_squeeze %dma_start3A_342 : memref<1x4x256xi32, #tpu.memory_space<hbm>> -> memref<4x256xi32, #tpu.memory_space<hbm>>
      tpu.enqueue_dma source(%dma_start3A_343 : memref<4x256xi32, #tpu.memory_space<hbm>>) target(%dma_start3A_339 : memref<4x256xi32, #tpu.memory_space<vmem>>) target_semaphore(%arg14 : memref<!tpu.dma_semaphore, #tpu.memory_space<semaphore_mem>>)
      %dma_start3A_344 = arith.constant 0 : i32
      %dma_start3A_345 = arith.constant 0 : i32
      %dma_start3A_346 = arith.constant 0 : i32
      %dma_start3A_347 = tpu.memref_slice %arg10[%dma_start3A_344, %dma_start3A_345, %dma_start3A_346] : memref<2x4x256xi32, #tpu.memory_space<vmem>> -> memref<1x4x256xi32, #tpu.memory_space<vmem>>
      %dma_start3A_348 = tpu.memref_squeeze %dma_start3A_347 : memref<1x4x256xi32, #tpu.memory_space<vmem>> -> memref<4x256xi32, #tpu.memory_space<vmem>>
      %dma_start3A_349 = arith.constant 0 : i32
      %dma_start3A_350 = arith.constant 0 : i32
      %dma_start3A_351 = tpu.memref_slice %arg4[%add3A_326, %dma_start3A_349, %dma_start3A_350] : memref<6250x4x256xi32, #tpu.memory_space<hbm>> -> memref<1x4x256xi32, #tpu.memory_space<hbm>>
      %dma_start3A_352 = tpu.memref_squeeze %dma_start3A_351 : memref<1x4x256xi32, #tpu.memory_space<hbm>> -> memref<4x256xi32, #tpu.memory_space<hbm>>
      %dma_start3A_353 = arith.constant 0 : i32
      %dma_start3A_354 = arith.constant 0 : i32
      %dma_start3A_355 = tpu.memref_slice %arg10[%dma_start3A_344, %dma_start3A_353, %dma_start3A_354] : memref<2x4x256xi32, #tpu.memory_space<vmem>> -> memref<1x4x256xi32, #tpu.memory_space<vmem>>
      %dma_start3A_356 = tpu.memref_squeeze %dma_start3A_355 : memref<1x4x256xi32, #tpu.memory_space<vmem>> -> memref<4x256xi32, #tpu.memory_space<vmem>>
      %dma_start3A_357 = arith.constant 0 : i32
      %dma_start3A_358 = arith.constant 0 : i32
      %dma_start3A_359 = tpu.memref_slice %arg4[%add3A_326, %dma_start3A_357, %dma_start3A_358] : memref<6250x4x256xi32, #tpu.memory_space<hbm>> -> memref<1x4x256xi32, #tpu.memory_space<hbm>>
      %dma_start3A_360 = tpu.memref_squeeze %dma_start3A_359 : memref<1x4x256xi32, #tpu.memory_space<hbm>> -> memref<4x256xi32, #tpu.memory_space<hbm>>
      tpu.enqueue_dma source(%dma_start3A_360 : memref<4x256xi32, #tpu.memory_space<hbm>>) target(%dma_start3A_356 : memref<4x256xi32, #tpu.memory_space<vmem>>) target_semaphore(%arg14 : memref<!tpu.dma_semaphore, #tpu.memory_space<semaphore_mem>>)
      %dma_wait3A_361 = arith.constant 0 : i32
      %dma_wait3A_362 = arith.constant 0 : i32
      %dma_wait3A_363 = arith.constant 0 : i32
      %dma_wait3A_364 = tpu.memref_slice %arg9[%dma_wait3A_361, %dma_wait3A_362, %dma_wait3A_363] : memref<2x4x256xi32, #tpu.memory_space<vmem>> -> memref<1x4x256xi32, #tpu.memory_space<vmem>>
      %dma_wait3A_365 = tpu.memref_squeeze %dma_wait3A_364 : memref<1x4x256xi32, #tpu.memory_space<vmem>> -> memref<4x256xi32, #tpu.memory_space<vmem>>
      %dma_wait3A_366 = arith.constant 0 : i32
      %dma_wait3A_367 = arith.constant 0 : i32
      %dma_wait3A_368 = tpu.memref_slice %arg3[%add3A_326, %dma_wait3A_366, %dma_wait3A_367] : memref<6250x4x256xi32, #tpu.memory_space<hbm>> -> memref<1x4x256xi32, #tpu.memory_space<hbm>>
      %dma_wait3A_369 = tpu.memref_squeeze %dma_wait3A_368 : memref<1x4x256xi32, #tpu.memory_space<hbm>> -> memref<4x256xi32, #tpu.memory_space<hbm>>
      %dma_wait3A_370 = arith.constant 0 : i32
      %dma_wait3A_371 = arith.constant 0 : i32
      %dma_wait3A_372 = tpu.memref_slice %arg9[%dma_wait3A_361, %dma_wait3A_370, %dma_wait3A_371] : memref<2x4x256xi32, #tpu.memory_space<vmem>> -> memref<1x4x256xi32, #tpu.memory_space<vmem>>
      %dma_wait3A_373 = tpu.memref_squeeze %dma_wait3A_372 : memref<1x4x256xi32, #tpu.memory_space<vmem>> -> memref<4x256xi32, #tpu.memory_space<vmem>>
      %dma_wait3A_374 = arith.constant 0 : i32
      %dma_wait3A_375 = arith.constant 0 : i32
      %dma_wait3A_376 = tpu.memref_slice %arg3[%add3A_326, %dma_wait3A_374, %dma_wait3A_375] : memref<6250x4x256xi32, #tpu.memory_space<hbm>> -> memref<1x4x256xi32, #tpu.memory_space<hbm>>
      %dma_wait3A_377 = tpu.memref_squeeze %dma_wait3A_376 : memref<1x4x256xi32, #tpu.memory_space<hbm>> -> memref<4x256xi32, #tpu.memory_space<hbm>>
      tpu.wait_dma2 semaphore(%arg14 : memref<!tpu.dma_semaphore, #tpu.memory_space<semaphore_mem>>) src(%dma_wait3A_377 : memref<4x256xi32, #tpu.memory_space<hbm>>) dst(%dma_wait3A_373 : memref<4x256xi32, #tpu.memory_space<vmem>>)
      %dma_wait3A_378 = arith.constant 0 : i32
      %dma_wait3A_379 = arith.constant 0 : i32
      %dma_wait3A_380 = arith.constant 0 : i32
      %dma_wait3A_381 = tpu.memref_slice %arg10[%dma_wait3A_378, %dma_wait3A_379, %dma_wait3A_380] : memref<2x4x256xi32, #tpu.memory_space<vmem>> -> memref<1x4x256xi32, #tpu.memory_space<vmem>>
      %dma_wait3A_382 = tpu.memref_squeeze %dma_wait3A_381 : memref<1x4x256xi32, #tpu.memory_space<vmem>> -> memref<4x256xi32, #tpu.memory_space<vmem>>
      %dma_wait3A_383 = arith.constant 0 : i32
      %dma_wait3A_384 = arith.constant 0 : i32
      %dma_wait3A_385 = tpu.memref_slice %arg4[%add3A_326, %dma_wait3A_383, %dma_wait3A_384] : memref<6250x4x256xi32, #tpu.memory_space<hbm>> -> memref<1x4x256xi32, #tpu.memory_space<hbm>>
      %dma_wait3A_386 = tpu.memref_squeeze %dma_wait3A_385 : memref<1x4x256xi32, #tpu.memory_space<hbm>> -> memref<4x256xi32, #tpu.memory_space<hbm>>
      %dma_wait3A_387 = arith.constant 0 : i32
      %dma_wait3A_388 = arith.constant 0 : i32
      %dma_wait3A_389 = tpu.memref_slice %arg10[%dma_wait3A_378, %dma_wait3A_387, %dma_wait3A_388] : memref<2x4x256xi32, #tpu.memory_space<vmem>> -> memref<1x4x256xi32, #tpu.memory_space<vmem>>
      %dma_wait3A_390 = tpu.memref_squeeze %dma_wait3A_389 : memref<1x4x256xi32, #tpu.memory_space<vmem>> -> memref<4x256xi32, #tpu.memory_space<vmem>>
      %dma_wait3A_391 = arith.constant 0 : i32
      %dma_wait3A_392 = arith.constant 0 : i32
      %dma_wait3A_393 = tpu.memref_slice %arg4[%add3A_326, %dma_wait3A_391, %dma_wait3A_392] : memref<6250x4x256xi32, #tpu.memory_space<hbm>> -> memref<1x4x256xi32, #tpu.memory_space<hbm>>
      %dma_wait3A_394 = tpu.memref_squeeze %dma_wait3A_393 : memref<1x4x256xi32, #tpu.memory_space<hbm>> -> memref<4x256xi32, #tpu.memory_space<hbm>>
      tpu.wait_dma2 semaphore(%arg14 : memref<!tpu.dma_semaphore, #tpu.memory_space<semaphore_mem>>) src(%dma_wait3A_394 : memref<4x256xi32, #tpu.memory_space<hbm>>) dst(%dma_wait3A_390 : memref<4x256xi32, #tpu.memory_space<vmem>>)
      %dma_start3A_395 = arith.constant 0 : i32
      %dma_start3A_396 = arith.constant 0 : i32
      %dma_start3A_397 = arith.constant 0 : i32
      %dma_start3A_398 = arith.constant 0 : i32
      %dma_start3A_399 = arith.constant 0 : i32
      %dma_start3A_400 = arith.constant 0 : i32
      %dma_start3A_401 = tpu.memref_slice %arg11[%dma_start3A_397, %dma_start3A_398, %dma_start3A_399, %dma_start3A_400] : memref<2x4x256x8xf32, #tpu.memory_space<vmem>> -> memref<1x1x256x8xf32, #tpu.memory_space<vmem>>
      %dma_start3A_402 = tpu.memref_squeeze %dma_start3A_401 : memref<1x1x256x8xf32, #tpu.memory_space<vmem>> -> memref<256x8xf32, #tpu.memory_space<vmem>>
      %dma_start3A_403 = arith.constant 0 : i32
      %dma_start3A_404 = tpu.memref_slice %arg9[%dma_start3A_395, %dma_start3A_396, %dma_start3A_403] : memref<2x4x256xi32, #tpu.memory_space<vmem>> -> memref<1x1x256xi32, #tpu.memory_space<vmem>>
      %dma_start3A_405 = tpu.memref_squeeze %dma_start3A_404 : memref<1x1x256xi32, #tpu.memory_space<vmem>> -> memref<256xi32, #tpu.memory_space<vmem>>
      %dma_start3A_406 = arith.constant 0 : i32
      %dma_start3A_407 = arith.constant 0 : i32
      %dma_start3A_408 = tpu.memref_slice %arg2[%dma_start3A_406, %dma_start3A_407] : memref<100000x8xf32, #tpu.memory_space<hbm>> -> memref<100000x8xf32, #tpu.memory_space<hbm>>
      tpu.enqueue_indirect_dma source(%dma_start3A_408 : memref<100000x8xf32, #tpu.memory_space<hbm>>) target(%dma_start3A_402 : memref<256x8xf32, #tpu.memory_space<vmem>>) offsets(%dma_start3A_405 : memref<256xi32, #tpu.memory_space<vmem>>) semaphore(%arg12 : memref<!tpu.dma_semaphore, #tpu.memory_space<semaphore_mem>>)
      %dma_start3A_409 = arith.constant 0 : i32
      %dma_start3A_410 = arith.constant 1 : i32
      %dma_start3A_411 = arith.constant 0 : i32
      %dma_start3A_412 = arith.constant 1 : i32
      %dma_start3A_413 = arith.constant 0 : i32
      %dma_start3A_414 = arith.constant 0 : i32
      %dma_start3A_415 = tpu.memref_slice %arg11[%dma_start3A_411, %dma_start3A_412, %dma_start3A_413, %dma_start3A_414] : memref<2x4x256x8xf32, #tpu.memory_space<vmem>> -> memref<1x1x256x8xf32, #tpu.memory_space<vmem>>
      %dma_start3A_416 = tpu.memref_squeeze %dma_start3A_415 : memref<1x1x256x8xf32, #tpu.memory_space<vmem>> -> memref<256x8xf32, #tpu.memory_space<vmem>>
      %dma_start3A_417 = arith.constant 0 : i32
      %dma_start3A_418 = tpu.memref_slice %arg9[%dma_start3A_409, %dma_start3A_410, %dma_start3A_417] : memref<2x4x256xi32, #tpu.memory_space<vmem>> -> memref<1x1x256xi32, #tpu.memory_space<vmem>>
      %dma_start3A_419 = tpu.memref_squeeze %dma_start3A_418 : memref<1x1x256xi32, #tpu.memory_space<vmem>> -> memref<256xi32, #tpu.memory_space<vmem>>
      %dma_start3A_420 = arith.constant 0 : i32
      %dma_start3A_421 = arith.constant 0 : i32
      %dma_start3A_422 = tpu.memref_slice %arg2[%dma_start3A_420, %dma_start3A_421] : memref<100000x8xf32, #tpu.memory_space<hbm>> -> memref<100000x8xf32, #tpu.memory_space<hbm>>
      tpu.enqueue_indirect_dma source(%dma_start3A_422 : memref<100000x8xf32, #tpu.memory_space<hbm>>) target(%dma_start3A_416 : memref<256x8xf32, #tpu.memory_space<vmem>>) offsets(%dma_start3A_419 : memref<256xi32, #tpu.memory_space<vmem>>) semaphore(%arg12 : memref<!tpu.dma_semaphore, #tpu.memory_space<semaphore_mem>>)
      %dma_start3A_423 = arith.constant 0 : i32
      %dma_start3A_424 = arith.constant 2 : i32
      %dma_start3A_425 = arith.constant 0 : i32
      %dma_start3A_426 = arith.constant 2 : i32
      %dma_start3A_427 = arith.constant 0 : i32
      %dma_start3A_428 = arith.constant 0 : i32
      %dma_start3A_429 = tpu.memref_slice %arg11[%dma_start3A_425, %dma_start3A_426, %dma_start3A_427, %dma_start3A_428] : memref<2x4x256x8xf32, #tpu.memory_space<vmem>> -> memref<1x1x256x8xf32, #tpu.memory_space<vmem>>
      %dma_start3A_430 = tpu.memref_squeeze %dma_start3A_429 : memref<1x1x256x8xf32, #tpu.memory_space<vmem>> -> memref<256x8xf32, #tpu.memory_space<vmem>>
      %dma_start3A_431 = arith.constant 0 : i32
      %dma_start3A_432 = tpu.memref_slice %arg9[%dma_start3A_423, %dma_start3A_424, %dma_start3A_431] : memref<2x4x256xi32, #tpu.memory_space<vmem>> -> memref<1x1x256xi32, #tpu.memory_space<vmem>>
      %dma_start3A_433 = tpu.memref_squeeze %dma_start3A_432 : memref<1x1x256xi32, #tpu.memory_space<vmem>> -> memref<256xi32, #tpu.memory_space<vmem>>
      %dma_start3A_434 = arith.constant 0 : i32
      %dma_start3A_435 = arith.constant 0 : i32
      %dma_start3A_436 = tpu.memref_slice %arg2[%dma_start3A_434, %dma_start3A_435] : memref<100000x8xf32, #tpu.memory_space<hbm>> -> memref<100000x8xf32, #tpu.memory_space<hbm>>
      tpu.enqueue_indirect_dma source(%dma_start3A_436 : memref<100000x8xf32, #tpu.memory_space<hbm>>) target(%dma_start3A_430 : memref<256x8xf32, #tpu.memory_space<vmem>>) offsets(%dma_start3A_433 : memref<256xi32, #tpu.memory_space<vmem>>) semaphore(%arg12 : memref<!tpu.dma_semaphore, #tpu.memory_space<semaphore_mem>>)
      %dma_start3A_437 = arith.constant 0 : i32
      %dma_start3A_438 = arith.constant 3 : i32
      %dma_start3A_439 = arith.constant 0 : i32
      %dma_start3A_440 = arith.constant 3 : i32
      %dma_start3A_441 = arith.constant 0 : i32
      %dma_start3A_442 = arith.constant 0 : i32
      %dma_start3A_443 = tpu.memref_slice %arg11[%dma_start3A_439, %dma_start3A_440, %dma_start3A_441, %dma_start3A_442] : memref<2x4x256x8xf32, #tpu.memory_space<vmem>> -> memref<1x1x256x8xf32, #tpu.memory_space<vmem>>
      %dma_start3A_444 = tpu.memref_squeeze %dma_start3A_443 : memref<1x1x256x8xf32, #tpu.memory_space<vmem>> -> memref<256x8xf32, #tpu.memory_space<vmem>>
      %dma_start3A_445 = arith.constant 0 : i32
      %dma_start3A_446 = tpu.memref_slice %arg9[%dma_start3A_437, %dma_start3A_438, %dma_start3A_445] : memref<2x4x256xi32, #tpu.memory_space<vmem>> -> memref<1x1x256xi32, #tpu.memory_space<vmem>>
      %dma_start3A_447 = tpu.memref_squeeze %dma_start3A_446 : memref<1x1x256xi32, #tpu.memory_space<vmem>> -> memref<256xi32, #tpu.memory_space<vmem>>
      %dma_start3A_448 = arith.constant 0 : i32
      %dma_start3A_449 = arith.constant 0 : i32
      %dma_start3A_450 = tpu.memref_slice %arg2[%dma_start3A_448, %dma_start3A_449] : memref<100000x8xf32, #tpu.memory_space<hbm>> -> memref<100000x8xf32, #tpu.memory_space<hbm>>
      tpu.enqueue_indirect_dma source(%dma_start3A_450 : memref<100000x8xf32, #tpu.memory_space<hbm>>) target(%dma_start3A_444 : memref<256x8xf32, #tpu.memory_space<vmem>>) offsets(%dma_start3A_447 : memref<256xi32, #tpu.memory_space<vmem>>) semaphore(%arg12 : memref<!tpu.dma_semaphore, #tpu.memory_space<semaphore_mem>>)
      %dma_wait3A_451 = arith.constant 0 : i32
      %dma_wait3A_452 = arith.constant 0 : i32
      %dma_wait3A_453 = arith.constant 0 : i32
      %dma_wait3A_454 = arith.constant 0 : i32
      %dma_wait3A_455 = arith.constant 0 : i32
      %dma_wait3A_456 = arith.constant 0 : i32
      %dma_wait3A_457 = tpu.memref_slice %arg11[%dma_wait3A_453, %dma_wait3A_454, %dma_wait3A_455, %dma_wait3A_456] : memref<2x4x256x8xf32, #tpu.memory_space<vmem>> -> memref<1x1x256x8xf32, #tpu.memory_space<vmem>>
      %dma_wait3A_458 = tpu.memref_squeeze %dma_wait3A_457 : memref<1x1x256x8xf32, #tpu.memory_space<vmem>> -> memref<256x8xf32, #tpu.memory_space<vmem>>
      %dma_wait3A_459 = arith.constant 0 : i32
      %dma_wait3A_460 = tpu.memref_slice %arg9[%dma_wait3A_451, %dma_wait3A_452, %dma_wait3A_459] : memref<2x4x256xi32, #tpu.memory_space<vmem>> -> memref<1x1x256xi32, #tpu.memory_space<vmem>>
      %dma_wait3A_461 = tpu.memref_squeeze %dma_wait3A_460 : memref<1x1x256xi32, #tpu.memory_space<vmem>> -> memref<256xi32, #tpu.memory_space<vmem>>
      %dma_wait3A_462 = arith.constant 0 : i32
      %dma_wait3A_463 = arith.constant 0 : i32
      %dma_wait3A_464 = tpu.memref_slice %arg2[%dma_wait3A_462, %dma_wait3A_463] : memref<100000x8xf32, #tpu.memory_space<hbm>> -> memref<100000x8xf32, #tpu.memory_space<hbm>>
      tpu.wait_indirect_dma semaphore(%arg12 : memref<!tpu.dma_semaphore, #tpu.memory_space<semaphore_mem>>) src(%dma_wait3A_464 : memref<100000x8xf32, #tpu.memory_space<hbm>>) dst(%dma_wait3A_458 : memref<256x8xf32, #tpu.memory_space<vmem>>)
      %dma_wait3A_465 = arith.constant 0 : i32
      %dma_wait3A_466 = arith.constant 1 : i32
      %dma_wait3A_467 = arith.constant 0 : i32
      %dma_wait3A_468 = arith.constant 1 : i32
      %dma_wait3A_469 = arith.constant 0 : i32
      %dma_wait3A_470 = arith.constant 0 : i32
      %dma_wait3A_471 = tpu.memref_slice %arg11[%dma_wait3A_467, %dma_wait3A_468, %dma_wait3A_469, %dma_wait3A_470] : memref<2x4x256x8xf32, #tpu.memory_space<vmem>> -> memref<1x1x256x8xf32, #tpu.memory_space<vmem>>
      %dma_wait3A_472 = tpu.memref_squeeze %dma_wait3A_471 : memref<1x1x256x8xf32, #tpu.memory_space<vmem>> -> memref<256x8xf32, #tpu.memory_space<vmem>>
      %dma_wait3A_473 = arith.constant 0 : i32
      %dma_wait3A_474 = tpu.memref_slice %arg9[%dma_wait3A_465, %dma_wait3A_466, %dma_wait3A_473] : memref<2x4x256xi32, #tpu.memory_space<vmem>> -> memref<1x1x256xi32, #tpu.memory_space<vmem>>
      %dma_wait3A_475 = tpu.memref_squeeze %dma_wait3A_474 : memref<1x1x256xi32, #tpu.memory_space<vmem>> -> memref<256xi32, #tpu.memory_space<vmem>>
      %dma_wait3A_476 = arith.constant 0 : i32
      %dma_wait3A_477 = arith.constant 0 : i32
      %dma_wait3A_478 = tpu.memref_slice %arg2[%dma_wait3A_476, %dma_wait3A_477] : memref<100000x8xf32, #tpu.memory_space<hbm>> -> memref<100000x8xf32, #tpu.memory_space<hbm>>
      tpu.wait_indirect_dma semaphore(%arg12 : memref<!tpu.dma_semaphore, #tpu.memory_space<semaphore_mem>>) src(%dma_wait3A_478 : memref<100000x8xf32, #tpu.memory_space<hbm>>) dst(%dma_wait3A_472 : memref<256x8xf32, #tpu.memory_space<vmem>>)
      %dma_wait3A_479 = arith.constant 0 : i32
      %dma_wait3A_480 = arith.constant 2 : i32
      %dma_wait3A_481 = arith.constant 0 : i32
      %dma_wait3A_482 = arith.constant 2 : i32
      %dma_wait3A_483 = arith.constant 0 : i32
      %dma_wait3A_484 = arith.constant 0 : i32
      %dma_wait3A_485 = tpu.memref_slice %arg11[%dma_wait3A_481, %dma_wait3A_482, %dma_wait3A_483, %dma_wait3A_484] : memref<2x4x256x8xf32, #tpu.memory_space<vmem>> -> memref<1x1x256x8xf32, #tpu.memory_space<vmem>>
      %dma_wait3A_486 = tpu.memref_squeeze %dma_wait3A_485 : memref<1x1x256x8xf32, #tpu.memory_space<vmem>> -> memref<256x8xf32, #tpu.memory_space<vmem>>
      %dma_wait3A_487 = arith.constant 0 : i32
      %dma_wait3A_488 = tpu.memref_slice %arg9[%dma_wait3A_479, %dma_wait3A_480, %dma_wait3A_487] : memref<2x4x256xi32, #tpu.memory_space<vmem>> -> memref<1x1x256xi32, #tpu.memory_space<vmem>>
      %dma_wait3A_489 = tpu.memref_squeeze %dma_wait3A_488 : memref<1x1x256xi32, #tpu.memory_space<vmem>> -> memref<256xi32, #tpu.memory_space<vmem>>
      %dma_wait3A_490 = arith.constant 0 : i32
      %dma_wait3A_491 = arith.constant 0 : i32
      %dma_wait3A_492 = tpu.memref_slice %arg2[%dma_wait3A_490, %dma_wait3A_491] : memref<100000x8xf32, #tpu.memory_space<hbm>> -> memref<100000x8xf32, #tpu.memory_space<hbm>>
      tpu.wait_indirect_dma semaphore(%arg12 : memref<!tpu.dma_semaphore, #tpu.memory_space<semaphore_mem>>) src(%dma_wait3A_492 : memref<100000x8xf32, #tpu.memory_space<hbm>>) dst(%dma_wait3A_486 : memref<256x8xf32, #tpu.memory_space<vmem>>)
      %dma_wait3A_493 = arith.constant 0 : i32
      %dma_wait3A_494 = arith.constant 3 : i32
      %dma_wait3A_495 = arith.constant 0 : i32
      %dma_wait3A_496 = arith.constant 3 : i32
      %dma_wait3A_497 = arith.constant 0 : i32
      %dma_wait3A_498 = arith.constant 0 : i32
      %dma_wait3A_499 = tpu.memref_slice %arg11[%dma_wait3A_495, %dma_wait3A_496, %dma_wait3A_497, %dma_wait3A_498] : memref<2x4x256x8xf32, #tpu.memory_space<vmem>> -> memref<1x1x256x8xf32, #tpu.memory_space<vmem>>
      %dma_wait3A_500 = tpu.memref_squeeze %dma_wait3A_499 : memref<1x1x256x8xf32, #tpu.memory_space<vmem>> -> memref<256x8xf32, #tpu.memory_space<vmem>>
      %dma_wait3A_501 = arith.constant 0 : i32
      %dma_wait3A_502 = tpu.memref_slice %arg9[%dma_wait3A_493, %dma_wait3A_494, %dma_wait3A_501] : memref<2x4x256xi32, #tpu.memory_space<vmem>> -> memref<1x1x256xi32, #tpu.memory_space<vmem>>
      %dma_wait3A_503 = tpu.memref_squeeze %dma_wait3A_502 : memref<1x1x256xi32, #tpu.memory_space<vmem>> -> memref<256xi32, #tpu.memory_space<vmem>>
      %dma_wait3A_504 = arith.constant 0 : i32
      %dma_wait3A_505 = arith.constant 0 : i32
      %dma_wait3A_506 = tpu.memref_slice %arg2[%dma_wait3A_504, %dma_wait3A_505] : memref<100000x8xf32, #tpu.memory_space<hbm>> -> memref<100000x8xf32, #tpu.memory_space<hbm>>
      tpu.wait_indirect_dma semaphore(%arg12 : memref<!tpu.dma_semaphore, #tpu.memory_space<semaphore_mem>>) src(%dma_wait3A_506 : memref<100000x8xf32, #tpu.memory_space<hbm>>) dst(%dma_wait3A_500 : memref<256x8xf32, #tpu.memory_space<vmem>>)
      %dma_start3A_507 = arith.constant 0 : i32
      %dma_start3A_508 = arith.constant 0 : i32
      %dma_start3A_509 = arith.constant 0 : i32
      %dma_start3A_510 = arith.constant 0 : i32
      %dma_start3A_511 = arith.constant 0 : i32
      %dma_start3A_512 = arith.constant 0 : i32
      %dma_start3A_513 = tpu.memref_slice %arg11[%dma_start3A_507, %dma_start3A_508, %dma_start3A_511, %dma_start3A_512] : memref<2x4x256x8xf32, #tpu.memory_space<vmem>> -> memref<1x1x256x8xf32, #tpu.memory_space<vmem>>
      %dma_start3A_514 = tpu.memref_squeeze %dma_start3A_513 : memref<1x1x256x8xf32, #tpu.memory_space<vmem>> -> memref<256x8xf32, #tpu.memory_space<vmem>>
      %dma_start3A_515 = arith.constant 0 : i32
      %dma_start3A_516 = tpu.memref_slice %arg10[%dma_start3A_509, %dma_start3A_510, %dma_start3A_515] : memref<2x4x256xi32, #tpu.memory_space<vmem>> -> memref<1x1x256xi32, #tpu.memory_space<vmem>>
      %dma_start3A_517 = tpu.memref_squeeze %dma_start3A_516 : memref<1x1x256xi32, #tpu.memory_space<vmem>> -> memref<256xi32, #tpu.memory_space<vmem>>
      %dma_start3A_518 = arith.constant 0 : i32
      %dma_start3A_519 = arith.constant 0 : i32
      %dma_start3A_520 = tpu.memref_slice %arg8[%dma_start3A_518, %dma_start3A_519] : memref<100000x8xf32, #tpu.memory_space<vmem_shared>> -> memref<100000x8xf32, #tpu.memory_space<vmem_shared>>
      tpu.enqueue_indirect_dma source(%dma_start3A_514 : memref<256x8xf32, #tpu.memory_space<vmem>>) target(%dma_start3A_520 : memref<100000x8xf32, #tpu.memory_space<vmem_shared>>) offsets(%dma_start3A_517 : memref<256xi32, #tpu.memory_space<vmem>>) semaphore(%arg13 : memref<!tpu.dma_semaphore, #tpu.memory_space<semaphore_mem>>) {add = true}
      %dma_start3A_521 = arith.constant 0 : i32
      %dma_start3A_522 = arith.constant 1 : i32
      %dma_start3A_523 = arith.constant 0 : i32
      %dma_start3A_524 = arith.constant 1 : i32
      %dma_start3A_525 = arith.constant 0 : i32
      %dma_start3A_526 = arith.constant 0 : i32
      %dma_start3A_527 = tpu.memref_slice %arg11[%dma_start3A_521, %dma_start3A_522, %dma_start3A_525, %dma_start3A_526] : memref<2x4x256x8xf32, #tpu.memory_space<vmem>> -> memref<1x1x256x8xf32, #tpu.memory_space<vmem>>
      %dma_start3A_528 = tpu.memref_squeeze %dma_start3A_527 : memref<1x1x256x8xf32, #tpu.memory_space<vmem>> -> memref<256x8xf32, #tpu.memory_space<vmem>>
      %dma_start3A_529 = arith.constant 0 : i32
      %dma_start3A_530 = tpu.memref_slice %arg10[%dma_start3A_523, %dma_start3A_524, %dma_start3A_529] : memref<2x4x256xi32, #tpu.memory_space<vmem>> -> memref<1x1x256xi32, #tpu.memory_space<vmem>>
      %dma_start3A_531 = tpu.memref_squeeze %dma_start3A_530 : memref<1x1x256xi32, #tpu.memory_space<vmem>> -> memref<256xi32, #tpu.memory_space<vmem>>
      %dma_start3A_532 = arith.constant 0 : i32
      %dma_start3A_533 = arith.constant 0 : i32
      %dma_start3A_534 = tpu.memref_slice %arg8[%dma_start3A_532, %dma_start3A_533] : memref<100000x8xf32, #tpu.memory_space<vmem_shared>> -> memref<100000x8xf32, #tpu.memory_space<vmem_shared>>
      tpu.enqueue_indirect_dma source(%dma_start3A_528 : memref<256x8xf32, #tpu.memory_space<vmem>>) target(%dma_start3A_534 : memref<100000x8xf32, #tpu.memory_space<vmem_shared>>) offsets(%dma_start3A_531 : memref<256xi32, #tpu.memory_space<vmem>>) semaphore(%arg13 : memref<!tpu.dma_semaphore, #tpu.memory_space<semaphore_mem>>) {add = true}
      %dma_start3A_535 = arith.constant 0 : i32
      %dma_start3A_536 = arith.constant 2 : i32
      %dma_start3A_537 = arith.constant 0 : i32
      %dma_start3A_538 = arith.constant 2 : i32
      %dma_start3A_539 = arith.constant 0 : i32
      %dma_start3A_540 = arith.constant 0 : i32
      %dma_start3A_541 = tpu.memref_slice %arg11[%dma_start3A_535, %dma_start3A_536, %dma_start3A_539, %dma_start3A_540] : memref<2x4x256x8xf32, #tpu.memory_space<vmem>> -> memref<1x1x256x8xf32, #tpu.memory_space<vmem>>
      %dma_start3A_542 = tpu.memref_squeeze %dma_start3A_541 : memref<1x1x256x8xf32, #tpu.memory_space<vmem>> -> memref<256x8xf32, #tpu.memory_space<vmem>>
      %dma_start3A_543 = arith.constant 0 : i32
      %dma_start3A_544 = tpu.memref_slice %arg10[%dma_start3A_537, %dma_start3A_538, %dma_start3A_543] : memref<2x4x256xi32, #tpu.memory_space<vmem>> -> memref<1x1x256xi32, #tpu.memory_space<vmem>>
      %dma_start3A_545 = tpu.memref_squeeze %dma_start3A_544 : memref<1x1x256xi32, #tpu.memory_space<vmem>> -> memref<256xi32, #tpu.memory_space<vmem>>
      %dma_start3A_546 = arith.constant 0 : i32
      %dma_start3A_547 = arith.constant 0 : i32
      %dma_start3A_548 = tpu.memref_slice %arg8[%dma_start3A_546, %dma_start3A_547] : memref<100000x8xf32, #tpu.memory_space<vmem_shared>> -> memref<100000x8xf32, #tpu.memory_space<vmem_shared>>
      tpu.enqueue_indirect_dma source(%dma_start3A_542 : memref<256x8xf32, #tpu.memory_space<vmem>>) target(%dma_start3A_548 : memref<100000x8xf32, #tpu.memory_space<vmem_shared>>) offsets(%dma_start3A_545 : memref<256xi32, #tpu.memory_space<vmem>>) semaphore(%arg13 : memref<!tpu.dma_semaphore, #tpu.memory_space<semaphore_mem>>) {add = true}
      %dma_start3A_549 = arith.constant 0 : i32
      %dma_start3A_550 = arith.constant 3 : i32
      %dma_start3A_551 = arith.constant 0 : i32
      %dma_start3A_552 = arith.constant 3 : i32
      %dma_start3A_553 = arith.constant 0 : i32
      %dma_start3A_554 = arith.constant 0 : i32
      %dma_start3A_555 = tpu.memref_slice %arg11[%dma_start3A_549, %dma_start3A_550, %dma_start3A_553, %dma_start3A_554] : memref<2x4x256x8xf32, #tpu.memory_space<vmem>> -> memref<1x1x256x8xf32, #tpu.memory_space<vmem>>
      %dma_start3A_556 = tpu.memref_squeeze %dma_start3A_555 : memref<1x1x256x8xf32, #tpu.memory_space<vmem>> -> memref<256x8xf32, #tpu.memory_space<vmem>>
      %dma_start3A_557 = arith.constant 0 : i32
      %dma_start3A_558 = tpu.memref_slice %arg10[%dma_start3A_551, %dma_start3A_552, %dma_start3A_557] : memref<2x4x256xi32, #tpu.memory_space<vmem>> -> memref<1x1x256xi32, #tpu.memory_space<vmem>>
      %dma_start3A_559 = tpu.memref_squeeze %dma_start3A_558 : memref<1x1x256xi32, #tpu.memory_space<vmem>> -> memref<256xi32, #tpu.memory_space<vmem>>
      %dma_start3A_560 = arith.constant 0 : i32
      %dma_start3A_561 = arith.constant 0 : i32
      %dma_start3A_562 = tpu.memref_slice %arg8[%dma_start3A_560, %dma_start3A_561] : memref<100000x8xf32, #tpu.memory_space<vmem_shared>> -> memref<100000x8xf32, #tpu.memory_space<vmem_shared>>
      tpu.enqueue_indirect_dma source(%dma_start3A_556 : memref<256x8xf32, #tpu.memory_space<vmem>>) target(%dma_start3A_562 : memref<100000x8xf32, #tpu.memory_space<vmem_shared>>) offsets(%dma_start3A_559 : memref<256xi32, #tpu.memory_space<vmem>>) semaphore(%arg13 : memref<!tpu.dma_semaphore, #tpu.memory_space<semaphore_mem>>) {add = true}
      %dma_wait3A_563 = arith.constant 0 : i32
      %dma_wait3A_564 = arith.constant 0 : i32
      %dma_wait3A_565 = arith.constant 0 : i32
      %dma_wait3A_566 = arith.constant 0 : i32
      %dma_wait3A_567 = arith.constant 0 : i32
      %dma_wait3A_568 = arith.constant 0 : i32
      %dma_wait3A_569 = tpu.memref_slice %arg11[%dma_wait3A_563, %dma_wait3A_564, %dma_wait3A_567, %dma_wait3A_568] : memref<2x4x256x8xf32, #tpu.memory_space<vmem>> -> memref<1x1x256x8xf32, #tpu.memory_space<vmem>>
      %dma_wait3A_570 = tpu.memref_squeeze %dma_wait3A_569 : memref<1x1x256x8xf32, #tpu.memory_space<vmem>> -> memref<256x8xf32, #tpu.memory_space<vmem>>
      %dma_wait3A_571 = arith.constant 0 : i32
      %dma_wait3A_572 = tpu.memref_slice %arg10[%dma_wait3A_565, %dma_wait3A_566, %dma_wait3A_571] : memref<2x4x256xi32, #tpu.memory_space<vmem>> -> memref<1x1x256xi32, #tpu.memory_space<vmem>>
      %dma_wait3A_573 = tpu.memref_squeeze %dma_wait3A_572 : memref<1x1x256xi32, #tpu.memory_space<vmem>> -> memref<256xi32, #tpu.memory_space<vmem>>
      %dma_wait3A_574 = arith.constant 0 : i32
      %dma_wait3A_575 = arith.constant 0 : i32
      %dma_wait3A_576 = tpu.memref_slice %arg8[%dma_wait3A_574, %dma_wait3A_575] : memref<100000x8xf32, #tpu.memory_space<vmem_shared>> -> memref<100000x8xf32, #tpu.memory_space<vmem_shared>>
      tpu.wait_indirect_dma semaphore(%arg13 : memref<!tpu.dma_semaphore, #tpu.memory_space<semaphore_mem>>) src(%dma_wait3A_570 : memref<256x8xf32, #tpu.memory_space<vmem>>) dst(%dma_wait3A_576 : memref<100000x8xf32, #tpu.memory_space<vmem_shared>>)
      %dma_wait3A_577 = arith.constant 0 : i32
      %dma_wait3A_578 = arith.constant 1 : i32
      %dma_wait3A_579 = arith.constant 0 : i32
      %dma_wait3A_580 = arith.constant 1 : i32
      %dma_wait3A_581 = arith.constant 0 : i32
      %dma_wait3A_582 = arith.constant 0 : i32
      %dma_wait3A_583 = tpu.memref_slice %arg11[%dma_wait3A_577, %dma_wait3A_578, %dma_wait3A_581, %dma_wait3A_582] : memref<2x4x256x8xf32, #tpu.memory_space<vmem>> -> memref<1x1x256x8xf32, #tpu.memory_space<vmem>>
      %dma_wait3A_584 = tpu.memref_squeeze %dma_wait3A_583 : memref<1x1x256x8xf32, #tpu.memory_space<vmem>> -> memref<256x8xf32, #tpu.memory_space<vmem>>
      %dma_wait3A_585 = arith.constant 0 : i32
      %dma_wait3A_586 = tpu.memref_slice %arg10[%dma_wait3A_579, %dma_wait3A_580, %dma_wait3A_585] : memref<2x4x256xi32, #tpu.memory_space<vmem>> -> memref<1x1x256xi32, #tpu.memory_space<vmem>>
      %dma_wait3A_587 = tpu.memref_squeeze %dma_wait3A_586 : memref<1x1x256xi32, #tpu.memory_space<vmem>> -> memref<256xi32, #tpu.memory_space<vmem>>
      %dma_wait3A_588 = arith.constant 0 : i32
      %dma_wait3A_589 = arith.constant 0 : i32
      %dma_wait3A_590 = tpu.memref_slice %arg8[%dma_wait3A_588, %dma_wait3A_589] : memref<100000x8xf32, #tpu.memory_space<vmem_shared>> -> memref<100000x8xf32, #tpu.memory_space<vmem_shared>>
      tpu.wait_indirect_dma semaphore(%arg13 : memref<!tpu.dma_semaphore, #tpu.memory_space<semaphore_mem>>) src(%dma_wait3A_584 : memref<256x8xf32, #tpu.memory_space<vmem>>) dst(%dma_wait3A_590 : memref<100000x8xf32, #tpu.memory_space<vmem_shared>>)
      %dma_wait3A_591 = arith.constant 0 : i32
      %dma_wait3A_592 = arith.constant 2 : i32
      %dma_wait3A_593 = arith.constant 0 : i32
      %dma_wait3A_594 = arith.constant 2 : i32
      %dma_wait3A_595 = arith.constant 0 : i32
      %dma_wait3A_596 = arith.constant 0 : i32
      %dma_wait3A_597 = tpu.memref_slice %arg11[%dma_wait3A_591, %dma_wait3A_592, %dma_wait3A_595, %dma_wait3A_596] : memref<2x4x256x8xf32, #tpu.memory_space<vmem>> -> memref<1x1x256x8xf32, #tpu.memory_space<vmem>>
      %dma_wait3A_598 = tpu.memref_squeeze %dma_wait3A_597 : memref<1x1x256x8xf32, #tpu.memory_space<vmem>> -> memref<256x8xf32, #tpu.memory_space<vmem>>
      %dma_wait3A_599 = arith.constant 0 : i32
      %dma_wait3A_600 = tpu.memref_slice %arg10[%dma_wait3A_593, %dma_wait3A_594, %dma_wait3A_599] : memref<2x4x256xi32, #tpu.memory_space<vmem>> -> memref<1x1x256xi32, #tpu.memory_space<vmem>>
      %dma_wait3A_601 = tpu.memref_squeeze %dma_wait3A_600 : memref<1x1x256xi32, #tpu.memory_space<vmem>> -> memref<256xi32, #tpu.memory_space<vmem>>
      %dma_wait3A_602 = arith.constant 0 : i32
      %dma_wait3A_603 = arith.constant 0 : i32
      %dma_wait3A_604 = tpu.memref_slice %arg8[%dma_wait3A_602, %dma_wait3A_603] : memref<100000x8xf32, #tpu.memory_space<vmem_shared>> -> memref<100000x8xf32, #tpu.memory_space<vmem_shared>>
      tpu.wait_indirect_dma semaphore(%arg13 : memref<!tpu.dma_semaphore, #tpu.memory_space<semaphore_mem>>) src(%dma_wait3A_598 : memref<256x8xf32, #tpu.memory_space<vmem>>) dst(%dma_wait3A_604 : memref<100000x8xf32, #tpu.memory_space<vmem_shared>>)
      %dma_wait3A_605 = arith.constant 0 : i32
      %dma_wait3A_606 = arith.constant 3 : i32
      %dma_wait3A_607 = arith.constant 0 : i32
      %dma_wait3A_608 = arith.constant 3 : i32
      %dma_wait3A_609 = arith.constant 0 : i32
      %dma_wait3A_610 = arith.constant 0 : i32
      %dma_wait3A_611 = tpu.memref_slice %arg11[%dma_wait3A_605, %dma_wait3A_606, %dma_wait3A_609, %dma_wait3A_610] : memref<2x4x256x8xf32, #tpu.memory_space<vmem>> -> memref<1x1x256x8xf32, #tpu.memory_space<vmem>>
      %dma_wait3A_612 = tpu.memref_squeeze %dma_wait3A_611 : memref<1x1x256x8xf32, #tpu.memory_space<vmem>> -> memref<256x8xf32, #tpu.memory_space<vmem>>
      %dma_wait3A_613 = arith.constant 0 : i32
      %dma_wait3A_614 = tpu.memref_slice %arg10[%dma_wait3A_607, %dma_wait3A_608, %dma_wait3A_613] : memref<2x4x256xi32, #tpu.memory_space<vmem>> -> memref<1x1x256xi32, #tpu.memory_space<vmem>>
      %dma_wait3A_615 = tpu.memref_squeeze %dma_wait3A_614 : memref<1x1x256xi32, #tpu.memory_space<vmem>> -> memref<256xi32, #tpu.memory_space<vmem>>
      %dma_wait3A_616 = arith.constant 0 : i32
      %dma_wait3A_617 = arith.constant 0 : i32
      %dma_wait3A_618 = tpu.memref_slice %arg8[%dma_wait3A_616, %dma_wait3A_617] : memref<100000x8xf32, #tpu.memory_space<vmem_shared>> -> memref<100000x8xf32, #tpu.memory_space<vmem_shared>>
      tpu.wait_indirect_dma semaphore(%arg13 : memref<!tpu.dma_semaphore, #tpu.memory_space<semaphore_mem>>) src(%dma_wait3A_612 : memref<256x8xf32, #tpu.memory_space<vmem>>) dst(%dma_wait3A_618 : memref<100000x8xf32, #tpu.memory_space<vmem_shared>>)
    } else {
    }
    %barrier3A_314 = arith.constant 0 : index
    tpu.barrier barrier_id(%barrier3A_314)
    %eq3A_315 = arith.constant 0 : i32
    %eq3A_316 = arith.cmpi eq, %arg0, %eq3A_315 : i32
    %convert_element_type3A_317 = arith.extui %eq3A_316 : i1 to i32
    %cond3A_318 = arith.constant 0 : i32
    %cond3A_319 = arith.cmpi ne, %convert_element_type3A_317, %cond3A_318 : i32
    scf.if %cond3A_319 {
      %lt3A_325 = arith.constant 15 : i32
      %lt3A_326 = arith.cmpi slt, %arg1, %lt3A_325 : i32
      %convert_element_type3A_327 = arith.extui %lt3A_326 : i1 to i32
      %cond3A_328 = arith.constant 0 : i32
      %cond3A_329 = arith.cmpi ne, %convert_element_type3A_327, %cond3A_328 : i32
      scf.if %cond3A_329 {
        "tpu.region"() ({
          %run_scoped3A = tpu.sem_alloc : memref<!tpu.dma_semaphore, #tpu.memory_space<semaphore_mem>>
          %dma_start3A_335 = arith.constant 0 : i32
          %dma_start3A_336 = tpu.memref_slice %arg5[%mul3A_2, %dma_start3A_335] : memref<100000x8xf32, #tpu.memory_space<hbm>> -> memref<6256x8xf32, #tpu.memory_space<hbm>>
          %dma_start3A_337 = arith.constant 0 : i32
          %dma_start3A_338 = tpu.memref_slice %arg8[%mul3A_2, %dma_start3A_337] : memref<100000x8xf32, #tpu.memory_space<vmem_shared>> -> memref<6256x8xf32, #tpu.memory_space<vmem_shared>>
          tpu.enqueue_dma source(%dma_start3A_338 : memref<6256x8xf32, #tpu.memory_space<vmem_shared>>) target(%dma_start3A_336 : memref<6256x8xf32, #tpu.memory_space<hbm>>) target_semaphore(%run_scoped3A : memref<!tpu.dma_semaphore, #tpu.memory_space<semaphore_mem>>)
          %dma_wait3A_339 = arith.constant 0 : i32
          %dma_wait3A_340 = tpu.memref_slice %arg5[%mul3A_2, %dma_wait3A_339] : memref<100000x8xf32, #tpu.memory_space<hbm>> -> memref<6256x8xf32, #tpu.memory_space<hbm>>
          %dma_wait3A_341 = arith.constant 0 : i32
          %dma_wait3A_342 = tpu.memref_slice %arg8[%mul3A_2, %dma_wait3A_341] : memref<100000x8xf32, #tpu.memory_space<vmem_shared>> -> memref<6256x8xf32, #tpu.memory_space<vmem_shared>>
          tpu.wait_dma2 semaphore(%run_scoped3A : memref<!tpu.dma_semaphore, #tpu.memory_space<semaphore_mem>>) src(%dma_wait3A_342 : memref<6256x8xf32, #tpu.memory_space<vmem_shared>>) dst(%dma_wait3A_340 : memref<6256x8xf32, #tpu.memory_space<hbm>>)
          tpu.yield
        }) : () -> ()
      } else {
      }
      %eq3A_330 = arith.constant 15 : i32
      %eq3A_331 = arith.cmpi eq, %arg1, %eq3A_330 : i32
      %convert_element_type3A_332 = arith.extui %eq3A_331 : i1 to i32
      %cond3A_333 = arith.constant 0 : i32
      %cond3A_334 = arith.cmpi ne, %convert_element_type3A_332, %cond3A_333 : i32
      scf.if %cond3A_334 {
        "tpu.region"() ({
          %run_scoped3A = tpu.sem_alloc : memref<!tpu.dma_semaphore, #tpu.memory_space<semaphore_mem>>
          %dma_start3A_335 = arith.constant 93840 : i32
          %dma_start3A_336 = arith.constant 0 : i32
          %dma_start3A_337 = tpu.memref_slice %arg5[%dma_start3A_335, %dma_start3A_336] : memref<100000x8xf32, #tpu.memory_space<hbm>> -> memref<6160x8xf32, #tpu.memory_space<hbm>>
          %dma_start3A_338 = arith.constant 93840 : i32
          %dma_start3A_339 = arith.constant 0 : i32
          %dma_start3A_340 = tpu.memref_slice %arg8[%dma_start3A_338, %dma_start3A_339] : memref<100000x8xf32, #tpu.memory_space<vmem_shared>> -> memref<6160x8xf32, #tpu.memory_space<vmem_shared>>
          tpu.enqueue_dma source(%dma_start3A_340 : memref<6160x8xf32, #tpu.memory_space<vmem_shared>>) target(%dma_start3A_337 : memref<6160x8xf32, #tpu.memory_space<hbm>>) target_semaphore(%run_scoped3A : memref<!tpu.dma_semaphore, #tpu.memory_space<semaphore_mem>>)
          %dma_wait3A_341 = arith.constant 93840 : i32
          %dma_wait3A_342 = arith.constant 0 : i32
          %dma_wait3A_343 = tpu.memref_slice %arg5[%dma_wait3A_341, %dma_wait3A_342] : memref<100000x8xf32, #tpu.memory_space<hbm>> -> memref<6160x8xf32, #tpu.memory_space<hbm>>
          %dma_wait3A_344 = arith.constant 93840 : i32
          %dma_wait3A_345 = arith.constant 0 : i32
          %dma_wait3A_346 = tpu.memref_slice %arg8[%dma_wait3A_344, %dma_wait3A_345] : memref<100000x8xf32, #tpu.memory_space<vmem_shared>> -> memref<6160x8xf32, #tpu.memory_space<vmem_shared>>
          tpu.wait_dma2 semaphore(%run_scoped3A : memref<!tpu.dma_semaphore, #tpu.memory_space<semaphore_mem>>) src(%dma_wait3A_346 : memref<6160x8xf32, #tpu.memory_space<vmem_shared>>) dst(%dma_wait3A_343 : memref<6160x8xf32, #tpu.memory_space<hbm>>)
          tpu.yield
        }) : () -> ()
      } else {
      }
    } else {
    }
    %eq3A_320 = arith.constant 1 : i32
    %eq3A_321 = arith.cmpi eq, %arg0, %eq3A_320 : i32
    %convert_element_type3A_322 = arith.extui %eq3A_321 : i1 to i32
    %cond3A_323 = arith.constant 0 : i32
    %cond3A_324 = arith.cmpi ne, %convert_element_type3A_322, %cond3A_323 : i32
    scf.if %cond3A_324 {
      %lt3A_325 = arith.constant 15 : i32
      %lt3A_326 = arith.cmpi slt, %arg1, %lt3A_325 : i32
      %convert_element_type3A_327 = arith.extui %lt3A_326 : i1 to i32
      %cond3A_328 = arith.constant 0 : i32
      %cond3A_329 = arith.cmpi ne, %convert_element_type3A_327, %cond3A_328 : i32
      scf.if %cond3A_329 {
        "tpu.region"() ({
          %run_scoped3A = tpu.sem_alloc : memref<!tpu.dma_semaphore, #tpu.memory_space<semaphore_mem>>
          %dma_start3A_335 = arith.constant 0 : i32
          %dma_start3A_336 = tpu.memref_slice %arg6[%mul3A_2, %dma_start3A_335] : memref<100000x8xf32, #tpu.memory_space<hbm>> -> memref<6256x8xf32, #tpu.memory_space<hbm>>
          %dma_start3A_337 = arith.constant 0 : i32
          %dma_start3A_338 = tpu.memref_slice %arg8[%mul3A_2, %dma_start3A_337] : memref<100000x8xf32, #tpu.memory_space<vmem_shared>> -> memref<6256x8xf32, #tpu.memory_space<vmem_shared>>
          tpu.enqueue_dma source(%dma_start3A_338 : memref<6256x8xf32, #tpu.memory_space<vmem_shared>>) target(%dma_start3A_336 : memref<6256x8xf32, #tpu.memory_space<hbm>>) target_semaphore(%run_scoped3A : memref<!tpu.dma_semaphore, #tpu.memory_space<semaphore_mem>>)
          %dma_wait3A_339 = arith.constant 0 : i32
          %dma_wait3A_340 = tpu.memref_slice %arg6[%mul3A_2, %dma_wait3A_339] : memref<100000x8xf32, #tpu.memory_space<hbm>> -> memref<6256x8xf32, #tpu.memory_space<hbm>>
          %dma_wait3A_341 = arith.constant 0 : i32
          %dma_wait3A_342 = tpu.memref_slice %arg8[%mul3A_2, %dma_wait3A_341] : memref<100000x8xf32, #tpu.memory_space<vmem_shared>> -> memref<6256x8xf32, #tpu.memory_space<vmem_shared>>
          tpu.wait_dma2 semaphore(%run_scoped3A : memref<!tpu.dma_semaphore, #tpu.memory_space<semaphore_mem>>) src(%dma_wait3A_342 : memref<6256x8xf32, #tpu.memory_space<vmem_shared>>) dst(%dma_wait3A_340 : memref<6256x8xf32, #tpu.memory_space<hbm>>)
          tpu.yield
        }) : () -> ()
      } else {
      }
      %eq3A_330 = arith.constant 15 : i32
      %eq3A_331 = arith.cmpi eq, %arg1, %eq3A_330 : i32
      %convert_element_type3A_332 = arith.extui %eq3A_331 : i1 to i32
      %cond3A_333 = arith.constant 0 : i32
      %cond3A_334 = arith.cmpi ne, %convert_element_type3A_332, %cond3A_333 : i32
      scf.if %cond3A_334 {
        "tpu.region"() ({
          %run_scoped3A = tpu.sem_alloc : memref<!tpu.dma_semaphore, #tpu.memory_space<semaphore_mem>>
          %dma_start3A_335 = arith.constant 93840 : i32
          %dma_start3A_336 = arith.constant 0 : i32
          %dma_start3A_337 = tpu.memref_slice %arg6[%dma_start3A_335, %dma_start3A_336] : memref<100000x8xf32, #tpu.memory_space<hbm>> -> memref<6160x8xf32, #tpu.memory_space<hbm>>
          %dma_start3A_338 = arith.constant 93840 : i32
          %dma_start3A_339 = arith.constant 0 : i32
          %dma_start3A_340 = tpu.memref_slice %arg8[%dma_start3A_338, %dma_start3A_339] : memref<100000x8xf32, #tpu.memory_space<vmem_shared>> -> memref<6160x8xf32, #tpu.memory_space<vmem_shared>>
          tpu.enqueue_dma source(%dma_start3A_340 : memref<6160x8xf32, #tpu.memory_space<vmem_shared>>) target(%dma_start3A_337 : memref<6160x8xf32, #tpu.memory_space<hbm>>) target_semaphore(%run_scoped3A : memref<!tpu.dma_semaphore, #tpu.memory_space<semaphore_mem>>)
          %dma_wait3A_341 = arith.constant 93840 : i32
          %dma_wait3A_342 = arith.constant 0 : i32
          %dma_wait3A_343 = tpu.memref_slice %arg6[%dma_wait3A_341, %dma_wait3A_342] : memref<100000x8xf32, #tpu.memory_space<hbm>> -> memref<6160x8xf32, #tpu.memory_space<hbm>>
          %dma_wait3A_344 = arith.constant 93840 : i32
          %dma_wait3A_345 = arith.constant 0 : i32
          %dma_wait3A_346 = tpu.memref_slice %arg8[%dma_wait3A_344, %dma_wait3A_345] : memref<100000x8xf32, #tpu.memory_space<vmem_shared>> -> memref<6160x8xf32, #tpu.memory_space<vmem_shared>>
          tpu.wait_dma2 semaphore(%run_scoped3A : memref<!tpu.dma_semaphore, #tpu.memory_space<semaphore_mem>>) src(%dma_wait3A_346 : memref<6160x8xf32, #tpu.memory_space<vmem_shared>>) dst(%dma_wait3A_343 : memref<6160x8xf32, #tpu.memory_space<hbm>>)
          tpu.yield
        }) : () -> ()
      } else {
      }
    } else {
    }
    return
  }
}

module attributes {stable_mosaic.version = 14 : i64} {
  func.func @body(%arg0: i32, %arg1: memref<2000x8xf32, #tpu.memory_space<vmem>>, %arg2: memref<2000x8xf32, #tpu.memory_space<vmem>>, %arg3: memref<2000x4xf32, #tpu.memory_space<vmem>>, %arg4: memref<1x1x2000xi32, #tpu.memory_space<vmem>>, %arg5: memref<4x64xf32, #tpu.memory_space<vmem>>, %arg6: memref<1x64xf32, #tpu.memory_space<vmem>>, %arg7: memref<64x64xf32, #tpu.memory_space<vmem>>, %arg8: memref<1x64xf32, #tpu.memory_space<vmem>>, %arg9: memref<64x128xf32, #tpu.memory_space<vmem>>, %arg10: memref<1x128xf32, #tpu.memory_space<vmem>>, %arg11: memref<128x128xf32, #tpu.memory_space<vmem>>, %arg12: memref<128x64xf32, #tpu.memory_space<vmem>>, %arg13: memref<128x1xf32, #tpu.memory_space<vmem>>) attributes {dimension_semantics = [#tpu.dimension_semantics<arbitrary>], iteration_bounds = array<i64: 50>, scalar_prefetch = 0 : i64, scratch_operands = 2 : i64, tpu.core_type = #tpu.core_type<tc>, window_params = [{transform_indices = @transform_0, window_bounds = array<i64: 2000, 8>}, {transform_indices = @transform_1, window_bounds = array<i64: 2000, 8>}, {transform_indices = @transform_2, window_bounds = array<i64: 2000, 4>}, {transform_indices = @transform_3, window_bounds = array<i64: 1, 1, 2000>}, {pipeline_mode = #tpu.pipeline_mode<synchronous>, transform_indices = @transform_4, window_bounds = array<i64: 4, 64>}, {pipeline_mode = #tpu.pipeline_mode<synchronous>, transform_indices = @transform_5, window_bounds = array<i64: 1, 64>}, {pipeline_mode = #tpu.pipeline_mode<synchronous>, transform_indices = @transform_6, window_bounds = array<i64: 64, 64>}, {pipeline_mode = #tpu.pipeline_mode<synchronous>, transform_indices = @transform_7, window_bounds = array<i64: 1, 64>}, {pipeline_mode = #tpu.pipeline_mode<synchronous>, transform_indices = @transform_8, window_bounds = array<i64: 64, 128>}, {pipeline_mode = #tpu.pipeline_mode<synchronous>, transform_indices = @transform_9, window_bounds = array<i64: 1, 128>}, {pipeline_mode = #tpu.pipeline_mode<synchronous>, transform_indices = @transform_10, window_bounds = array<i64: 128, 128>}]} {
    %eq3A = arith.constant 0 : i32
    %eq3A_0 = arith.cmpi eq, %arg0, %eq3A : i32
    %convert_element_type3A = arith.extui %eq3A_0 : i1 to i32
    %cond3A = arith.constant 0 : i32
    %cond3A_1 = arith.cmpi ne, %convert_element_type3A, %cond3A : i32
    scf.if %cond3A_1 {
      %broadcast_in_dim3A_64 = arith.constant 0.000000e+00 : f32
      %broadcast_in_dim3A_65 = vector.broadcast %broadcast_in_dim3A_64 : f32 to vector<128x64xf32>
      %swap3A_66 = arith.constant 0 : index
      %swap3A_67 = arith.constant 0 : index
      %swap3A_68 = vector.load %arg12[%swap3A_66, %swap3A_67] : memref<128x64xf32, #tpu.memory_space<vmem>>, vector<128x64xf32>
      tpu.vector_store %arg12[%swap3A_66, %swap3A_67], %broadcast_in_dim3A_65 {strides = array<i32>} : memref<128x64xf32, #tpu.memory_space<vmem>>, vector<128x64xf32>,
      %broadcast_in_dim3A_69 = arith.constant 0.000000e+00 : f32
      %broadcast_in_dim3A_70 = vector.broadcast %broadcast_in_dim3A_69 : f32 to vector<128x1xf32>
      %swap3A_71 = arith.constant 0 : index
      %swap3A_72 = arith.constant 0 : index
      %swap3A_73 = vector.load %arg13[%swap3A_71, %swap3A_72] : memref<128x1xf32, #tpu.memory_space<vmem>>, vector<128x1xf32>
      tpu.vector_store %arg13[%swap3A_71, %swap3A_72], %broadcast_in_dim3A_70 {strides = array<i32>} : memref<128x1xf32, #tpu.memory_space<vmem>>, vector<128x1xf32>,
    } else {
    }
    %get3A = arith.constant 0 : index
    %get3A_2 = arith.constant 0 : index
    %get3A_3 = vector.load %arg1[%get3A, %get3A_2] : memref<2000x8xf32, #tpu.memory_space<vmem>>, vector<2000x4xf32>
    %get3A_4 = arith.constant 0 : index
    %get3A_5 = arith.constant 0 : index
    %get3A_6 = vector.load %arg2[%get3A_4, %get3A_5] : memref<2000x8xf32, #tpu.memory_space<vmem>>, vector<2000x4xf32>
    %add3A = arith.addf %get3A_3, %get3A_6 : vector<2000x4xf32>
    %get3A_7 = arith.constant 0 : index
    %get3A_8 = arith.constant 0 : index
    %get3A_9 = vector.load %arg3[%get3A_7, %get3A_8] : memref<2000x4xf32, #tpu.memory_space<vmem>>, vector<2000x4xf32>
    %sub3A = arith.subf %add3A, %get3A_9 : vector<2000x4xf32>
    %get3A_10 = arith.constant 0 : index
    %get3A_11 = arith.constant 0 : index
    %get3A_12 = vector.load %arg5[%get3A_10, %get3A_11] : memref<4x64xf32, #tpu.memory_space<vmem>>, vector<4x64xf32>
    %dot_general3A = arith.constant dense<0.000000e+00> : vector<2000x64xf32>
    %dot_general3A_13 = tpu.matmul %sub3A, %get3A_12, %dot_general3A {dimension_numbers = #tpu.dot_dimension_numbers<[1], [0], [0], [1], [0, 0, 1, 1], [], []>, transpose_lhs_hint = false} : vector<2000x4xf32>, vector<4x64xf32>, vector<2000x64xf32> -> vector<2000x64xf32>
    %get3A_14 = arith.constant 0 : index
    %get3A_15 = arith.constant 0 : index
    %get3A_16 = vector.load %arg6[%get3A_14, %get3A_15] : memref<1x64xf32, #tpu.memory_space<vmem>>, vector<1x64xf32>
    %add3A_17 = vector.broadcast %get3A_16 : vector<1x64xf32> to vector<2000x64xf32>
    %add3A_18 = arith.addf %dot_general3A_13, %add3A_17 : vector<2000x64xf32>
    %max3A = arith.constant 0.000000e+00 : f32
    %max3A_19 = vector.broadcast %max3A : f32 to vector<2000x64xf32>
    %max3A_20 = arith.maximumf %add3A_18, %max3A_19 : vector<2000x64xf32>
    %get3A_21 = arith.constant 0 : index
    %get3A_22 = arith.constant 0 : index
    %get3A_23 = vector.load %arg7[%get3A_21, %get3A_22] : memref<64x64xf32, #tpu.memory_space<vmem>>, vector<64x64xf32>
    %dot_general3A_24 = arith.constant dense<0.000000e+00> : vector<2000x64xf32>
    %dot_general3A_25 = tpu.matmul %max3A_20, %get3A_23, %dot_general3A_24 {dimension_numbers = #tpu.dot_dimension_numbers<[1], [0], [0], [1], [0, 0, 1, 1], [], []>, transpose_lhs_hint = false} : vector<2000x64xf32>, vector<64x64xf32>, vector<2000x64xf32> -> vector<2000x64xf32>
    %get3A_26 = arith.constant 0 : index
    %get3A_27 = arith.constant 0 : index
    %get3A_28 = vector.load %arg8[%get3A_26, %get3A_27] : memref<1x64xf32, #tpu.memory_space<vmem>>, vector<1x64xf32>
    %add3A_29 = vector.broadcast %get3A_28 : vector<1x64xf32> to vector<2000x64xf32>
    %add3A_30 = arith.addf %dot_general3A_25, %add3A_29 : vector<2000x64xf32>
    %get3A_31 = arith.constant 0 : index
    %get3A_32 = arith.constant 0 : index
    %get3A_33 = arith.constant 0 : index
    %get3A_34 = vector.load %arg4[%get3A_31, %get3A_32, %get3A_33] : memref<1x1x2000xi32, #tpu.memory_space<vmem>>, vector<1x1x2000xi32>
    %get3A_35 = vector.shape_cast %get3A_34 : vector<1x1x2000xi32> to vector<2000xi32>
    %broadcast_in_dim3A = vector.shape_cast %get3A_35 : vector<2000xi32> to vector<2000x1xi32>
    %iota3A = tpu.iota {dimensions = array<i32: 1>} : vector<2000x128xi32>
    %eq3A_36 = vector.broadcast %broadcast_in_dim3A : vector<2000x1xi32> to vector<2000x128xi32>
    %eq3A_37 = arith.cmpi eq, %eq3A_36, %iota3A : vector<2000x128xi32>
    %convert_element_type3A_38 = arith.extui %eq3A_37 : vector<2000x128xi1> to vector<2000x128xi32>
    %convert_element_type3A_39 = arith.sitofp %convert_element_type3A_38 : vector<2000x128xi32> to vector<2000x128xf32>
    %get3A_40 = arith.constant 0 : index
    %get3A_41 = arith.constant 0 : index
    %get3A_42 = vector.load %arg12[%get3A_40, %get3A_41] : memref<128x64xf32, #tpu.memory_space<vmem>>, vector<128x64xf32>
    %dot_general3A_43 = arith.constant dense<0.000000e+00> : vector<128x64xf32>
    %dot_general3A_44 = tpu.matmul %convert_element_type3A_39, %add3A_30, %dot_general3A_43 {dimension_numbers = #tpu.dot_dimension_numbers<[0], [0], [1], [1], [0, 1, 1, 1], [], []>, transpose_lhs_hint = false} : vector<2000x128xf32>, vector<2000x64xf32>, vector<128x64xf32> -> vector<128x64xf32>
    %add3A_45 = arith.addf %get3A_42, %dot_general3A_44 : vector<128x64xf32>
    %swap3A = arith.constant 0 : index
    %swap3A_46 = arith.constant 0 : index
    %swap3A_47 = vector.load %arg12[%swap3A, %swap3A_46] : memref<128x64xf32, #tpu.memory_space<vmem>>, vector<128x64xf32>
    tpu.vector_store %arg12[%swap3A, %swap3A_46], %add3A_45 {strides = array<i32>} : memref<128x64xf32, #tpu.memory_space<vmem>>, vector<128x64xf32>,
    %get3A_48 = arith.constant 0 : index
    %get3A_49 = arith.constant 0 : index
    %get3A_50 = vector.load %arg13[%get3A_48, %get3A_49] : memref<128x1xf32, #tpu.memory_space<vmem>>, vector<128x1xf32>
    %broadcast_in_dim3A_51 = arith.constant 1.000000e+00 : f32
    %broadcast_in_dim3A_52 = vector.broadcast %broadcast_in_dim3A_51 : f32 to vector<2000x1xf32>
    %dot_general3A_53 = arith.constant dense<0.000000e+00> : vector<128x1xf32>
    %dot_general3A_54 = tpu.matmul %convert_element_type3A_39, %broadcast_in_dim3A_52, %dot_general3A_53 {dimension_numbers = #tpu.dot_dimension_numbers<[0], [0], [1], [1], [0, 1, 1, 1], [], []>, transpose_lhs_hint = false} : vector<2000x128xf32>, vector<2000x1xf32>, vector<128x1xf32> -> vector<128x1xf32>
    %add3A_55 = arith.addf %get3A_50, %dot_general3A_54 : vector<128x1xf32>
    %swap3A_56 = arith.constant 0 : index
    %swap3A_57 = arith.constant 0 : index
    %swap3A_58 = vector.load %arg13[%swap3A_56, %swap3A_57] : memref<128x1xf32, #tpu.memory_space<vmem>>, vector<128x1xf32>
    tpu.vector_store %arg13[%swap3A_56, %swap3A_57], %add3A_55 {strides = array<i32>} : memref<128x1xf32, #tpu.memory_space<vmem>>, vector<128x1xf32>,
    %eq3A_59 = arith.constant 49 : i32
    %eq3A_60 = arith.cmpi eq, %arg0, %eq3A_59 : i32
    %convert_element_type3A_61 = arith.extui %eq3A_60 : i1 to i32
    %cond3A_62 = arith.constant 0 : i32
    %cond3A_63 = arith.cmpi ne, %convert_element_type3A_61, %cond3A_62 : i32
    scf.if %cond3A_63 {
      %get3A_64 = arith.constant 0 : index
      %get3A_65 = arith.constant 0 : index
      %get3A_66 = vector.load %arg12[%get3A_64, %get3A_65] : memref<128x64xf32, #tpu.memory_space<vmem>>, vector<128x64xf32>
      %get3A_67 = arith.constant 0 : index
      %get3A_68 = arith.constant 0 : index
      %get3A_69 = vector.load %arg13[%get3A_67, %get3A_68] : memref<128x1xf32, #tpu.memory_space<vmem>>, vector<128x1xf32>
      %max3A_70 = arith.constant 1.000000e+00 : f32
      %max3A_71 = vector.broadcast %max3A_70 : f32 to vector<128x1xf32>
      %max3A_72 = arith.maximumf %get3A_69, %max3A_71 : vector<128x1xf32>
      %div3A = vector.broadcast %max3A_72 : vector<128x1xf32> to vector<128x64xf32>
      %div3A_73 = arith.divf %get3A_66, %div3A : vector<128x64xf32>
      %get3A_74 = arith.constant 0 : index
      %get3A_75 = arith.constant 0 : index
      %get3A_76 = vector.load %arg9[%get3A_74, %get3A_75] : memref<64x128xf32, #tpu.memory_space<vmem>>, vector<64x128xf32>
      %dot_general3A_77 = arith.constant dense<0.000000e+00> : vector<128x128xf32>
      %dot_general3A_78 = tpu.matmul %div3A_73, %get3A_76, %dot_general3A_77 {dimension_numbers = #tpu.dot_dimension_numbers<[1], [0], [0], [1], [0, 0, 1, 1], [], []>, transpose_lhs_hint = false} : vector<128x64xf32>, vector<64x128xf32>, vector<128x128xf32> -> vector<128x128xf32>
      %get3A_79 = arith.constant 0 : index
      %get3A_80 = arith.constant 0 : index
      %get3A_81 = vector.load %arg10[%get3A_79, %get3A_80] : memref<1x128xf32, #tpu.memory_space<vmem>>, vector<1x128xf32>
      %add3A_82 = vector.broadcast %get3A_81 : vector<1x128xf32> to vector<128x128xf32>
      %add3A_83 = arith.addf %dot_general3A_78, %add3A_82 : vector<128x128xf32>
      %swap3A_84 = arith.constant 0 : index
      %swap3A_85 = arith.constant 0 : index
      %swap3A_86 = vector.load %arg11[%swap3A_84, %swap3A_85] : memref<128x128xf32, #tpu.memory_space<vmem>>, vector<128x128xf32>
      tpu.vector_store %arg11[%swap3A_84, %swap3A_85], %add3A_83 {strides = array<i32>} : memref<128x128xf32, #tpu.memory_space<vmem>>, vector<128x128xf32>,
    } else {
    }
    return
  }
  func.func @transform_0(%arg0: i32) -> (i32, i32) {
    %c0_i32 = arith.constant 0 : i32
    %c0_i32_0 = arith.constant 0 : i32
    return %arg0, %c0_i32 : i32, i32
  }
  func.func @transform_1(%arg0: i32) -> (i32, i32) {
    %c0_i32 = arith.constant 0 : i32
    %c0_i32_0 = arith.constant 0 : i32
    return %arg0, %c0_i32 : i32, i32
  }
  func.func @transform_2(%arg0: i32) -> (i32, i32) {
    %c0_i32 = arith.constant 0 : i32
    %c0_i32_0 = arith.constant 0 : i32
    return %arg0, %c0_i32 : i32, i32
  }
  func.func @transform_3(%arg0: i32) -> (i32, i32, i32) {
    %c0_i32 = arith.constant 0 : i32
    %c0_i32_0 = arith.constant 0 : i32
    %c0_i32_1 = arith.constant 0 : i32
    return %arg0, %c0_i32, %c0_i32_0 : i32, i32, i32
  }
  func.func @transform_4(%arg0: i32) -> (i32, i32) {
    %c0_i32 = arith.constant 0 : i32
    %c0_i32_0 = arith.constant 0 : i32
    %c0_i32_1 = arith.constant 0 : i32
    return %c0_i32, %c0_i32_0 : i32, i32
  }
  func.func @transform_5(%arg0: i32) -> (i32, i32) {
    %c0_i32 = arith.constant 0 : i32
    %c0_i32_0 = arith.constant 0 : i32
    %c0_i32_1 = arith.constant 0 : i32
    return %c0_i32, %c0_i32_0 : i32, i32
  }
  func.func @transform_6(%arg0: i32) -> (i32, i32) {
    %c0_i32 = arith.constant 0 : i32
    %c0_i32_0 = arith.constant 0 : i32
    %c0_i32_1 = arith.constant 0 : i32
    return %c0_i32, %c0_i32_0 : i32, i32
  }
  func.func @transform_7(%arg0: i32) -> (i32, i32) {
    %c0_i32 = arith.constant 0 : i32
    %c0_i32_0 = arith.constant 0 : i32
    %c0_i32_1 = arith.constant 0 : i32
    return %c0_i32, %c0_i32_0 : i32, i32
  }
  func.func @transform_8(%arg0: i32) -> (i32, i32) {
    %c0_i32 = arith.constant 0 : i32
    %c0_i32_0 = arith.constant 0 : i32
    %c0_i32_1 = arith.constant 0 : i32
    return %c0_i32, %c0_i32_0 : i32, i32
  }
  func.func @transform_9(%arg0: i32) -> (i32, i32) {
    %c0_i32 = arith.constant 0 : i32
    %c0_i32_0 = arith.constant 0 : i32
    %c0_i32_1 = arith.constant 0 : i32
    return %c0_i32, %c0_i32_0 : i32, i32
  }
  func.func @transform_10(%arg0: i32) -> (i32, i32) {
    %c0_i32 = arith.constant 0 : i32
    %c0_i32_0 = arith.constant 0 : i32
    %c0_i32_1 = arith.constant 0 : i32
    return %c0_i32, %c0_i32_0 : i32, i32
  }
}

</mosaic_0001>

<sc_bundles>
// kernel: kernel.4.cloned.1.call-start
scs
__scs_entry_jumppad:
0x0: {  	(pc) =	sbr.rel $0x88, $3  }
0x1: {  	(tag) =	ssettag $0x0;
	lr =	simm.s32 $0x1  }
0x2: {  	[smem:$0x3F98] =	sst lr;
	_ =	strace $0xD0000000  }
0x3: {  	_ = 	snop  }
0x4: {  	_ = 	snop  }
0x5: {  	_ = 	snop  }
0x6: {  	_ = 	snop  }
0x7: {  	_ = 	snop  }
__scs_overlays_trampoline_lowered:
0x8: {  	[smem:$0x3FA7] =	sst s0  }
0x9: {  	[smem:$0x3FA8] =	sst s1  }
0xa: {  	[smem:$0x3FA9] =	sst s2  }
0xb: {  	[smem:$0x3FAA] =	sst s3  }
0xc: {  	[smem:$0x3FAB] =	sst s4  }
0xd: {  	[smem:$0x3FAC] =	sst s5  }
0xe: {  	[smem:$0x3FAD] =	sst s6  }
0xf: {  	[smem:$0x3FAE] =	sst s7  }
0x10: {  	[smem:$0x3FAF] =	sst s8  }
0x11: {  	[smem:$0x3FB0] =	sst s9;
	s0 =	simm.s32 @!p0 $0x0  }
0x12: {  	s1 =	sld [smem:$0x3F96];
	s0 =	simm.s32 @p0 $0x1  }
0x13: {  	[smem:$0x3FB1] =	sst s0;
	s0 =	simm.s32 @!p1 $0x0  }
0x14: {  	s2 =	sld [smem:$0x3F95];
	s0 =	simm.s32 @p1 $0x1  }
0x15: {  	[smem:$0x3FB2] =	sst s0;
	s0 =	simm.s32 @!p2 $0x0  }
0x16: {  	s3 =	sld [smem:$0x3FDB];
	s0 =	simm.s32 @p2 $0x1  }
0x17: {  	s4 =	simm.s32 $0x1BF5;
	[smem:$0x3FB4] =	sst s0  }
0x18: {  	s0 =	sld [smem:$0x3F97];
	_ =	swait.ge [sflag:s4], $0x0  }
0x19: {  	s7 =	sld [smem:$0x3F98]  }
0x1a: {  	s8 =	sadd.s32 $0xFFFFE003, lr  }
0x1b: {  	s9 =	sadd.s32 $0xFFFFFEF7, lr;
	s5 =	simm.s32 $0xFFFFFFFF;
	p2 =	slt.u32 s8, $0xFFFFF086  }
0x1c: {  	p1 =	slt.u32 s9, $0xF7A;
	s5 =	simm.s32 @!p2 $0x0  }
0x1d: {  	s5 =	simm.s32 @p1 $0x1;
	p0 =	seq.s32 s7, s2  }
0x1e: {  	s7 =	smul.u32 @!p0 $0xF7A, s2;
	p2 =	seq.s32 @!p0 s5, $0x0  }
0x1f: {  	s9 =	smul.u32 $0xF7A, s1;
	s8 =	simm.s32 @!p0 $0x1BF5;
	p2 =	por !p2, p0  }
0x20: {  	[sflag:s8] =	ssyncset.s32 @!p0 $0xFFFFF086;
	s6 =	sadd.s32 @!p0 s3, s7;
	s7 =	simm.s32 @!p0 $0x108  }
0x21: {  	s3 =	sadd.s32 s3, s9;
	s6 =	sadd.s32 @!p0 $0x88, s6;
	s7 =	simm.s32 @p2 $0x1082  }
0x22: {  	[simem:s7], [sflag:s8] =	dma.local @!p0 [hbm:s6], $0xF7A  }
0x23: {  	s9 =	sor.u32 $0xD0000000, s2;
	s6 =	simm.s32 $0x108;
	_ =	swait.ge @!p0 [sflag:s8], $0x0  }
0x24: {  	s3 =	sadd.s32 $0x88, s3;
	s6 =	simm.s32 @!p1 $0x1082;
	[sflag:s4] =	ssyncset.s32 $0xFFFFF086  }
0x25: {  	[simem:s6], [sflag:s4] =	dma.local [hbm:s3], $0xF7A  }
0x26: {  	[smem:$0x3F98] =	sst s1;
	(tag) =	ssettag s2;
	_ =	strace s9  }
0x27: {  	s1 =	sld [smem:$0x3FA8]  }
0x28: {  	s2 =	sld [smem:$0x3FA9]  }
0x29: {  	s4 =	sld [smem:$0x3FAB]  }
0x2a: {  	p0 =	seq.s32 s5, $0x0;
	s5 =	sld [smem:$0x3FAC]  }
0x2b: {  	s6 =	sld [smem:$0x3FAD]  }
0x2c: {  	s7 =	sld [smem:$0x3FAE]  }
0x2d: {  	s3 =	simm.s32 $0x108;
	s8 =	sld [smem:$0x3FAF]  }
0x2e: {  	s3 =	simm.s32 @!p0 $0x1082;
	s9 =	sld [smem:$0x3FB0]  }
0x2f: {  	lr =	sadd.s32 s0, s3;
	s0 =	sld [smem:$0x3FA7]  }
0x30: {  	s3 =	sld [smem:$0x3FAA]  }
0x31: {  	[smem:$0x3FB3] =	sst s10  }
0x32: {  	s10 =	sld [smem:$0x3FB1];
	_ =	sdelay $0x3  }
0x33: {  	p0 =	seq.s32 s10, $0x1;
	s10 =	sld [smem:$0x3FB3];
	_ =	sdelay $0x3  }
0x34: {  	[smem:$0x3FB3] =	sst s10  }
0x35: {  	s10 =	sld [smem:$0x3FB2];
	_ =	sdelay $0x3  }
0x36: {  	p1 =	seq.s32 s10, $0x1;
	s10 =	sld [smem:$0x3FB3];
	_ =	sdelay $0x3  }
0x37: {  	[smem:$0x3FB3] =	sst s10  }
0x38: {  	s10 =	sld [smem:$0x3FB4]  }
0x39: {  	_ = 	snop;
	(pc) =	sbr.ind lr, $3  }
0x3a: {  	_ = 	snop  }
0x3b: {  	_ = 	snop  }
0x3c: {  	p2 =	seq.s32 s10, $0x1;
	s10 =	sld [smem:$0x3FB3]  }
0x3d: {  	_ =	shalt  }
0x3e: {  	_ =	shalt  }
0x3f: {  	_ =	shalt  }
0x40: {  	_ =	shalt  }
0x41: {  	_ =	shalt  }
0x42: {  	_ =	shalt  }
0x43: {  	_ =	shalt  }
0x44: {  	_ =	shalt  }
0x45: {  	_ =	shalt  }
0x46: {  	_ =	shalt  }
0x47: {  	_ =	shalt  }
0x48: {  	_ =	shalt  }
0x49: {  	_ =	shalt  }
0x4a: {  	_ =	shalt  }
0x4b: {  	_ =	shalt  }
0x4c: {  	_ =	shalt  }
0x4d: {  	_ =	shalt  }
0x4e: {  	_ =	shalt  }
0x4f: {  	_ =	shalt  }
0x50: {  	_ =	shalt  }
0x51: {  	_ =	shalt  }
0x52: {  	_ =	shalt  }
0x53: {  	_ =	shalt  }
0x54: {  	_ =	shalt  }
0x55: {  	_ =	shalt  }
0x56: {  	_ =	shalt  }
0x57: {  	_ =	shalt  }
0x58: {  	_ =	shalt  }
0x59: {  	_ =	shalt  }
0x5a: {  	_ =	shalt  }
0x5b: {  	_ =	shalt  }
0x5c: {  	_ =	shalt  }
0x5d: {  	_ =	shalt  }
0x5e: {  	_ =	shalt  }
0x5f: {  	_ =	shalt  }
0x60: {  	_ =	shalt  }
0x61: {  	_ =	shalt  }
0x62: {  	_ =	shalt  }
0x63: {  	_ =	shalt  }
0x64: {  	_ =	shalt  }
0x65: {  	_ =	shalt  }
0x66: {  	_ =	shalt  }
0x67: {  	_ =	shalt  }
0x68: {  	_ =	shalt  }
0x69: {  	_ =	shalt  }
0x6a: {  	_ =	shalt  }
0x6b: {  	_ =	shalt  }
0x6c: {  	_ =	shalt  }
0x6d: {  	_ =	shalt  }
0x6e: {  	_ =	shalt  }
0x6f: {  	_ =	shalt  }
0x70: {  	_ =	shalt  }
0x71: {  	_ =	shalt  }
0x72: {  	_ =	shalt  }
0x73: {  	_ =	shalt  }
0x74: {  	_ =	shalt  }
0x75: {  	_ =	shalt  }
0x76: {  	_ =	shalt  }
0x77: {  	_ =	shalt  }
0x78: {  	_ =	shalt  }
0x79: {  	_ =	shalt  }
0x7a: {  	_ =	shalt  }
0x7b: {  	_ =	shalt  }
0x7c: {  	_ =	shalt  }
0x7d: {  	_ =	shalt  }
0x7e: {  	_ =	shalt  }
0x7f: {  	_ =	shalt  }
0x80: {  	_ =	shalt  }
0x81: {  	_ =	shalt  }
0x82: {  	_ =	shalt  }
0x83: {  	_ =	shalt  }
0x84: {  	_ =	shalt  }
0x85: {  	_ =	shalt  }
0x86: {  	_ =	shalt  }
0x87: {  	_ =	shalt  }
.Lfunc_end0:
.L_simem_size_0:
called_computation_lowered:
.L_overlay_start_0:
0x88: {  	s2 =	sld [smem:$0x3FD9]  }
0x89: {  	s3 =	sld [smem:$0x3FFE];
	_ =	sdelay $0x1  }
0x8a: {  	s1 =	srdreg.scid  }
0x8b: {  	s0 =	sand.u32 $0x1, s1  }
0x8c: {  	s16 =	sshll.u32 s0, $0xA;
	s2 =	sadd.s32 s3, s2  }
0x8d: {  	s2 =	sadd.s32 s2, s16  }
0x8e: {  	[smem:$0x3FBF] =	sst s2  }
0x8f: {  	_ = 	snop  }
0x90: {  	(tm) =	ssettm $0x1  }
0x91: {  	s17 =	sld [smem:$0x3FFB];
	_ =	sdelay $0x3  }
0x92: {  	_ =	strace s17  }
0x93: {  	s2 =	sld [smem:$0x3FFC];
	_ =	sdelay $0x3  }
0x94: {  	_ =	strace s2  }
0x95: {  	s2 =	sld [smem:$0x3FFD];
	_ =	sdelay $0x3  }
0x96: {  	_ =	strace s2  }
0x97: {  	_ =	strace $0x8FFFFFFF  }
0x98: {  	s18 =	sld [smem:$0x3FDB];
	_ =	sdelay $0x1  }
0x99: {  	s19 =	simm.s32 $_scs_section_size  }
0x9a: {  	s4 =	simm.s32 $_size__tile_overlayer_lowered;
	s5 =	simm.s32 $_tile_overlayer_lowered  }
0x9b: {  	s22 =	simm.s32 $0x1BFF;
	s21 =	sshll.u32 s5, $0x1;
	s2 =	sadd.s32 s19, s18  }
0x9c: {  	s6 =	simm.s32 $0x0;
	s20 =	sshll.u32 s4, $0x1;
	s4 =	sadd.s32 s21, s2  }
0x9d: {  	[timem:s6], [sflag:s22] =	dma.local [hbm:s4], s20  }
0x9e: {  	_ =	swait.ge [sflag:s22], s20  }
0x9f: {  	s3 =	ssub.s32 $0x0, s20;
	[sflag:s22] =	ssyncset.done $0x0  }
0xa0: {  	[sflag:s22] =	ssyncadd.s32 s3;
	_ =	sdelay $0x1  }
0xa1: {  	s23 =	simm.s32 $0x1B8B  }
0xa2: {  	_ =	swait.ge [sflag:s23], $0x1  }
0xa3: {  	[sflag:s23] =	ssyncset.done $0x0  }
0xa4: {  	s25 =	simm.s32 $0x1B8E;
	s24 =	sld [smem:$0x3FFE];
	[sflag:s23] =	ssyncadd.s32 $0xFFFFFFFF  }
0xa5: {  	s26 =	simm.s32 $execute0_lowered;
	[smem:$0x3FD2] =	sst s25  }
0xa6: {  	s4 =	sshll.u32 s26, $0x1;
	_ =	strace $0x80000046;
	[dreg:$0x1] =	wrdreg $0xFFFFFFFF  }
0xa7: {  	s28 =	simm.s32 $_size_execute0_lowered;
	s2 =	sadd.s32 s2, s4;
	[dreg:$0x0] =	wrdreg $0x0  }
0xa8: {  	s4 =	sshll.u32 s28, $0x1;
	[dreg:$0x2] =	wrdreg s2  }
0xa9: {  	[dreg:$0x3] =	wrdreg s4  }
0xaa: {  	[dreg:$0x4] =	wrdreg $0xC0  }
0xab: {  	_ =	task [dreg:s6], $0x5FFFF  }
0xac: {  	[dreg:$0x1] =	wrdreg $0xFFFFFFFF  }
0xad: {  	[dreg:$0x0] =	wrdreg $0x60  }
0xae: {  	[dreg:$0x2] =	wrdreg s24  }
0xaf: {  	[dreg:$0x3] =	wrdreg $0x0  }
0xb0: {  	[dreg:$0x4] =	wrdreg $0xC3500  }
0xb1: {  	[dreg:$0x5] =	wrdreg $0x9  }
0xb2: {  	_ =	task.clear_ibuf [dreg:s6], $0x6FFFF;
	_ =	strace $0x90000046  }
0xb3: {  	s29 =	simm.s32 $0x9;
	_ =	strace $0x80000048  }
0xb4: {  	_ =	swait.ge [sflag:s29], $0x1  }
0xb5: {  	[sflag:s29] =	ssyncadd.s32 $0xFFFFFFFF  }
0xb6: {  	_ =	strace $0x90000048  }
0xb7: {  	_ =	sfence  }
0xb8: {  	s30 =	sld [smem:$0x0];
	_ =	sdelay $0x2  }
0xb9: {  	s31 =	sshll.u32 s1, $0xD;
	s1 =	sshrl.u32 s1, $0x2  }
0xba: {  	s3 =	sand.u32 $0x4000, s31;
	s1 =	sadd.s32 s1, s30  }
0xbb: {  	s0 =	sor.u32 s3, s0;
	s1 =	sshll.u32 s1, $0x11  }
0xbc: {  	s0 =	sor.u32 s1, s0  }
0xbd: {  	s0 =	sadd.s32 $0x8F2B, s0  }
0xbe: {  	[sflag:s0] =	ssyncadd.remote.s32 $0x1  }
0xbf: {  	_ =	sfence.sel $0xFFFF  }
0xc0: {  	[dreg:$0x0] =	wrdreg $0xFFFFFFFF;
	(pc) =	sbr.abs _section_cstart, $3  }
0xc1: {  	[dreg:$0x1] =	wrdreg $0xFFFFFFFF  }
0xc2: {  	_ =	task.clear_ibuf [dreg:s6], $0x2FFFF;
	_ =	strace $0x9FFFFFFF  }
0xc3: {  	(tm) =	ssettm $0x7FFFFFFF  }
tec
execute0_lowered:
.L_overlay_start_1:
0x0: {  	(tag) =	ssettag $0x1  }
0x1: {  	s0 =	rddreg [dreg:$0x0]  }
0x2: {  	s2 =	rddreg [dreg:$0x1]  }
0x3: {  	s1 =	rddreg [dreg:$0x2]  }
0x4: {  	s3 =	simm.s32 $0x0;
	s19 =	stileid.u32;
	s6 =	srdreg.scid  }
0x5: {  	s28 =	simm.s32 $0x187A0;
	s29 =	simm.s32 $0x19EA0;
	s30 =	simm.s32 $0x188A0  }
0x6: {  	s31 =	simm.s32 $0x1A6A0;
	[smem:$0x7FF] =	sst s3;
	s4 =	sadd.s32 $0x30F200, s0  }
0x7: {  	s5 =	smul.u32 $0xC380, s19;
	s7 =	sadd.s32 $0xC5200, s0;
	s9 =	sadd.s32 $0x1C00, s0  }
0x8: {  	s10 =	sand.u32 $0x1, s6;
	s11 =	sshll.u32 s19, $0x1;
	s20 =	sadd.s32 $0x326090, s0  }
0x9: {  	s22 =	sadd.s32 $0xB7480, s1;
	s25 =	smul.u32 $0xC300, s19;
	p0 =	seq.s32 s19, $0xF  }
0xa: {  	p1 =	sgt.u32 s19, $0x4;
	_ =	strace $0x80000047;
	s8 =	ssub.s32 $0x2, s10  }
0xb: {  	s11 =	sor.u32 s10, s11;
	[dreg:$0xe] =	wrdreg s20;
	p5 =	seq.s32 s10, $0x1  }
0xc: {  	s10 =	smul.u32 $0x6180, s10;
	s16 =	sshrl.u32 s5, $0x3;
	s13 =	sshrl.u32 s8, $0x1  }
0xd: {  	s14 =	sadd.s32 s5, s2;
	s17 =	smul.u32 $0x30C00, s11;
	s18 =	sadd.s32 s5, s1  }
0xe: {  	s2 =	sadd.s32 $0xB7480, s2;
	s11 =	sshll.u32 s11, $0x7;
	p3 =	seq.s32 @p5 s19, $0xF  }
0xf: {  	p6 =	seq.s32 @!p5 s19, $0xF;
	s12 =	sadd.s32 s16, s0;
	s13 =	ssub.s32 s8, s13  }
0x10: {  	s6 =	sadd.s32 s4, s16;
	s8 =	smov.u32 s18;
	s11 =	sor.u32 $0xC3000, s11  }
0x11: {  	p2 =	por !p3, !p5;
	p3 =	por p3, !p5;
	p4 =	por !p6, p5  }
0x12: {  	p5 =	por p6, p5;
	[dreg:$0xc] =	wrdreg s6;
	s21 =	sshrl.u32 s17, $0x3  }
0x13: {  	s23 =	sadd.s32 s7, s11;
	s24 =	sadd.s32 s9, s11;
	[dreg:$0xd] =	wrdreg s8  }
0x14: {  	s26 =	sadd.s32 $0x1A1000, s12;
	s16 =	sadd.s32 $0x188800, s12;
	[dreg:$0x12] =	wrdreg s23  }
0x15: {  	s17 =	sadd.s32 s25, s9;
	s18 =	smax.u32 s13, $0x1;
	[dreg:$0x13] =	wrdreg s24  }
0x16: {  	s11 =	simm.s32 $0x18FA0;
	s12 =	simm.s32 $0x190A0;
	[dreg:$0x14] =	wrdreg s26  }
0x17: {  	s13 =	simm.s32 $0x191A0;
	s6 =	simm.s32 $0x0;
	[dreg:$0x16] =	wrdreg s16  }
0x18: {  	s5 =	sadd.s32 $0x6100, s21;
	[dreg:$0x18] =	wrdreg s18;
	s21 =	simm.s32 $0x18BA0  }
0x19: {  	s23 =	simm.s32 $0x18DA0;
	s24 =	simm.s32 $0x193A0;
	[dreg:$0x6] =	wrdreg s21  }
0x1a: {  	s26 =	simm.s32 $0x195A0;
	s16 =	simm.s32 $0x1C6A0;
	[dreg:$0x8] =	wrdreg s23  }
0x1b: {  	s18 =	simm.s32 $0x2;
	s15 =	sadd.s32 s7, s5;
	[dreg:$0x9] =	wrdreg s24  }
0x1c: {  	s5 =	sadd.s32 s9, s5;
	s21 =	simm.s32 $0x18EA0;
	[dreg:$0xb] =	wrdreg s26  }
0x1d: {  	s23 =	simm.s32 $0x192A0;
	s24 =	simm.s32 $0x3;
	[dreg:$0x10] =	wrdreg s15  }
0x1e: {  	s26 =	simm.s32 $0x196A0;
	[dreg:$0x11] =	wrdreg s5;
	s15 =	sadd.s32 $0x1B7E90, s0  }
0x1f: {  	s0 =	sadd.s32 $0x19F690, s0;
	s5 =	sadd.s32 s25, s7;
	[dreg:$0x15] =	wrdreg s15  }
0x20: {  	s7 =	smov.u32 s22;
	s22 =	simm.s32 $0x18CA0;
	[dreg:$0x17] =	wrdreg s0  }
0x21: {  	s9 =	simm.s32 $0x1AEA0;
	s25 =	simm.s32 $0x194A0;
	[dreg:$0x7] =	wrdreg s22  }
0x22: {  	s0 =	sadd.s32 s10, s17;
	s20 =	sadd.s32 s10, s5;
	[dreg:$0xa] =	wrdreg s25  }
0x23: {  	s22 =	simm.s32 $0x18AA0;
	s25 =	simm.s32 $0x100;
	[dreg:$0xf] =	wrdreg s7  }
0x24: {  	s10 =	simm.s32 $0x1;
	s15 =	simm.s32 $0x1BEA0;
	[dreg:$0x4] =	wrdreg s0  }
0x25: {  	s17 =	simm.s32 $0x1CEA0;
	[dreg:$0x5] =	wrdreg s20;
	s0 =	sshrl.u32 @p0 s2, $0x3  }
0x26: {  	s2 =	sshrl.u32 @!p0 s14, $0x3;
	s20 =	simm.s32 $0x186A0;
	[dreg:$0x19] =	wrdreg s0  }
0x27: {  	s14 =	simm.s32 $0x1B6A0;
	[dreg:$0x1a] =	wrdreg s2;
	s0 =	simm.s32 $0x189A0  }
.LBB2_1:
0x28: {  	[dreg:$0x1b] =	wrdreg s6  }
0x29: {  	s6 =	rddreg [dreg:$0xe]  }
0x2a: {  	s2 =	simm.s32 @p0 $0x1FC4;
	s5 =	rddreg [dreg:$0x19]  }
0x2b: {  	[spmem:s5], [sflag:s2] =	dma.local @p0 [hbm:s6], $0x1810  }
0x2c: {  	s5 =	simm.s32 @p0 $0x4  }
0x2d: {  	_ =	swait.ge @p0 [sflag:s5], $0x1810  }
0x2e: {  	[sflag:s5] =	ssyncset.done @p0 $0x0  }
0x2f: {  	s7 =	sshrl.u32 @p0 s7, $0x3;
	[sflag:s5] =	ssyncadd.s32 @p0 $0xFFFFE7F0  }
0x30: {  	[spmem:s7], [sflag:s2] =	dma.local @p0 [hbm:s6], $0x1810  }
0x31: {  	_ =	swait.ge @p0 [sflag:s5], $0x1810  }
0x32: {  	s2 =	sshll.u32 @!p0 s19, $0x6;
	[sflag:s5] =	ssyncset.done @p0 $0x0;
	s6 =	rddreg [dreg:$0xc]  }
0x33: {  	s2 =	sor.u32 @!p0 $0x1C04, s2;
	[sflag:s5] =	ssyncadd.s32 @p0 $0xFFFFE7F0;
	s5 =	rddreg [dreg:$0x1a]  }
0x34: {  	[spmem:s5], [sflag:s2] =	dma.local @!p0 [hbm:s6], $0x1870  }
0x35: {  	s5 =	simm.s32 @!p0 $0x4  }
0x36: {  	_ =	swait.ge @!p0 [sflag:s5], $0x1870  }
0x37: {  	[sflag:s5] =	ssyncset.done @!p0 $0x0  }
0x38: {  	s7 =	sshrl.u32 @!p0 s8, $0x3;
	[sflag:s5] =	ssyncadd.s32 @!p0 $0xFFFFE790  }
0x39: {  	[spmem:s7], [sflag:s2] =	dma.local @!p0 [hbm:s6], $0x1870  }
0x3a: {  	_ =	swait.ge @!p0 [sflag:s5], $0x1870  }
0x3b: {  	[sflag:s5] =	ssyncset.done @!p0 $0x0  }
0x3c: {  	[sflag:s5] =	ssyncadd.s32 @!p0 $0xFFFFE790  }
0x3d: {  	[bflag:$0x0] =	sbarrier.arrive $0xFFFF  }
0x3e: {  	s5 =	rddreg [dreg:$0x5]  }
0x3f: {  	s6 =	rddreg [dreg:$0x4];
	s2 =	sadd.s32 $0x0, s5  }
0x40: {  	[tilespmem:s20], [sflag:$0x3] =	stream.linear.gather [hbm4b:s2+s3], $0x400, $0x38;
	[tilespmem:$0x1D6A0] =	vst v63  }
0x41: {  	s5 =	sadd.s32 $0x0, s6  }
0x42: {  	[tilespmem:s21], [sflag:$0x3] =	stream.linear.gather [hbm4b:s5+s3], $0x400, $0x38;
	[tilespmem:$0x1D6A0] =	vst v63  }
0x43: {  	s2 =	sadd.s32 $0x80, s2  }
0x44: {  	[tilespmem:s22], [sflag:$0x3] =	stream.linear.gather [hbm4b:s2+s3], $0x400, $0x38;
	[tilespmem:$0x1D6A0] =	vst v63  }
0x45: {  	s7 =	sadd.s32 $0x80, s5  }
0x46: {  	[tilespmem:s23], [sflag:$0x3] =	stream.linear.gather [hbm4b:s7+s3], $0x400, $0x38;
	[tilespmem:$0x1D6A0] =	vst v63  }
0x47: {  	_ =	swait.ge [sflag:s24], $0x400  }
0x48: {  	[sflag:s24] =	ssyncset.done $0x0  }
0x49: {  	[sflag:s24] =	ssyncadd.s32 $0xFFFFFC00  }
0x4a: {  	_ =	swait.ge [sflag:s24], $0x400  }
0x4b: {  	[sflag:s24] =	ssyncset.done $0x0  }
0x4c: {  	[sflag:s24] =	ssyncadd.s32 $0xFFFFFC00  }
0x4d: {  	[tilespmem:s26], [sflag:$0x1] =	stream.indirect.gather [hbm4b:s4+s25], $0x8, s20, s25, $0xb8;
	[tilespmem:$0x1D6A0] =	vst v63  }
0x4e: {  	_ = 	snop  }
0x4f: {  	[tilespmem:s29], [sflag:$0x1] =	stream.indirect.gather [hbm4b:s4+s25], $0x8, s28, s25, $0xb8;
	[tilespmem:$0x1D6A0] =	vst v63  }
0x50: {  	_ = 	snop  }
0x51: {  	[tilespmem:s31], [sflag:$0x1] =	stream.indirect.gather [hbm4b:s4+s25], $0x8, s30, s25, $0xb8;
	[tilespmem:$0x1D6A0] =	vst v63  }
0x52: {  	_ = 	snop  }
0x53: {  	[tilespmem:s9], [sflag:$0x1] =	stream.indirect.gather [hbm4b:s4+s25], $0x8, s0, s25, $0xb8;
	[tilespmem:$0x1D6A0] =	vst v63  }
0x54: {  	_ =	swait.ge [sflag:s10], $0x800  }
0x55: {  	[sflag:s10] =	ssyncset.done $0x0  }
0x56: {  	[sflag:s10] =	ssyncadd.s32 $0xFFFFF800  }
0x57: {  	_ =	swait.ge [sflag:s10], $0x800  }
0x58: {  	[sflag:s10] =	ssyncset.done $0x0  }
0x59: {  	[sflag:s10] =	ssyncadd.s32 $0xFFFFF800  }
0x5a: {  	_ =	swait.ge [sflag:s10], $0x800  }
0x5b: {  	[sflag:s10] =	ssyncset.done $0x0  }
0x5c: {  	[sflag:s10] =	ssyncadd.s32 $0xFFFFF800  }
0x5d: {  	_ =	swait.ge [sflag:s10], $0x800  }
0x5e: {  	[sflag:s10] =	ssyncset.done $0x0  }
0x5f: {  	[sflag:s10] =	ssyncadd.s32 $0xFFFFF800  }
0x60: {  	[spmem:s1] =	stream.indirect.scatter.add.f32 [tilespmem:s26], [sflag:$0x2], $0x8, s21, s25, $0xb8;
	[tilespmem:$0x1D6A0] =	vst v63  }
0x61: {  	_ = 	snop  }
0x62: {  	[spmem:s1] =	stream.indirect.scatter.add.f32 [tilespmem:s29], [sflag:$0x2], $0x8, s11, s25, $0xb8;
	[tilespmem:$0x1D6A0] =	vst v63  }
0x63: {  	_ = 	snop  }
0x64: {  	[spmem:s1] =	stream.indirect.scatter.add.f32 [tilespmem:s31], [sflag:$0x2], $0x8, s12, s25, $0xb8;
	[tilespmem:$0x1D6A0] =	vst v63  }
0x65: {  	_ = 	snop  }
0x66: {  	[spmem:s1] =	stream.indirect.scatter.add.f32 [tilespmem:s9], [sflag:$0x2], $0x8, s13, s25, $0xb8;
	[tilespmem:$0x1D6A0] =	vst v63  }
0x67: {  	_ =	swait.ge [sflag:s24], $0x400  }
0x68: {  	[sflag:s24] =	ssyncset.done $0x0  }
0x69: {  	[sflag:s24] =	ssyncadd.s32 $0xFFFFFC00  }
0x6a: {  	_ =	swait.ge [sflag:s24], $0x400  }
0x6b: {  	[sflag:s24] =	ssyncset.done $0x0  }
0x6c: {  	[sflag:s24] =	ssyncadd.s32 $0xFFFFFC00  }
0x6d: {  	[tilespmem:s14], [sflag:$0x1] =	stream.indirect.gather [hbm4b:s4+s25], $0x8, s22, s25, $0xb8;
	[tilespmem:$0x1D6A0] =	vst v63  }
0x6e: {  	s8 =	rddreg [dreg:$0x6]  }
0x6f: {  	[tilespmem:s15], [sflag:$0x1] =	stream.indirect.gather [hbm4b:s4+s25], $0x8, s8, s25, $0xb8;
	[tilespmem:$0x1D6A0] =	vst v63  }
0x70: {  	s19 =	rddreg [dreg:$0x7]  }
0x71: {  	[tilespmem:s16], [sflag:$0x1] =	stream.indirect.gather [hbm4b:s4+s25], $0x8, s19, s25, $0xb8;
	[tilespmem:$0x1D6A0] =	vst v63  }
0x72: {  	s6 =	rddreg [dreg:$0x8]  }
0x73: {  	[tilespmem:s17], [sflag:$0x1] =	stream.indirect.gather [hbm4b:s4+s25], $0x8, s6, s25, $0xb8;
	[tilespmem:$0x1D6A0] =	vst v63  }
0x74: {  	_ =	swait.ge [sflag:s10], $0x800  }
0x75: {  	[sflag:s10] =	ssyncset.done $0x0  }
0x76: {  	[sflag:s10] =	ssyncadd.s32 $0xFFFFF800  }
0x77: {  	_ =	swait.ge [sflag:s10], $0x800  }
0x78: {  	[sflag:s10] =	ssyncset.done $0x0  }
0x79: {  	[sflag:s10] =	ssyncadd.s32 $0xFFFFF800  }
0x7a: {  	_ =	swait.ge [sflag:s10], $0x800  }
0x7b: {  	[sflag:s10] =	ssyncset.done $0x0  }
0x7c: {  	[sflag:s10] =	ssyncadd.s32 $0xFFFFF800  }
0x7d: {  	_ =	swait.ge [sflag:s10], $0x800  }
0x7e: {  	[sflag:s10] =	ssyncset.done $0x0  }
0x7f: {  	[sflag:s10] =	ssyncadd.s32 $0xFFFFF800  }
0x80: {  	_ =	swait.ge [sflag:s18], $0x800  }
0x81: {  	[sflag:s18] =	ssyncset.done $0x0  }
0x82: {  	[sflag:s18] =	ssyncadd.s32 $0xFFFFF800  }
0x83: {  	_ =	swait.ge [sflag:s18], $0x800  }
0x84: {  	[sflag:s18] =	ssyncset.done $0x0  }
0x85: {  	[sflag:s18] =	ssyncadd.s32 $0xFFFFF800  }
0x86: {  	_ =	swait.ge [sflag:s18], $0x800  }
0x87: {  	[sflag:s18] =	ssyncset.done $0x0  }
0x88: {  	[sflag:s18] =	ssyncadd.s32 $0xFFFFF800  }
0x89: {  	_ =	swait.ge [sflag:s18], $0x800  }
0x8a: {  	[sflag:s18] =	ssyncset.done $0x0  }
0x8b: {  	[sflag:s18] =	ssyncadd.s32 $0xFFFFF800  }
0x8c: {  	[spmem:s1] =	stream.indirect.scatter.add.f32 [tilespmem:s14], [sflag:$0x2], $0x8, s23, s25, $0xb8;
	[tilespmem:$0x1D6A0] =	vst v63  }
0x8d: {  	s7 =	rddreg [dreg:$0x9]  }
0x8e: {  	[spmem:s1] =	stream.indirect.scatter.add.f32 [tilespmem:s15], [sflag:$0x2], $0x8, s7, s25, $0xb8;
	[tilespmem:$0x1D6A0] =	vst v63  }
0x8f: {  	s8 =	rddreg [dreg:$0xa]  }
0x90: {  	[spmem:s1] =	stream.indirect.scatter.add.f32 [tilespmem:s16], [sflag:$0x2], $0x8, s8, s25, $0xb8;
	[tilespmem:$0x1D6A0] =	vst v63  }
0x91: {  	s19 =	rddreg [dreg:$0xb]  }
0x92: {  	[spmem:s1] =	stream.indirect.scatter.add.f32 [tilespmem:s17], [sflag:$0x2], $0x8, s19, s25, $0xb8;
	[tilespmem:$0x1D6A0] =	vst v63  }
0x93: {  	_ =	swait.ge [sflag:s18], $0x800  }
0x94: {  	[sflag:s18] =	ssyncset.done $0x0  }
0x95: {  	[sflag:s18] =	ssyncadd.s32 $0xFFFFF800  }
0x96: {  	_ =	swait.ge [sflag:s18], $0x800  }
0x97: {  	[sflag:s18] =	ssyncset.done $0x0  }
0x98: {  	[sflag:s18] =	ssyncadd.s32 $0xFFFFF800  }
0x99: {  	_ =	swait.ge [sflag:s18], $0x800  }
0x9a: {  	[sflag:s18] =	ssyncset.done $0x0  }
0x9b: {  	[sflag:s18] =	ssyncadd.s32 $0xFFFFF800  }
0x9c: {  	s5 =	simm.s32 $0x200;
	_ =	swait.ge [sflag:s18], $0x800  }
0x9d: {  	s2 =	simm.s32 $0x100;
	s7 =	rddreg [dreg:$0x5];
	[sflag:s18] =	ssyncset.done $0x0  }
.LBB2_2:
0x9e: {  	[sflag:s18] =	ssyncadd.s32 $0xFFFFF800;
	s8 =	rddreg [dreg:$0x4];
	s7 =	sadd.s32 s2, s7  }
0x9f: {  	[tilespmem:s20], [sflag:$0x3] =	stream.linear.gather [hbm4b:s7+s3], $0x400, $0x38;
	[tilespmem:$0x1D6A0] =	vst v63  }
0xa0: {  	s8 =	sadd.s32 s2, s8  }
0xa1: {  	[tilespmem:s21], [sflag:$0x3] =	stream.linear.gather [hbm4b:s8+s3], $0x400, $0x38;
	[tilespmem:$0x1D6A0] =	vst v63  }
0xa2: {  	s7 =	sadd.s32 $0x80, s7  }
0xa3: {  	[tilespmem:s22], [sflag:$0x3] =	stream.linear.gather [hbm4b:s7+s3], $0x400, $0x38;
	[tilespmem:$0x1D6A0] =	vst v63  }
0xa4: {  	s19 =	sadd.s32 $0x80, s8  }
0xa5: {  	[tilespmem:s23], [sflag:$0x3] =	stream.linear.gather [hbm4b:s19+s3], $0x400, $0x38;
	[tilespmem:$0x1D6A0] =	vst v63  }
0xa6: {  	_ =	swait.ge [sflag:s24], $0x400  }
0xa7: {  	[sflag:s24] =	ssyncset.done $0x0  }
0xa8: {  	[sflag:s24] =	ssyncadd.s32 $0xFFFFFC00  }
0xa9: {  	_ =	swait.ge [sflag:s24], $0x400  }
0xaa: {  	[sflag:s24] =	ssyncset.done $0x0  }
0xab: {  	[sflag:s24] =	ssyncadd.s32 $0xFFFFFC00  }
0xac: {  	[tilespmem:s26], [sflag:$0x1] =	stream.indirect.gather [hbm4b:s4+s25], $0x8, s20, s25, $0xb8;
	[tilespmem:$0x1D6A0] =	vst v63  }
0xad: {  	_ = 	snop  }
0xae: {  	[tilespmem:s29], [sflag:$0x1] =	stream.indirect.gather [hbm4b:s4+s25], $0x8, s28, s25, $0xb8;
	[tilespmem:$0x1D6A0] =	vst v63  }
0xaf: {  	_ = 	snop  }
0xb0: {  	[tilespmem:s31], [sflag:$0x1] =	stream.indirect.gather [hbm4b:s4+s25], $0x8, s30, s25, $0xb8;
	[tilespmem:$0x1D6A0] =	vst v63  }
0xb1: {  	_ = 	snop  }
0xb2: {  	[tilespmem:s9], [sflag:$0x1] =	stream.indirect.gather [hbm4b:s4+s25], $0x8, s0, s25, $0xb8;
	[tilespmem:$0x1D6A0] =	vst v63  }
0xb3: {  	_ =	swait.ge [sflag:s10], $0x800  }
0xb4: {  	[sflag:s10] =	ssyncset.done $0x0  }
0xb5: {  	[sflag:s10] =	ssyncadd.s32 $0xFFFFF800  }
0xb6: {  	_ =	swait.ge [sflag:s10], $0x800  }
0xb7: {  	[sflag:s10] =	ssyncset.done $0x0  }
0xb8: {  	[sflag:s10] =	ssyncadd.s32 $0xFFFFF800  }
0xb9: {  	_ =	swait.ge [sflag:s10], $0x800  }
0xba: {  	[sflag:s10] =	ssyncset.done $0x0  }
0xbb: {  	[sflag:s10] =	ssyncadd.s32 $0xFFFFF800  }
0xbc: {  	_ =	swait.ge [sflag:s10], $0x800  }
0xbd: {  	[sflag:s10] =	ssyncset.done $0x0  }
0xbe: {  	[sflag:s10] =	ssyncadd.s32 $0xFFFFF800  }
0xbf: {  	[spmem:s1] =	stream.indirect.scatter.add.f32 [tilespmem:s26], [sflag:$0x2], $0x8, s21, s25, $0xb8;
	[tilespmem:$0x1D6A0] =	vst v63  }
0xc0: {  	_ = 	snop  }
0xc1: {  	[spmem:s1] =	stream.indirect.scatter.add.f32 [tilespmem:s29], [sflag:$0x2], $0x8, s11, s25, $0xb8;
	[tilespmem:$0x1D6A0] =	vst v63  }
0xc2: {  	_ = 	snop  }
0xc3: {  	[spmem:s1] =	stream.indirect.scatter.add.f32 [tilespmem:s31], [sflag:$0x2], $0x8, s12, s25, $0xb8;
	[tilespmem:$0x1D6A0] =	vst v63  }
0xc4: {  	_ = 	snop  }
0xc5: {  	[spmem:s1] =	stream.indirect.scatter.add.f32 [tilespmem:s9], [sflag:$0x2], $0x8, s13, s25, $0xb8;
	[tilespmem:$0x1D6A0] =	vst v63  }
0xc6: {  	_ =	swait.ge [sflag:s24], $0x400  }
0xc7: {  	[sflag:s24] =	ssyncset.done $0x0  }
0xc8: {  	[sflag:s24] =	ssyncadd.s32 $0xFFFFFC00  }
0xc9: {  	_ =	swait.ge [sflag:s24], $0x400  }
0xca: {  	[sflag:s24] =	ssyncset.done $0x0  }
0xcb: {  	[sflag:s24] =	ssyncadd.s32 $0xFFFFFC00  }
0xcc: {  	[tilespmem:s14], [sflag:$0x1] =	stream.indirect.gather [hbm4b:s4+s25], $0x8, s22, s25, $0xb8;
	[tilespmem:$0x1D6A0] =	vst v63  }
0xcd: {  	s7 =	rddreg [dreg:$0x6]  }
0xce: {  	[tilespmem:s15], [sflag:$0x1] =	stream.indirect.gather [hbm4b:s4+s25], $0x8, s7, s25, $0xb8;
	[tilespmem:$0x1D6A0] =	vst v63  }
0xcf: {  	s8 =	rddreg [dreg:$0x7]  }
0xd0: {  	[tilespmem:s16], [sflag:$0x1] =	stream.indirect.gather [hbm4b:s4+s25], $0x8, s8, s25, $0xb8;
	[tilespmem:$0x1D6A0] =	vst v63  }
0xd1: {  	s19 =	rddreg [dreg:$0x8]  }
0xd2: {  	[tilespmem:s17], [sflag:$0x1] =	stream.indirect.gather [hbm4b:s4+s25], $0x8, s19, s25, $0xb8;
	[tilespmem:$0x1D6A0] =	vst v63  }
0xd3: {  	_ =	swait.ge [sflag:s10], $0x800  }
0xd4: {  	[sflag:s10] =	ssyncset.done $0x0  }
0xd5: {  	[sflag:s10] =	ssyncadd.s32 $0xFFFFF800  }
0xd6: {  	_ =	swait.ge [sflag:s10], $0x800  }
0xd7: {  	[sflag:s10] =	ssyncset.done $0x0  }
0xd8: {  	[sflag:s10] =	ssyncadd.s32 $0xFFFFF800  }
0xd9: {  	_ =	swait.ge [sflag:s10], $0x800  }
0xda: {  	[sflag:s10] =	ssyncset.done $0x0  }
0xdb: {  	[sflag:s10] =	ssyncadd.s32 $0xFFFFF800  }
0xdc: {  	_ =	swait.ge [sflag:s10], $0x800  }
0xdd: {  	[sflag:s10] =	ssyncset.done $0x0  }
0xde: {  	[sflag:s10] =	ssyncadd.s32 $0xFFFFF800  }
0xdf: {  	_ =	swait.ge [sflag:s18], $0x800  }
0xe0: {  	[sflag:s18] =	ssyncset.done $0x0  }
0xe1: {  	[sflag:s18] =	ssyncadd.s32 $0xFFFFF800  }
0xe2: {  	_ =	swait.ge [sflag:s18], $0x800  }
0xe3: {  	[sflag:s18] =	ssyncset.done $0x0  }
0xe4: {  	[sflag:s18] =	ssyncadd.s32 $0xFFFFF800  }
0xe5: {  	_ =	swait.ge [sflag:s18], $0x800  }
0xe6: {  	[sflag:s18] =	ssyncset.done $0x0  }
0xe7: {  	[sflag:s18] =	ssyncadd.s32 $0xFFFFF800  }
0xe8: {  	_ =	swait.ge [sflag:s18], $0x800  }
0xe9: {  	[sflag:s18] =	ssyncset.done $0x0  }
0xea: {  	[sflag:s18] =	ssyncadd.s32 $0xFFFFF800  }
0xeb: {  	[spmem:s1] =	stream.indirect.scatter.add.f32 [tilespmem:s14], [sflag:$0x2], $0x8, s23, s25, $0xb8;
	[tilespmem:$0x1D6A0] =	vst v63  }
0xec: {  	s7 =	rddreg [dreg:$0x9]  }
0xed: {  	[spmem:s1] =	stream.indirect.scatter.add.f32 [tilespmem:s15], [sflag:$0x2], $0x8, s7, s25, $0xb8;
	[tilespmem:$0x1D6A0] =	vst v63  }
0xee: {  	s8 =	rddreg [dreg:$0xa]  }
0xef: {  	[spmem:s1] =	stream.indirect.scatter.add.f32 [tilespmem:s16], [sflag:$0x2], $0x8, s8, s25, $0xb8;
	[tilespmem:$0x1D6A0] =	vst v63  }
0xf0: {  	s19 =	rddreg [dreg:$0xb]  }
0xf1: {  	[spmem:s1] =	stream.indirect.scatter.add.f32 [tilespmem:s17], [sflag:$0x2], $0x8, s19, s25, $0xb8;
	[tilespmem:$0x1D6A0] =	vst v63  }
0xf2: {  	_ =	swait.ge [sflag:s18], $0x800  }
0xf3: {  	[sflag:s18] =	ssyncset.done $0x0  }
0xf4: {  	[sflag:s18] =	ssyncadd.s32 $0xFFFFF800  }
0xf5: {  	_ =	swait.ge [sflag:s18], $0x800  }
0xf6: {  	[sflag:s18] =	ssyncset.done $0x0  }
0xf7: {  	p6 =	sne.s32 s5, $0x6000;
	[sflag:s18] =	ssyncadd.s32 $0xFFFFF800  }
.Ltmp0:
0xf8: {  	_ =	swait.ge [sflag:s18], $0x800;
	(pc) =	sbr.rel @p6 .LBB2_2-.Ltmp0, $4  }
0xf9: {  	[sflag:s18] =	ssyncset.done $0x0  }
0xfa: {  	[sflag:s18] =	ssyncadd.s32 $0xFFFFF800  }
0xfb: {  	s6 =	smov.u32 s5;
	s5 =	sadd.s32 $0x100, s5;
	_ =	swait.ge [sflag:s18], $0x800  }
0xfc: {  	s2 =	smov.u32 s6;
	s7 =	rddreg [dreg:$0x5];
	[sflag:s18] =	ssyncset.done $0x0  }
0xfd: {  	s5 =	rddreg [dreg:$0x4];
	[sflag:s18] =	ssyncadd.s32 $0xFFFFF800;
	s6 =	sadd.s32 s2, s7  }
0xfe: {  	[tilespmem:s20], [sflag:$0x3] =	stream.linear.gather [hbm4b:s6+s3], $0x400, $0x38;
	[tilespmem:$0x1D6A0] =	vst v63  }
0xff: {  	s19 =	sadd.s32 s2, s5  }
0x100: {  	[tilespmem:s21], [sflag:$0x3] =	stream.linear.gather [hbm4b:s19+s3], $0x400, $0x38;
	[tilespmem:$0x1D6A0] =	vst v63  }
0x101: {  	s6 =	sadd.s32 $0x80, s6  }
0x102: {  	[tilespmem:s22], [sflag:$0x3] =	stream.linear.gather [hbm4b:s6+s3], $0x400, $0x38;
	[tilespmem:$0x1D6A0] =	vst v63  }
0x103: {  	s2 =	sadd.s32 $0x80, s19  }
0x104: {  	[tilespmem:s23], [sflag:$0x3] =	stream.linear.gather [hbm4b:s2+s3], $0x400, $0x38;
	[tilespmem:$0x1D6A0] =	vst v63  }
0x105: {  	_ =	swait.ge [sflag:s24], $0x400  }
0x106: {  	[sflag:s24] =	ssyncset.done $0x0  }
0x107: {  	[sflag:s24] =	ssyncadd.s32 $0xFFFFFC00  }
0x108: {  	_ =	swait.ge [sflag:s24], $0x400  }
0x109: {  	[sflag:s24] =	ssyncset.done $0x0  }
0x10a: {  	[sflag:s24] =	ssyncadd.s32 $0xFFFFFC00  }
0x10b: {  	[tilespmem:s26], [sflag:$0x1] =	stream.indirect.gather [hbm4b:s4+s25], $0x8, s20, s25, $0xb8;
	[tilespmem:$0x1D6A0] =	vst v63  }
0x10c: {  	_ = 	snop  }
0x10d: {  	[tilespmem:s29], [sflag:$0x1] =	stream.indirect.gather [hbm4b:s4+s25], $0x8, s28, s25, $0xb8;
	[tilespmem:$0x1D6A0] =	vst v63  }
0x10e: {  	_ = 	snop  }
0x10f: {  	[tilespmem:s31], [sflag:$0x1] =	stream.indirect.gather [hbm4b:s4+s25], $0x8, s30, s25, $0xb8;
	[tilespmem:$0x1D6A0] =	vst v63  }
0x110: {  	_ = 	snop  }
0x111: {  	[tilespmem:s9], [sflag:$0x1] =	stream.indirect.gather [hbm4b:s4+s25], $0x8, s0, s25, $0xb8;
	[tilespmem:$0x1D6A0] =	vst v63  }
0x112: {  	_ =	swait.ge [sflag:s10], $0x800  }
0x113: {  	[sflag:s10] =	ssyncset.done $0x0  }
0x114: {  	[sflag:s10] =	ssyncadd.s32 $0xFFFFF800  }
0x115: {  	_ =	swait.ge [sflag:s10], $0x800  }
0x116: {  	[sflag:s10] =	ssyncset.done $0x0  }
0x117: {  	[sflag:s10] =	ssyncadd.s32 $0xFFFFF800  }
0x118: {  	_ =	swait.ge [sflag:s10], $0x800  }
0x119: {  	[sflag:s10] =	ssyncset.done $0x0  }
0x11a: {  	[sflag:s10] =	ssyncadd.s32 $0xFFFFF800  }
0x11b: {  	_ =	swait.ge [sflag:s10], $0x800  }
0x11c: {  	[sflag:s10] =	ssyncset.done $0x0  }
0x11d: {  	[sflag:s10] =	ssyncadd.s32 $0xFFFFF800  }
0x11e: {  	[spmem:s1] =	stream.indirect.scatter.add.f32 [tilespmem:s26], [sflag:$0x2], $0x8, s21, s25, $0xb8;
	[tilespmem:$0x1D6A0] =	vst v63  }
0x11f: {  	_ = 	snop  }
0x120: {  	[spmem:s1] =	stream.indirect.scatter.add.f32 [tilespmem:s29], [sflag:$0x2], $0x8, s11, s25, $0xb8;
	[tilespmem:$0x1D6A0] =	vst v63  }
0x121: {  	_ = 	snop  }
0x122: {  	[spmem:s1] =	stream.indirect.scatter.add.f32 [tilespmem:s31], [sflag:$0x2], $0x8, s12, s25, $0xb8;
	[tilespmem:$0x1D6A0] =	vst v63  }
0x123: {  	_ = 	snop  }
0x124: {  	[spmem:s1] =	stream.indirect.scatter.add.f32 [tilespmem:s9], [sflag:$0x2], $0x8, s13, s25, $0xb8;
	[tilespmem:$0x1D6A0] =	vst v63  }
0x125: {  	_ =	swait.ge [sflag:s24], $0x400  }
0x126: {  	[sflag:s24] =	ssyncset.done $0x0  }
0x127: {  	[sflag:s24] =	ssyncadd.s32 $0xFFFFFC00  }
0x128: {  	_ =	swait.ge [sflag:s24], $0x400  }
0x129: {  	[sflag:s24] =	ssyncset.done $0x0  }
0x12a: {  	[sflag:s24] =	ssyncadd.s32 $0xFFFFFC00  }
0x12b: {  	[tilespmem:s14], [sflag:$0x1] =	stream.indirect.gather [hbm4b:s4+s25], $0x8, s22, s25, $0xb8;
	[tilespmem:$0x1D6A0] =	vst v63  }
0x12c: {  	s7 =	rddreg [dreg:$0x6]  }
0x12d: {  	[tilespmem:s15], [sflag:$0x1] =	stream.indirect.gather [hbm4b:s4+s25], $0x8, s7, s25, $0xb8;
	[tilespmem:$0x1D6A0] =	vst v63  }
0x12e: {  	s8 =	rddreg [dreg:$0x7]  }
0x12f: {  	[tilespmem:s16], [sflag:$0x1] =	stream.indirect.gather [hbm4b:s4+s25], $0x8, s8, s25, $0xb8;
	[tilespmem:$0x1D6A0] =	vst v63  }
0x130: {  	s19 =	rddreg [dreg:$0x8]  }
0x131: {  	[tilespmem:s17], [sflag:$0x1] =	stream.indirect.gather [hbm4b:s4+s25], $0x8, s19, s25, $0xb8;
	[tilespmem:$0x1D6A0] =	vst v63  }
0x132: {  	_ =	swait.ge [sflag:s10], $0x800  }
0x133: {  	[sflag:s10] =	ssyncset.done $0x0  }
0x134: {  	[sflag:s10] =	ssyncadd.s32 $0xFFFFF800  }
0x135: {  	_ =	swait.ge [sflag:s10], $0x800  }
0x136: {  	[sflag:s10] =	ssyncset.done $0x0  }
0x137: {  	[sflag:s10] =	ssyncadd.s32 $0xFFFFF800  }
0x138: {  	_ =	swait.ge [sflag:s10], $0x800  }
0x139: {  	[sflag:s10] =	ssyncset.done $0x0  }
0x13a: {  	[sflag:s10] =	ssyncadd.s32 $0xFFFFF800  }
0x13b: {  	_ =	swait.ge [sflag:s10], $0x800  }
0x13c: {  	[sflag:s10] =	ssyncset.done $0x0  }
0x13d: {  	[sflag:s10] =	ssyncadd.s32 $0xFFFFF800  }
0x13e: {  	_ =	swait.ge [sflag:s18], $0x800  }
0x13f: {  	[sflag:s18] =	ssyncset.done $0x0  }
0x140: {  	[sflag:s18] =	ssyncadd.s32 $0xFFFFF800  }
0x141: {  	_ =	swait.ge [sflag:s18], $0x800  }
0x142: {  	[sflag:s18] =	ssyncset.done $0x0  }
0x143: {  	[sflag:s18] =	ssyncadd.s32 $0xFFFFF800  }
0x144: {  	_ =	swait.ge [sflag:s18], $0x800  }
0x145: {  	[sflag:s18] =	ssyncset.done $0x0  }
0x146: {  	[sflag:s18] =	ssyncadd.s32 $0xFFFFF800  }
0x147: {  	_ =	swait.ge [sflag:s18], $0x800  }
0x148: {  	[sflag:s18] =	ssyncset.done $0x0  }
0x149: {  	[sflag:s18] =	ssyncadd.s32 $0xFFFFF800  }
0x14a: {  	[spmem:s1] =	stream.indirect.scatter.add.f32 [tilespmem:s14], [sflag:$0x2], $0x8, s23, s25, $0xb8;
	[tilespmem:$0x1D6A0] =	vst v63  }
0x14b: {  	s5 =	rddreg [dreg:$0x9]  }
0x14c: {  	[spmem:s1] =	stream.indirect.scatter.add.f32 [tilespmem:s15], [sflag:$0x2], $0x8, s5, s25, $0xb8;
	[tilespmem:$0x1D6A0] =	vst v63  }
0x14d: {  	s6 =	rddreg [dreg:$0xa]  }
0x14e: {  	[spmem:s1] =	stream.indirect.scatter.add.f32 [tilespmem:s16], [sflag:$0x2], $0x8, s6, s25, $0xb8;
	[tilespmem:$0x1D6A0] =	vst v63  }
0x14f: {  	s7 =	rddreg [dreg:$0xb]  }
0x150: {  	[spmem:s1] =	stream.indirect.scatter.add.f32 [tilespmem:s17], [sflag:$0x2], $0x8, s7, s25, $0xb8;
	[tilespmem:$0x1D6A0] =	vst v63  }
0x151: {  	_ =	swait.ge [sflag:s18], $0x800  }
0x152: {  	[sflag:s18] =	ssyncset.done $0x0  }
0x153: {  	[sflag:s18] =	ssyncadd.s32 $0xFFFFF800  }
0x154: {  	_ =	swait.ge [sflag:s18], $0x800  }
0x155: {  	[sflag:s18] =	ssyncset.done $0x0  }
0x156: {  	[sflag:s18] =	ssyncadd.s32 $0xFFFFF800  }
0x157: {  	_ =	swait.ge [sflag:s18], $0x800  }
0x158: {  	[sflag:s18] =	ssyncset.done $0x0  }
0x159: {  	[sflag:s18] =	ssyncadd.s32 $0xFFFFF800  }
0x15a: {  	_ =	swait.ge [sflag:s18], $0x800  }
0x15b: {  	[sflag:s18] =	ssyncset.done $0x0  }
0x15c: {  	s8 =	rddreg [dreg:$0x10];
	[sflag:s18] =	ssyncadd.s32 $0xFFFFF800  }
0x15d: {  	[tilespmem:s20], [sflag:$0x3] =	stream.linear.gather [hbm4b:s8+s3], $0x400, $0x38;
	[tilespmem:$0x1D6A0] =	vst v63  }
0x15e: {  	s19 =	rddreg [dreg:$0x11]  }
0x15f: {  	[tilespmem:s21], [sflag:$0x3] =	stream.linear.gather [hbm4b:s19+s3], $0x400, $0x38;
	[tilespmem:$0x1D6A0] =	vst v63  }
0x160: {  	_ =	swait.ge [sflag:s24], $0x400  }
0x161: {  	[sflag:s24] =	ssyncset.done $0x0  }
0x162: {  	[sflag:s24] =	ssyncadd.s32 $0xFFFFFC00  }
0x163: {  	_ =	swait.ge [sflag:s24], $0x400  }
0x164: {  	[sflag:s24] =	ssyncset.done $0x0  }
0x165: {  	[sflag:s24] =	ssyncadd.s32 $0xFFFFFC00  }
0x166: {  	[tilespmem:s26], [sflag:$0x1] =	stream.indirect.gather [hbm4b:s4+s25], $0x8, s20, s25, $0xb8;
	[tilespmem:$0x1D6A0] =	vst v63  }
0x167: {  	_ = 	snop  }
0x168: {  	[tilespmem:s29], [sflag:$0x1] =	stream.indirect.gather [hbm4b:s4+s25], $0x8, s28, s25, $0xb8;
	[tilespmem:$0x1D6A0] =	vst v63  }
0x169: {  	_ = 	snop  }
0x16a: {  	[tilespmem:s31], [sflag:$0x1] =	stream.indirect.gather [hbm4b:s4+s25], $0x8, s30, s25, $0xb8;
	[tilespmem:$0x1D6A0] =	vst v63  }
0x16b: {  	_ = 	snop  }
0x16c: {  	[tilespmem:s9], [sflag:$0x1] =	stream.indirect.gather [hbm4b:s4+s25], $0x8, s0, s25, $0xb8;
	[tilespmem:$0x1D6A0] =	vst v63  }
0x16d: {  	_ =	swait.ge [sflag:s10], $0x800  }
0x16e: {  	[sflag:s10] =	ssyncset.done $0x0  }
0x16f: {  	[sflag:s10] =	ssyncadd.s32 $0xFFFFF800  }
0x170: {  	_ =	swait.ge [sflag:s10], $0x800  }
0x171: {  	[sflag:s10] =	ssyncset.done $0x0  }
0x172: {  	[sflag:s10] =	ssyncadd.s32 $0xFFFFF800  }
0x173: {  	_ =	swait.ge [sflag:s10], $0x800  }
0x174: {  	[sflag:s10] =	ssyncset.done $0x0  }
0x175: {  	[sflag:s10] =	ssyncadd.s32 $0xFFFFF800  }
0x176: {  	_ =	swait.ge [sflag:s10], $0x800  }
0x177: {  	[sflag:s10] =	ssyncset.done $0x0  }
0x178: {  	[sflag:s10] =	ssyncadd.s32 $0xFFFFF800  }
0x179: {  	[spmem:s1] =	stream.indirect.scatter.add.f32 [tilespmem:s26], [sflag:$0x2], $0x8, s21, s25, $0xb8;
	[tilespmem:$0x1D6A0] =	vst v63  }
0x17a: {  	_ = 	snop  }
0x17b: {  	[spmem:s1] =	stream.indirect.scatter.add.f32 [tilespmem:s29], [sflag:$0x2], $0x8, s11, s25, $0xb8;
	[tilespmem:$0x1D6A0] =	vst v63  }
0x17c: {  	_ = 	snop  }
0x17d: {  	[spmem:s1] =	stream.indirect.scatter.add.f32 [tilespmem:s31], [sflag:$0x2], $0x8, s12, s25, $0xb8;
	[tilespmem:$0x1D6A0] =	vst v63  }
0x17e: {  	_ = 	snop  }
0x17f: {  	[spmem:s1] =	stream.indirect.scatter.add.f32 [tilespmem:s9], [sflag:$0x2], $0x8, s13, s25, $0xb8;
	[tilespmem:$0x1D6A0] =	vst v63  }
0x180: {  	_ =	swait.ge [sflag:s18], $0x800  }
0x181: {  	[sflag:s18] =	ssyncset.done $0x0  }
0x182: {  	[sflag:s18] =	ssyncadd.s32 $0xFFFFF800  }
0x183: {  	_ =	swait.ge [sflag:s18], $0x800  }
0x184: {  	[sflag:s18] =	ssyncset.done $0x0  }
0x185: {  	[sflag:s18] =	ssyncadd.s32 $0xFFFFF800  }
0x186: {  	_ =	swait.ge [sflag:s18], $0x800  }
0x187: {  	[sflag:s18] =	ssyncset.done $0x0  }
0x188: {  	[sflag:s18] =	ssyncadd.s32 $0xFFFFF800  }
0x189: {  	_ =	swait.ge [sflag:s18], $0x800  }
0x18a: {  	s2 =	simm.s32 @!p1 $0x0;
	[sflag:s18] =	ssyncset.done $0x0  }
0x18b: {  	s5 =	simm.s32 @!p1 $0x186A0;
	s6 =	rddreg [dreg:$0x12];
	[sflag:s18] =	ssyncadd.s32 $0xFFFFF800  }
0x18c: {  	[tilespmem:s5], [sflag:$0x3] =	stream.linear.gather @!p1 [hbm4b:s6+s2], $0x400, $0x38;
	[tilespmem:$0x1D6A0] =	vst v63  }
0x18d: {  	s7 =	simm.s32 @!p1 $0x18EA0;
	s6 =	rddreg [dreg:$0x13]  }
0x18e: {  	[tilespmem:s7], [sflag:$0x3] =	stream.linear.gather @!p1 [hbm4b:s6+s2], $0x400, $0x38;
	[tilespmem:$0x1D6A0] =	vst v63  }
0x18f: {  	s2 =	simm.s32 @!p1 $0x3  }
0x190: {  	_ =	swait.ge @!p1 [sflag:s2], $0x400  }
0x191: {  	[sflag:s2] =	ssyncset.done @!p1 $0x0  }
0x192: {  	[sflag:s2] =	ssyncadd.s32 @!p1 $0xFFFFFC00  }
0x193: {  	_ =	swait.ge @!p1 [sflag:s2], $0x400  }
0x194: {  	[sflag:s2] =	ssyncset.done @!p1 $0x0  }
0x195: {  	s7 =	simm.s32 @!p1 $0x196A0;
	[sflag:s2] =	ssyncadd.s32 @!p1 $0xFFFFFC00;
	s2 =	simm.s32 @!p1 $0x100  }
0x196: {  	[tilespmem:s7], [sflag:$0x1] =	stream.indirect.gather @!p1 [hbm4b:s4+s2], $0x8, s5, s2, $0xb8;
	[tilespmem:$0x1D6A0] =	vst v63  }
0x197: {  	s8 =	simm.s32 @!p1 $0x19EA0;
	s5 =	simm.s32 @!p1 $0x187A0  }
0x198: {  	[tilespmem:s8], [sflag:$0x1] =	stream.indirect.gather @!p1 [hbm4b:s4+s2], $0x8, s5, s2, $0xb8;
	[tilespmem:$0x1D6A0] =	vst v63  }
0x199: {  	s19 =	simm.s32 @!p1 $0x1A6A0;
	s5 =	simm.s32 @!p1 $0x188A0  }
0x19a: {  	[tilespmem:s19], [sflag:$0x1] =	stream.indirect.gather @!p1 [hbm4b:s4+s2], $0x8, s5, s2, $0xb8;
	[tilespmem:$0x1D6A0] =	vst v63  }
0x19b: {  	s6 =	simm.s32 @!p1 $0x1AEA0;
	s5 =	simm.s32 @!p1 $0x189A0  }
0x19c: {  	[tilespmem:s6], [sflag:$0x1] =	stream.indirect.gather @!p1 [hbm4b:s4+s2], $0x8, s5, s2, $0xb8;
	[tilespmem:$0x1D6A0] =	vst v63  }
0x19d: {  	s5 =	simm.s32 @!p1 $0x1  }
0x19e: {  	_ =	swait.ge @!p1 [sflag:s5], $0x800  }
0x19f: {  	[sflag:s5] =	ssyncset.done @!p1 $0x0  }
0x1a0: {  	[sflag:s5] =	ssyncadd.s32 @!p1 $0xFFFFF800  }
0x1a1: {  	_ =	swait.ge @!p1 [sflag:s5], $0x800  }
0x1a2: {  	[sflag:s5] =	ssyncset.done @!p1 $0x0  }
0x1a3: {  	[sflag:s5] =	ssyncadd.s32 @!p1 $0xFFFFF800  }
0x1a4: {  	_ =	swait.ge @!p1 [sflag:s5], $0x800  }
0x1a5: {  	[sflag:s5] =	ssyncset.done @!p1 $0x0  }
0x1a6: {  	[sflag:s5] =	ssyncadd.s32 @!p1 $0xFFFFF800  }
0x1a7: {  	_ =	swait.ge @!p1 [sflag:s5], $0x800  }
0x1a8: {  	[sflag:s5] =	ssyncset.done @!p1 $0x0  }
0x1a9: {  	[sflag:s5] =	ssyncadd.s32 @!p1 $0xFFFFF800;
	s5 =	simm.s32 @!p1 $0x18EA0  }
0x1aa: {  	[spmem:s1] =	stream.indirect.scatter.add.f32 @!p1 [tilespmem:s7], [sflag:$0x2], $0x8, s5, s2, $0xb8;
	[tilespmem:$0x1D6A0] =	vst v63  }
0x1ab: {  	s5 =	simm.s32 @!p1 $0x18FA0  }
0x1ac: {  	[spmem:s1] =	stream.indirect.scatter.add.f32 @!p1 [tilespmem:s8], [sflag:$0x2], $0x8, s5, s2, $0xb8;
	[tilespmem:$0x1D6A0] =	vst v63  }
0x1ad: {  	s5 =	simm.s32 @!p1 $0x190A0  }
0x1ae: {  	[spmem:s1] =	stream.indirect.scatter.add.f32 @!p1 [tilespmem:s19], [sflag:$0x2], $0x8, s5, s2, $0xb8;
	[tilespmem:$0x1D6A0] =	vst v63  }
0x1af: {  	s5 =	simm.s32 @!p1 $0x191A0  }
0x1b0: {  	[spmem:s1] =	stream.indirect.scatter.add.f32 @!p1 [tilespmem:s6], [sflag:$0x2], $0x8, s5, s2, $0xb8;
	[tilespmem:$0x1D6A0] =	vst v63  }
0x1b1: {  	s2 =	simm.s32 @!p1 $0x2  }
0x1b2: {  	_ =	swait.ge @!p1 [sflag:s2], $0x800  }
0x1b3: {  	[sflag:s2] =	ssyncset.done @!p1 $0x0  }
0x1b4: {  	[sflag:s2] =	ssyncadd.s32 @!p1 $0xFFFFF800  }
0x1b5: {  	_ =	swait.ge @!p1 [sflag:s2], $0x800  }
0x1b6: {  	[sflag:s2] =	ssyncset.done @!p1 $0x0  }
0x1b7: {  	[sflag:s2] =	ssyncadd.s32 @!p1 $0xFFFFF800  }
0x1b8: {  	_ =	swait.ge @!p1 [sflag:s2], $0x800  }
0x1b9: {  	[sflag:s2] =	ssyncset.done @!p1 $0x0  }
0x1ba: {  	[sflag:s2] =	ssyncadd.s32 @!p1 $0xFFFFF800  }
0x1bb: {  	_ =	swait.ge @!p1 [sflag:s2], $0x800  }
0x1bc: {  	[sflag:s2] =	ssyncset.done @!p1 $0x0  }
0x1bd: {  	[sflag:s2] =	ssyncadd.s32 @!p1 $0xFFFFF800  }
0x1be: {  	[bflag:$0x0] =	sbarrier.arrive $0xFFFF  }
0x1bf: {  	s7 =	rddreg [dreg:$0xf]  }
0x1c0: {  	s5 =	simm.s32 @!p2 $0x1FC4;
	s6 =	rddreg [dreg:$0x17];
	s2 =	sshrl.u32 @!p2 s7, $0x3  }
0x1c1: {  	[hbm:s6], [sflag:s5] =	dma.local @!p2 [spmem:s2], $0x1810  }
0x1c2: {  	s2 =	simm.s32 @!p2 $0x4  }
0x1c3: {  	_ =	swait.ge @!p2 [sflag:s2], $0x1810  }
0x1c4: {  	s19 =	stileid.u32;
	s8 =	rddreg [dreg:$0xd]  }
0x1c5: {  	s5 =	sshll.u32 @!p3 s19, $0x6;
	[sflag:s2] =	ssyncset.done @!p2 $0x0;
	s6 =	rddreg [dreg:$0x16]  }
0x1c6: {  	[sflag:s2] =	ssyncadd.s32 @!p2 $0xFFFFE7F0;
	s2 =	sor.u32 @!p3 $0x1C04, s5;
	s5 =	sshrl.u32 @!p3 s8, $0x3  }
0x1c7: {  	[hbm:s6], [sflag:s2] =	dma.local @!p3 [spmem:s5], $0x1870  }
0x1c8: {  	s2 =	simm.s32 @!p3 $0x4  }
0x1c9: {  	_ =	swait.ge @!p3 [sflag:s2], $0x1870  }
0x1ca: {  	s5 =	simm.s32 @!p4 $0x1FC4;
	[sflag:s2] =	ssyncset.done @!p3 $0x0  }
0x1cb: {  	s6 =	rddreg [dreg:$0x15];
	[sflag:s2] =	ssyncadd.s32 @!p3 $0xFFFFE790;
	s2 =	sshrl.u32 @!p4 s7, $0x3  }
0x1cc: {  	[hbm:s6], [sflag:s5] =	dma.local @!p4 [spmem:s2], $0x1810  }
0x1cd: {  	s2 =	simm.s32 @!p4 $0x4  }
0x1ce: {  	_ =	swait.ge @!p4 [sflag:s2], $0x1810  }
0x1cf: {  	s5 =	sshll.u32 @!p5 s19, $0x6;
	[sflag:s2] =	ssyncset.done @!p4 $0x0;
	s6 =	rddreg [dreg:$0x14]  }
0x1d0: {  	[sflag:s2] =	ssyncadd.s32 @!p4 $0xFFFFE7F0;
	s2 =	sor.u32 @!p5 $0x1C04, s5;
	s5 =	sshrl.u32 @!p5 s8, $0x3  }
0x1d1: {  	[hbm:s6], [sflag:s2] =	dma.local @!p5 [spmem:s5], $0x1870  }
0x1d2: {  	s2 =	simm.s32 @!p5 $0x4  }
0x1d3: {  	_ =	swait.ge @!p5 [sflag:s2], $0x1870  }
0x1d4: {  	s5 =	rddreg [dreg:$0x1b]  }
0x1d5: {  	s6 =	sadd.s32 $0x1, s5;
	s5 =	rddreg [dreg:$0x18]  }
0x1d6: {  	p6 =	sne.s32 s6, s5  }
.Ltmp1:
0x1d7: {  	_ = 	snop;
	(pc) =	sbr.rel @p6 .LBB2_1-.Ltmp1, $3  }
0x1d8: {  	_ =	sdelay $0x1  }
0x1d9: {  	[sflag:s2] =	ssyncset.done @!p5 $0x0  }
0x1da: {  	[sflag:s2] =	ssyncadd.s32 @!p5 $0xFFFFE790  }
0x1db: {  	_ =	sfence.sel $0x180000  }
0x1dc: {  	[bflag:$0x0] =	sbarrier.arrive $0xFFFF  }
0x1dd: {  	_ =	strace $0x90000047  }
0x1de: {  	[bflag:$0x2] =	sbarrier.arrive $0xFFFF  }
0x1df: {  	p0 =	sne.s32 s19, $0x0;
	s0 =	rddreg [dreg:$0x3]  }
0x1e0: {  	s0 =	sadd.s32 @!p0 $0x100000, s0  }
0x1e1: {  	[sflag:s0] =	ssyncadd.tile.s32 @!p0 $0x1;
	_ =	shalt  }
.Lfunc_end2:
_tile_overlayer_lowered:
.L_overlay_start_2:
0x1e2: {  	(tag) =	ssettag $0x2  }
0x1e3: {  	s0 =	rddreg [dreg:$0x0];
	s2 =	stileid.u32  }
0x1e4: {  	s1 =	rddreg [dreg:$0x1];
	p0 =	sne.s32 s2, $0x0  }
0x1e5: {  	s3 =	rddreg [dreg:$0x2];
	[bflag:$0x3] =	sbarrier.arrive $0xFFFF;
	s2 =	simm.s32 @!p0 $0x1C04  }
0x1e6: {  	[timem:s3], [sflag:s2] =	dma.local @!p0 [hbm:s0], s1  }
0x1e7: {  	s0 =	simm.s32 @!p0 $0x4  }
0x1e8: {  	_ =	swait.ge @!p0 [sflag:s0], s1  }
0x1e9: {  	s1 =	ssub.s32 @!p0 $0x0, s1;
	[sflag:s0] =	ssyncset.done @!p0 $0x0  }
0x1ea: {  	[sflag:s0] =	ssyncadd.s32 @!p0 s1  }
0x1eb: {  	[bflag:$0x3] =	sbarrier.arrive $0xFFFF  }
0x1ec: {  	_ =	shalt  }

</sc_bundles>
